<compile_context>
chip_gen: v7x
topology: tpu7x:2x2x1
jax: 0.10.2.dev20260603
libtpu: 0.0.44.dev20260713+nightly
codegen_flags: <defaults>
</compile_context>

<pallas_src>
import jax
import jax.numpy as jnp
from jax import lax
from jax.experimental import pallas as pl
from jax.experimental.pallas import tpu as pltpu
from jax.experimental.pallas import tpu_sc as plsc

_B, _N, _D = 4, 256, 256
_H = 1024
_ROWS = _B * _H
_BLK = 512

_SC_ROWS = 1536
_TC_STEPS = (_ROWS - _SC_ROWS) // _BLK
_SC_OFF = _SC_ROWS // _BLK

_NW = 32
_SC_RPW = _SC_ROWS // _NW
_CHR = 24
_NCH = _SC_RPW // _CHR



def _sc_body(d1o_hbm, d1_hbm, d2o_hbm, d2_hbm, out_hbm,
             a0, a1, b0, b1, accv, sems):
    wid = lax.axis_index("s") * 2 + lax.axis_index("c")
    r0 = wid * _SC_RPW
    abufs = (a0, a1)
    bbufs = (b0, b1)

    def chunk_sum(abuf, bbuf, accs):
        def step(c, accs):
            col = pl.ds(c * 16, 16)
            accs = list(accs)
            for r in range(_CHR):
                d = abuf[r, col] - bbuf[r, col]
                accs[r % 4] = accs[r % 4] + d * d
            return tuple(accs)
        return lax.fori_loop(0, _H // 16, step, accs)

    accs = tuple(jnp.zeros((16,), jnp.float32) for _ in range(4))
    pairs = ((d1o_hbm, d1_hbm), (d2o_hbm, d2_hbm))

    def start(j):
        p, i = divmod(j, _NCH)
        o_hbm, r_hbm = pairs[p]
        sl = pl.ds(r0 + i * _CHR, _CHR)
        k = j % 2
        ca = pltpu.async_copy(o_hbm.at[sl], abufs[k], sems.at[k])
        cb = pltpu.async_copy(r_hbm.at[sl], bbufs[k], sems.at[2 + k])
        return (ca, cb)

    chunks = list(range(2 * _NCH))
    copies = [None, None]
    copies[0] = start(0)
    for j in chunks:
        if j + 1 < len(chunks):
            copies[(j + 1) % 2] = start(j + 1)
        ca, cb = copies[j % 2]
        ca.wait()
        cb.wait()
        accs = chunk_sum(abufs[j % 2], bbufs[j % 2], accs)

    acc = (accs[0] + accs[1]) + (accs[2] + accs[3])
    accv[...] = acc
    pltpu.sync_copy(accv, out_hbm.at[wid])


def _sc_partials(d1o, d1, d2o, d2):
    mesh = plsc.VectorSubcoreMesh(core_axis_name="c", subcore_axis_name="s")
    return pl.kernel(
        _sc_body,
        out_type=jax.ShapeDtypeStruct((_NW, 16), jnp.float32),
        mesh=mesh,
        scratch_types=[
            pltpu.VMEM((_CHR, _H), jnp.float32),
            pltpu.VMEM((_CHR, _H), jnp.float32),
            pltpu.VMEM((_CHR, _H), jnp.float32),
            pltpu.VMEM((_CHR, _H), jnp.float32),
            pltpu.VMEM((16,), jnp.float32),
            pltpu.SemaphoreType.DMA((4,)),
        ],
    )(d1o, d1, d2o, d2)



def _tc_body(e1_ref, e2_ref, gt_ref, d1o_ref, d1_ref, d2o_ref, d2_ref,
             out_ref):
    g = pl.program_id(0)

    @pl.when(g == 0)
    def _():
        total = jnp.float32(0.0)
        count = jnp.float32(0.0)
        for b in range(_B):
            e1 = e1_ref[b]
            e2 = e2_ref[b]
            mask = (gt_ref[b] > 0).astype(jnp.float32)
            gram = lax.dot_general(e1, e2, (((1,), (1,)), ((), ())),
                                   preferred_element_type=jnp.float32)
            rc = jnp.sum(mask, axis=1)
            cc = jnp.sum(mask, axis=0)
            sqn1 = jnp.sum(e1 * e1, axis=1)
            sqn2 = jnp.sum(e2 * e2, axis=1)
            k = jnp.sum(mask)
            s = (jnp.sum(rc * sqn1) + jnp.sum(cc * sqn2)
                 - 2.0 * jnp.sum(mask * gram))
            mse = jnp.where(k > 0, s / jnp.maximum(k * jnp.float32(_D), 1.0),
                            jnp.float32(0.0))
            total = total + mse
            count = count + (k > 0).astype(jnp.float32)
        out_ref[0] = total
        out_ref[1] = count
        out_ref[2] = jnp.float32(0.0)

    blk = jnp.sum((d1o_ref[...] - d1_ref[...]) ** 2) \
        + jnp.sum((d2o_ref[...] - d2_ref[...]) ** 2)
    out_ref[2] += blk


def _tc_scalars(depth_emb1, depth_emb2, gt_matches, d1o, d1, d2o, d2):
    emb_spec = pl.BlockSpec((_B, _N, _D), lambda g: (0, 0, 0))
    gt_spec = pl.BlockSpec((_B, _N, _N), lambda g: (0, 0, 0))
    depth_spec = pl.BlockSpec((_BLK, _H), lambda g: (g + _SC_OFF, 0))
    return pl.pallas_call(
        _tc_body,
        grid=(_TC_STEPS,),
        in_specs=[emb_spec, emb_spec, gt_spec,
                  depth_spec, depth_spec, depth_spec, depth_spec],
        out_specs=pl.BlockSpec(memory_space=pltpu.SMEM),
        out_shape=jax.ShapeDtypeStruct((3,), jnp.float32),
    )(depth_emb1, depth_emb2, gt_matches, d1o, d1, d2o, d2)


def _combine_body(epoch_ref, tc_ref, sc_ref, out_ref):
    depth_sum = tc_ref[2] + jnp.sum(sc_ref[...])
    depth = depth_sum * jnp.float32(1.0 / (_H * _H))
    total = tc_ref[0] + jnp.where(epoch_ref[0] < 10, depth, jnp.float32(0.0))
    out_ref[0] = total / tc_ref[1]


def _combine(epoch_arr, tc_out, sc_out):
    return pl.pallas_call(
        _combine_body,
        in_specs=[pl.BlockSpec(memory_space=pltpu.SMEM),
                  pl.BlockSpec(memory_space=pltpu.SMEM),
                  pl.BlockSpec((_NW, 16), lambda: (0, 0))],
        out_specs=pl.BlockSpec(memory_space=pltpu.SMEM),
        out_shape=jax.ShapeDtypeStruct((1,), jnp.float32),
    )(epoch_arr, tc_out, sc_out)


def kernel(final_score, depth_emb1, depth_emb2, depth1_out, depth1,
           depth2_out, depth2, gt_matches, epoch):
    del final_score
    d1o = depth1_out.reshape(_ROWS, _H)
    d1 = depth1.reshape(_ROWS, _H)
    d2o = depth2_out.reshape(_ROWS, _H)
    d2 = depth2.reshape(_ROWS, _H)
    epoch_arr = jnp.asarray(epoch, jnp.int32).reshape(1)

    sc_out = _sc_partials(d1o, d1, d2o, d2)
    tc_out = _tc_scalars(depth_emb1, depth_emb2, gt_matches,
                         d1o, d1, d2o, d2)
    out = _combine(epoch_arr, tc_out, sc_out)
    return out.reshape(())

# --- scband reference (transcript-rebuilt; emitter-appended) ---
"""Pipeline reference for scband-mse-corresponding-loss-74457553044447 (READ-ONLY COPY).

The authoritative reference and input builder live on the scoring server;
editing this copy changes nothing except your own understanding.
"""

import jax, jax.numpy as jnp
import numpy as np


def _match_mse(e1, e2, gt):
    # Faithful to: idx = nonzero(gt>0); MSELoss(e1[idx[:,0]], e2[idx[:,1]])
    # MSE over the K matched pairs equals a mask-weighted closed form:
    # sum_{ij} mask_ij * ||e1_i - e2_j||^2 / (K * D)
    mask = (gt > 0).astype(jnp.float32)
    D = e1.shape[-1]
    rc = mask.sum(axis=1)  # times row i is selected
    cc = mask.sum(axis=0)  # times col j is selected
    k = mask.sum()
    s = (rc * jnp.sum(e1 * e1, axis=-1)).sum() \
        + (cc * jnp.sum(e2 * e2, axis=-1)).sum() \
        - 2.0 * jnp.sum(mask * (e1 @ e2.T))
    mse = jnp.where(k > 0, s / jnp.maximum(k * D, 1.0), 0.0)
    return mse, (k > 0).astype(jnp.float32)


def setup_inputs(seed: int = 0) -> dict:
    key = jax.random.key(seed)
    ks = jax.random.split(key, 8)
    B, N, D = 4, 256, 256
    H = 1024
    return {
        "final_score": jax.random.normal(ks[0], (B, N, N), dtype=jnp.float32),
        "depth_emb1": jax.random.normal(ks[1], (B, N, D), dtype=jnp.float32),
        "depth_emb2": jax.random.normal(ks[2], (B, N, D), dtype=jnp.float32),
        "depth1_out": jax.random.normal(ks[3], (B, H, H), dtype=jnp.float32),
        "depth1": jax.random.normal(ks[4], (B, H, H), dtype=jnp.float32),
        "depth2_out": jax.random.normal(ks[5], (B, H, H), dtype=jnp.float32),
        "depth2": jax.random.normal(ks[6], (B, H, H), dtype=jnp.float32),
        "gt_matches": jax.random.normal(ks[7], (B, N, N), dtype=jnp.float32),
        "epoch": 5,
    }


def reference(final_score, depth_emb1, depth_emb2, depth1_out, depth1, depth2_out, depth2, gt_matches, epoch):
    B = depth_emb1.shape[0]
    total = jnp.float32(0.0)
    count = jnp.float32(0.0)
    for b in range(B):
        mse, c = _match_mse(depth_emb1[b], depth_emb2[b], gt_matches[b])
        total = total + mse
        count = count + c
    depth_loss = jnp.float32(0.0)
    for b in range(B):
        d = depth1_out[b] - depth1[b]
        depth_loss = depth_loss + jnp.mean(d * d)
    for b in range(B):
        d = depth2_out[b] - depth2[b]
        depth_loss = depth_loss + jnp.mean(d * d)
    total = total + jnp.where(epoch < 10, depth_loss, jnp.float32(0.0))
    return total / count

if __name__ == "__main__":
    import jax
    _d = setup_inputs()
    print(jax.jit(kernel)(*tuple(_d.values())))

</pallas_src>

<mosaic_0001>
#map = affine_map<(d0, d1) -> (0, 0)>
module attributes {stable_mosaic.version = 14 : i64} {
  func.func @_sc_body(%arg0: i32, %arg1: i32, %arg2: memref<4096x1024xf32, #tpu.memory_space<hbm>>, %arg3: memref<4096x1024xf32, #tpu.memory_space<hbm>>, %arg4: memref<4096x1024xf32, #tpu.memory_space<hbm>>, %arg5: memref<4096x1024xf32, #tpu.memory_space<hbm>>, %arg6: memref<32x16xf32, #tpu.memory_space<hbm>>, %arg7: memref<24x1024xf32, #tpu.memory_space<vmem>>, %arg8: memref<24x1024xf32, #tpu.memory_space<vmem>>, %arg9: memref<24x1024xf32, #tpu.memory_space<vmem>>, %arg10: memref<24x1024xf32, #tpu.memory_space<vmem>>, %arg11: memref<16xf32, #tpu.memory_space<vmem>>, %arg12: memref<4x!tpu.dma_semaphore, #tpu.memory_space<semaphore_mem>>) attributes {dimension_semantics = [#tpu.dimension_semantics<core_parallel>, #tpu.dimension_semantics<subcore_parallel>], iteration_bounds = array<i64: 2, 16>, scalar_prefetch = 0 : i64, scratch_operands = 6 : i64, tpu.core_type = #tpu.core_type<sc_vector_subcore>, window_params = [{transform_indices = #map}, {transform_indices = #map}, {transform_indices = #map}, {transform_indices = #map}, {transform_indices = #map}]} {
    %mul3A = arith.constant 2 : i32
    %mul3A_0 = arith.muli %arg1, %mul3A : i32
    %add3A = arith.addi %mul3A_0, %arg0 : i32
    %mul3A_1 = arith.constant 48 : i32
    %mul3A_2 = arith.muli %add3A, %mul3A_1 : i32
    %broadcast_in_dim3A = arith.constant 0.000000e+00 : f32
    %broadcast_in_dim3A_3 = vector.broadcast %broadcast_in_dim3A : f32 to vector<16xf32>
    %broadcast_in_dim3A_4 = arith.constant 0.000000e+00 : f32
    %broadcast_in_dim3A_5 = vector.broadcast %broadcast_in_dim3A_4 : f32 to vector<16xf32>
    %broadcast_in_dim3A_6 = arith.constant 0.000000e+00 : f32
    %broadcast_in_dim3A_7 = vector.broadcast %broadcast_in_dim3A_6 : f32 to vector<16xf32>
    %broadcast_in_dim3A_8 = arith.constant 0.000000e+00 : f32
    %broadcast_in_dim3A_9 = vector.broadcast %broadcast_in_dim3A_8 : f32 to vector<16xf32>
    %add3A_10 = arith.constant 0 : i32
    %add3A_11 = arith.addi %mul3A_2, %add3A_10 : i32
    %dma_start3A = arith.constant 0 : i32
    %dma_start3A_12 = arith.constant 0 : i32
    %dma_start3A_13 = tpu.memref_slice %arg2[%add3A_11, %dma_start3A_12] : memref<4096x1024xf32, #tpu.memory_space<hbm>> -> memref<24x1024xf32, #tpu.memory_space<hbm>>
    %dma_start3A_14 = tpu.memref_slice %arg12[%dma_start3A] : memref<4x!tpu.dma_semaphore, #tpu.memory_space<semaphore_mem>> -> memref<1x!tpu.dma_semaphore, #tpu.memory_space<semaphore_mem>>
    %dma_start3A_15 = tpu.memref_squeeze %dma_start3A_14 : memref<1x!tpu.dma_semaphore, #tpu.memory_space<semaphore_mem>> -> memref<!tpu.dma_semaphore, #tpu.memory_space<semaphore_mem>>
    %dma_start3A_16 = arith.constant 0 : i32
    %dma_start3A_17 = tpu.memref_slice %arg2[%add3A_11, %dma_start3A_16] : memref<4096x1024xf32, #tpu.memory_space<hbm>> -> memref<24x1024xf32, #tpu.memory_space<hbm>>
    tpu.enqueue_dma source(%dma_start3A_17 : memref<24x1024xf32, #tpu.memory_space<hbm>>) target(%arg7 : memref<24x1024xf32, #tpu.memory_space<vmem>>) target_semaphore(%dma_start3A_15 : memref<!tpu.dma_semaphore, #tpu.memory_space<semaphore_mem>>)
    %dma_start3A_18 = arith.constant 2 : i32
    %dma_start3A_19 = arith.constant 0 : i32
    %dma_start3A_20 = tpu.memref_slice %arg3[%add3A_11, %dma_start3A_19] : memref<4096x1024xf32, #tpu.memory_space<hbm>> -> memref<24x1024xf32, #tpu.memory_space<hbm>>
    %dma_start3A_21 = tpu.memref_slice %arg12[%dma_start3A_18] : memref<4x!tpu.dma_semaphore, #tpu.memory_space<semaphore_mem>> -> memref<1x!tpu.dma_semaphore, #tpu.memory_space<semaphore_mem>>
    %dma_start3A_22 = tpu.memref_squeeze %dma_start3A_21 : memref<1x!tpu.dma_semaphore, #tpu.memory_space<semaphore_mem>> -> memref<!tpu.dma_semaphore, #tpu.memory_space<semaphore_mem>>
    %dma_start3A_23 = arith.constant 0 : i32
    %dma_start3A_24 = tpu.memref_slice %arg3[%add3A_11, %dma_start3A_23] : memref<4096x1024xf32, #tpu.memory_space<hbm>> -> memref<24x1024xf32, #tpu.memory_space<hbm>>
    tpu.enqueue_dma source(%dma_start3A_24 : memref<24x1024xf32, #tpu.memory_space<hbm>>) target(%arg9 : memref<24x1024xf32, #tpu.memory_space<vmem>>) target_semaphore(%dma_start3A_22 : memref<!tpu.dma_semaphore, #tpu.memory_space<semaphore_mem>>)
    %add3A_25 = arith.constant 24 : i32
    %add3A_26 = arith.addi %mul3A_2, %add3A_25 : i32
    %dma_start3A_27 = arith.constant 1 : i32
    %dma_start3A_28 = arith.constant 0 : i32
    %dma_start3A_29 = tpu.memref_slice %arg2[%add3A_26, %dma_start3A_28] : memref<4096x1024xf32, #tpu.memory_space<hbm>> -> memref<24x1024xf32, #tpu.memory_space<hbm>>
    %dma_start3A_30 = tpu.memref_slice %arg12[%dma_start3A_27] : memref<4x!tpu.dma_semaphore, #tpu.memory_space<semaphore_mem>> -> memref<1x!tpu.dma_semaphore, #tpu.memory_space<semaphore_mem>>
    %dma_start3A_31 = tpu.memref_squeeze %dma_start3A_30 : memref<1x!tpu.dma_semaphore, #tpu.memory_space<semaphore_mem>> -> memref<!tpu.dma_semaphore, #tpu.memory_space<semaphore_mem>>
    %dma_start3A_32 = arith.constant 0 : i32
    %dma_start3A_33 = tpu.memref_slice %arg2[%add3A_26, %dma_start3A_32] : memref<4096x1024xf32, #tpu.memory_space<hbm>> -> memref<24x1024xf32, #tpu.memory_space<hbm>>
    tpu.enqueue_dma source(%dma_start3A_33 : memref<24x1024xf32, #tpu.memory_space<hbm>>) target(%arg8 : memref<24x1024xf32, #tpu.memory_space<vmem>>) target_semaphore(%dma_start3A_31 : memref<!tpu.dma_semaphore, #tpu.memory_space<semaphore_mem>>)
    %dma_start3A_34 = arith.constant 3 : i32
    %dma_start3A_35 = arith.constant 0 : i32
    %dma_start3A_36 = tpu.memref_slice %arg3[%add3A_26, %dma_start3A_35] : memref<4096x1024xf32, #tpu.memory_space<hbm>> -> memref<24x1024xf32, #tpu.memory_space<hbm>>
    %dma_start3A_37 = tpu.memref_slice %arg12[%dma_start3A_34] : memref<4x!tpu.dma_semaphore, #tpu.memory_space<semaphore_mem>> -> memref<1x!tpu.dma_semaphore, #tpu.memory_space<semaphore_mem>>
    %dma_start3A_38 = tpu.memref_squeeze %dma_start3A_37 : memref<1x!tpu.dma_semaphore, #tpu.memory_space<semaphore_mem>> -> memref<!tpu.dma_semaphore, #tpu.memory_space<semaphore_mem>>
    %dma_start3A_39 = arith.constant 0 : i32
    %dma_start3A_40 = tpu.memref_slice %arg3[%add3A_26, %dma_start3A_39] : memref<4096x1024xf32, #tpu.memory_space<hbm>> -> memref<24x1024xf32, #tpu.memory_space<hbm>>
    tpu.enqueue_dma source(%dma_start3A_40 : memref<24x1024xf32, #tpu.memory_space<hbm>>) target(%arg10 : memref<24x1024xf32, #tpu.memory_space<vmem>>) target_semaphore(%dma_start3A_38 : memref<!tpu.dma_semaphore, #tpu.memory_space<semaphore_mem>>)
    %dma_wait3A = arith.constant 0 : i32
    %dma_wait3A_41 = arith.constant 0 : i32
    %dma_wait3A_42 = tpu.memref_slice %arg2[%add3A_11, %dma_wait3A_41] : memref<4096x1024xf32, #tpu.memory_space<hbm>> -> memref<24x1024xf32, #tpu.memory_space<hbm>>
    %dma_wait3A_43 = tpu.memref_slice %arg12[%dma_wait3A] : memref<4x!tpu.dma_semaphore, #tpu.memory_space<semaphore_mem>> -> memref<1x!tpu.dma_semaphore, #tpu.memory_space<semaphore_mem>>
    %dma_wait3A_44 = tpu.memref_squeeze %dma_wait3A_43 : memref<1x!tpu.dma_semaphore, #tpu.memory_space<semaphore_mem>> -> memref<!tpu.dma_semaphore, #tpu.memory_space<semaphore_mem>>
    %dma_wait3A_45 = arith.constant 0 : i32
    %dma_wait3A_46 = tpu.memref_slice %arg2[%add3A_11, %dma_wait3A_45] : memref<4096x1024xf32, #tpu.memory_space<hbm>> -> memref<24x1024xf32, #tpu.memory_space<hbm>>
    tpu.wait_dma2 semaphore(%dma_wait3A_44 : memref<!tpu.dma_semaphore, #tpu.memory_space<semaphore_mem>>) src(%dma_wait3A_46 : memref<24x1024xf32, #tpu.memory_space<hbm>>) dst(%arg7 : memref<24x1024xf32, #tpu.memory_space<vmem>>)
    %dma_wait3A_47 = arith.constant 2 : i32
    %dma_wait3A_48 = arith.constant 0 : i32
    %dma_wait3A_49 = tpu.memref_slice %arg3[%add3A_11, %dma_wait3A_48] : memref<4096x1024xf32, #tpu.memory_space<hbm>> -> memref<24x1024xf32, #tpu.memory_space<hbm>>
    %dma_wait3A_50 = tpu.memref_slice %arg12[%dma_wait3A_47] : memref<4x!tpu.dma_semaphore, #tpu.memory_space<semaphore_mem>> -> memref<1x!tpu.dma_semaphore, #tpu.memory_space<semaphore_mem>>
    %dma_wait3A_51 = tpu.memref_squeeze %dma_wait3A_50 : memref<1x!tpu.dma_semaphore, #tpu.memory_space<semaphore_mem>> -> memref<!tpu.dma_semaphore, #tpu.memory_space<semaphore_mem>>
    %dma_wait3A_52 = arith.constant 0 : i32
    %dma_wait3A_53 = tpu.memref_slice %arg3[%add3A_11, %dma_wait3A_52] : memref<4096x1024xf32, #tpu.memory_space<hbm>> -> memref<24x1024xf32, #tpu.memory_space<hbm>>
    tpu.wait_dma2 semaphore(%dma_wait3A_51 : memref<!tpu.dma_semaphore, #tpu.memory_space<semaphore_mem>>) src(%dma_wait3A_53 : memref<24x1024xf32, #tpu.memory_space<hbm>>) dst(%arg9 : memref<24x1024xf32, #tpu.memory_space<vmem>>)
    %scan3A = arith.constant 0 : i32
    %scan3A_54 = arith.constant 64 : i32
    %scan3A_55 = arith.addi %scan3A, %scan3A_54 : i32
    %scan3A_56 = arith.constant 1 : i32
    %scan3A_57:4 = scf.for %scan3A_157 = %scan3A to %scan3A_55 step %scan3A_56 iter_args(%scan3A_158 = %broadcast_in_dim3A_3, %scan3A_159 = %broadcast_in_dim3A_5, %scan3A_160 = %broadcast_in_dim3A_7, %scan3A_161 = %broadcast_in_dim3A_9) -> (vector<16xf32>, vector<16xf32>, vector<16xf32>, vector<16xf32>)  : i32 {
      %mul3A_162 = arith.constant 16 : i32
      %mul3A_163 = arith.muli %scan3A_157, %mul3A_162 : i32
      %get3A = arith.constant 0 : i32
      %get3A_164 = arith.index_cast %get3A : i32 to index
      %get3A_165 = arith.index_cast %mul3A_163 : i32 to index
      %get3A_166 = tpu.vector_load %arg7[%get3A_164, %get3A_165] {strides = array<i32>} : memref<24x1024xf32, #tpu.memory_space<vmem>>, vector<1x16xf32>,
      %get3A_167 = vector.shape_cast %get3A_166 : vector<1x16xf32> to vector<16xf32>
      %get3A_168 = arith.constant 0 : i32
      %get3A_169 = arith.index_cast %get3A_168 : i32 to index
      %get3A_170 = arith.index_cast %mul3A_163 : i32 to index
      %get3A_171 = tpu.vector_load %arg9[%get3A_169, %get3A_170] {strides = array<i32>} : memref<24x1024xf32, #tpu.memory_space<vmem>>, vector<1x16xf32>,
      %get3A_172 = vector.shape_cast %get3A_171 : vector<1x16xf32> to vector<16xf32>
      %sub3A = arith.subf %get3A_167, %get3A_172 : vector<16xf32>
      %mul3A_173 = arith.mulf %sub3A, %sub3A : vector<16xf32>
      %add3A_174 = arith.addf %scan3A_158, %mul3A_173 : vector<16xf32>
      %get3A_175 = arith.constant 1 : i32
      %get3A_176 = arith.index_cast %get3A_175 : i32 to index
      %get3A_177 = arith.index_cast %mul3A_163 : i32 to index
      %get3A_178 = tpu.vector_load %arg7[%get3A_176, %get3A_177] {strides = array<i32>} : memref<24x1024xf32, #tpu.memory_space<vmem>>, vector<1x16xf32>,
      %get3A_179 = vector.shape_cast %get3A_178 : vector<1x16xf32> to vector<16xf32>
      %get3A_180 = arith.constant 1 : i32
      %get3A_181 = arith.index_cast %get3A_180 : i32 to index
      %get3A_182 = arith.index_cast %mul3A_163 : i32 to index
      %get3A_183 = tpu.vector_load %arg9[%get3A_181, %get3A_182] {strides = array<i32>} : memref<24x1024xf32, #tpu.memory_space<vmem>>, vector<1x16xf32>,
      %get3A_184 = vector.shape_cast %get3A_183 : vector<1x16xf32> to vector<16xf32>
      %sub3A_185 = arith.subf %get3A_179, %get3A_184 : vector<16xf32>
      %mul3A_186 = arith.mulf %sub3A_185, %sub3A_185 : vector<16xf32>
      %add3A_187 = arith.addf %scan3A_159, %mul3A_186 : vector<16xf32>
      %get3A_188 = arith.constant 2 : i32
      %get3A_189 = arith.index_cast %get3A_188 : i32 to index
      %get3A_190 = arith.index_cast %mul3A_163 : i32 to index
      %get3A_191 = tpu.vector_load %arg7[%get3A_189, %get3A_190] {strides = array<i32>} : memref<24x1024xf32, #tpu.memory_space<vmem>>, vector<1x16xf32>,
      %get3A_192 = vector.shape_cast %get3A_191 : vector<1x16xf32> to vector<16xf32>
      %get3A_193 = arith.constant 2 : i32
      %get3A_194 = arith.index_cast %get3A_193 : i32 to index
      %get3A_195 = arith.index_cast %mul3A_163 : i32 to index
      %get3A_196 = tpu.vector_load %arg9[%get3A_194, %get3A_195] {strides = array<i32>} : memref<24x1024xf32, #tpu.memory_space<vmem>>, vector<1x16xf32>,
      %get3A_197 = vector.shape_cast %get3A_196 : vector<1x16xf32> to vector<16xf32>
      %sub3A_198 = arith.subf %get3A_192, %get3A_197 : vector<16xf32>
      %mul3A_199 = arith.mulf %sub3A_198, %sub3A_198 : vector<16xf32>
      %add3A_200 = arith.addf %scan3A_160, %mul3A_199 : vector<16xf32>
      %get3A_201 = arith.constant 3 : i32
      %get3A_202 = arith.index_cast %get3A_201 : i32 to index
      %get3A_203 = arith.index_cast %mul3A_163 : i32 to index
      %get3A_204 = tpu.vector_load %arg7[%get3A_202, %get3A_203] {strides = array<i32>} : memref<24x1024xf32, #tpu.memory_space<vmem>>, vector<1x16xf32>,
      %get3A_205 = vector.shape_cast %get3A_204 : vector<1x16xf32> to vector<16xf32>
      %get3A_206 = arith.constant 3 : i32
      %get3A_207 = arith.index_cast %get3A_206 : i32 to index
      %get3A_208 = arith.index_cast %mul3A_163 : i32 to index
      %get3A_209 = tpu.vector_load %arg9[%get3A_207, %get3A_208] {strides = array<i32>} : memref<24x1024xf32, #tpu.memory_space<vmem>>, vector<1x16xf32>,
      %get3A_210 = vector.shape_cast %get3A_209 : vector<1x16xf32> to vector<16xf32>
      %sub3A_211 = arith.subf %get3A_205, %get3A_210 : vector<16xf32>
      %mul3A_212 = arith.mulf %sub3A_211, %sub3A_211 : vector<16xf32>
      %add3A_213 = arith.addf %scan3A_161, %mul3A_212 : vector<16xf32>
      %get3A_214 = arith.constant 4 : i32
      %get3A_215 = arith.index_cast %get3A_214 : i32 to index
      %get3A_216 = arith.index_cast %mul3A_163 : i32 to index
      %get3A_217 = tpu.vector_load %arg7[%get3A_215, %get3A_216] {strides = array<i32>} : memref<24x1024xf32, #tpu.memory_space<vmem>>, vector<1x16xf32>,
      %get3A_218 = vector.shape_cast %get3A_217 : vector<1x16xf32> to vector<16xf32>
      %get3A_219 = arith.constant 4 : i32
      %get3A_220 = arith.index_cast %get3A_219 : i32 to index
      %get3A_221 = arith.index_cast %mul3A_163 : i32 to index
      %get3A_222 = tpu.vector_load %arg9[%get3A_220, %get3A_221] {strides = array<i32>} : memref<24x1024xf32, #tpu.memory_space<vmem>>, vector<1x16xf32>,
      %get3A_223 = vector.shape_cast %get3A_222 : vector<1x16xf32> to vector<16xf32>
      %sub3A_224 = arith.subf %get3A_218, %get3A_223 : vector<16xf32>
      %mul3A_225 = arith.mulf %sub3A_224, %sub3A_224 : vector<16xf32>
      %add3A_226 = arith.addf %add3A_174, %mul3A_225 : vector<16xf32>
      %get3A_227 = arith.constant 5 : i32
      %get3A_228 = arith.index_cast %get3A_227 : i32 to index
      %get3A_229 = arith.index_cast %mul3A_163 : i32 to index
      %get3A_230 = tpu.vector_load %arg7[%get3A_228, %get3A_229] {strides = array<i32>} : memref<24x1024xf32, #tpu.memory_space<vmem>>, vector<1x16xf32>,
      %get3A_231 = vector.shape_cast %get3A_230 : vector<1x16xf32> to vector<16xf32>
      %get3A_232 = arith.constant 5 : i32
      %get3A_233 = arith.index_cast %get3A_232 : i32 to index
      %get3A_234 = arith.index_cast %mul3A_163 : i32 to index
      %get3A_235 = tpu.vector_load %arg9[%get3A_233, %get3A_234] {strides = array<i32>} : memref<24x1024xf32, #tpu.memory_space<vmem>>, vector<1x16xf32>,
      %get3A_236 = vector.shape_cast %get3A_235 : vector<1x16xf32> to vector<16xf32>
      %sub3A_237 = arith.subf %get3A_231, %get3A_236 : vector<16xf32>
      %mul3A_238 = arith.mulf %sub3A_237, %sub3A_237 : vector<16xf32>
      %add3A_239 = arith.addf %add3A_187, %mul3A_238 : vector<16xf32>
      %get3A_240 = arith.constant 6 : i32
      %get3A_241 = arith.index_cast %get3A_240 : i32 to index
      %get3A_242 = arith.index_cast %mul3A_163 : i32 to index
      %get3A_243 = tpu.vector_load %arg7[%get3A_241, %get3A_242] {strides = array<i32>} : memref<24x1024xf32, #tpu.memory_space<vmem>>, vector<1x16xf32>,
      %get3A_244 = vector.shape_cast %get3A_243 : vector<1x16xf32> to vector<16xf32>
      %get3A_245 = arith.constant 6 : i32
      %get3A_246 = arith.index_cast %get3A_245 : i32 to index
      %get3A_247 = arith.index_cast %mul3A_163 : i32 to index
      %get3A_248 = tpu.vector_load %arg9[%get3A_246, %get3A_247] {strides = array<i32>} : memref<24x1024xf32, #tpu.memory_space<vmem>>, vector<1x16xf32>,
      %get3A_249 = vector.shape_cast %get3A_248 : vector<1x16xf32> to vector<16xf32>
      %sub3A_250 = arith.subf %get3A_244, %get3A_249 : vector<16xf32>
      %mul3A_251 = arith.mulf %sub3A_250, %sub3A_250 : vector<16xf32>
      %add3A_252 = arith.addf %add3A_200, %mul3A_251 : vector<16xf32>
      %get3A_253 = arith.constant 7 : i32
      %get3A_254 = arith.index_cast %get3A_253 : i32 to index
      %get3A_255 = arith.index_cast %mul3A_163 : i32 to index
      %get3A_256 = tpu.vector_load %arg7[%get3A_254, %get3A_255] {strides = array<i32>} : memref<24x1024xf32, #tpu.memory_space<vmem>>, vector<1x16xf32>,
      %get3A_257 = vector.shape_cast %get3A_256 : vector<1x16xf32> to vector<16xf32>
      %get3A_258 = arith.constant 7 : i32
      %get3A_259 = arith.index_cast %get3A_258 : i32 to index
      %get3A_260 = arith.index_cast %mul3A_163 : i32 to index
      %get3A_261 = tpu.vector_load %arg9[%get3A_259, %get3A_260] {strides = array<i32>} : memref<24x1024xf32, #tpu.memory_space<vmem>>, vector<1x16xf32>,
      %get3A_262 = vector.shape_cast %get3A_261 : vector<1x16xf32> to vector<16xf32>
      %sub3A_263 = arith.subf %get3A_257, %get3A_262 : vector<16xf32>
      %mul3A_264 = arith.mulf %sub3A_263, %sub3A_263 : vector<16xf32>
      %add3A_265 = arith.addf %add3A_213, %mul3A_264 : vector<16xf32>
      %get3A_266 = arith.constant 8 : i32
      %get3A_267 = arith.index_cast %get3A_266 : i32 to index
      %get3A_268 = arith.index_cast %mul3A_163 : i32 to index
      %get3A_269 = tpu.vector_load %arg7[%get3A_267, %get3A_268] {strides = array<i32>} : memref<24x1024xf32, #tpu.memory_space<vmem>>, vector<1x16xf32>,
      %get3A_270 = vector.shape_cast %get3A_269 : vector<1x16xf32> to vector<16xf32>
      %get3A_271 = arith.constant 8 : i32
      %get3A_272 = arith.index_cast %get3A_271 : i32 to index
      %get3A_273 = arith.index_cast %mul3A_163 : i32 to index
      %get3A_274 = tpu.vector_load %arg9[%get3A_272, %get3A_273] {strides = array<i32>} : memref<24x1024xf32, #tpu.memory_space<vmem>>, vector<1x16xf32>,
      %get3A_275 = vector.shape_cast %get3A_274 : vector<1x16xf32> to vector<16xf32>
      %sub3A_276 = arith.subf %get3A_270, %get3A_275 : vector<16xf32>
      %mul3A_277 = arith.mulf %sub3A_276, %sub3A_276 : vector<16xf32>
      %add3A_278 = arith.addf %add3A_226, %mul3A_277 : vector<16xf32>
      %get3A_279 = arith.constant 9 : i32
      %get3A_280 = arith.index_cast %get3A_279 : i32 to index
      %get3A_281 = arith.index_cast %mul3A_163 : i32 to index
      %get3A_282 = tpu.vector_load %arg7[%get3A_280, %get3A_281] {strides = array<i32>} : memref<24x1024xf32, #tpu.memory_space<vmem>>, vector<1x16xf32>,
      %get3A_283 = vector.shape_cast %get3A_282 : vector<1x16xf32> to vector<16xf32>
      %get3A_284 = arith.constant 9 : i32
      %get3A_285 = arith.index_cast %get3A_284 : i32 to index
      %get3A_286 = arith.index_cast %mul3A_163 : i32 to index
      %get3A_287 = tpu.vector_load %arg9[%get3A_285, %get3A_286] {strides = array<i32>} : memref<24x1024xf32, #tpu.memory_space<vmem>>, vector<1x16xf32>,
      %get3A_288 = vector.shape_cast %get3A_287 : vector<1x16xf32> to vector<16xf32>
      %sub3A_289 = arith.subf %get3A_283, %get3A_288 : vector<16xf32>
      %mul3A_290 = arith.mulf %sub3A_289, %sub3A_289 : vector<16xf32>
      %add3A_291 = arith.addf %add3A_239, %mul3A_290 : vector<16xf32>
      %get3A_292 = arith.constant 10 : i32
      %get3A_293 = arith.index_cast %get3A_292 : i32 to index
      %get3A_294 = arith.index_cast %mul3A_163 : i32 to index
      %get3A_295 = tpu.vector_load %arg7[%get3A_293, %get3A_294] {strides = array<i32>} : memref<24x1024xf32, #tpu.memory_space<vmem>>, vector<1x16xf32>,
      %get3A_296 = vector.shape_cast %get3A_295 : vector<1x16xf32> to vector<16xf32>
      %get3A_297 = arith.constant 10 : i32
      %get3A_298 = arith.index_cast %get3A_297 : i32 to index
      %get3A_299 = arith.index_cast %mul3A_163 : i32 to index
      %get3A_300 = tpu.vector_load %arg9[%get3A_298, %get3A_299] {strides = array<i32>} : memref<24x1024xf32, #tpu.memory_space<vmem>>, vector<1x16xf32>,
      %get3A_301 = vector.shape_cast %get3A_300 : vector<1x16xf32> to vector<16xf32>
      %sub3A_302 = arith.subf %get3A_296, %get3A_301 : vector<16xf32>
      %mul3A_303 = arith.mulf %sub3A_302, %sub3A_302 : vector<16xf32>
      %add3A_304 = arith.addf %add3A_252, %mul3A_303 : vector<16xf32>
      %get3A_305 = arith.constant 11 : i32
      %get3A_306 = arith.index_cast %get3A_305 : i32 to index
      %get3A_307 = arith.index_cast %mul3A_163 : i32 to index
      %get3A_308 = tpu.vector_load %arg7[%get3A_306, %get3A_307] {strides = array<i32>} : memref<24x1024xf32, #tpu.memory_space<vmem>>, vector<1x16xf32>,
      %get3A_309 = vector.shape_cast %get3A_308 : vector<1x16xf32> to vector<16xf32>
      %get3A_310 = arith.constant 11 : i32
      %get3A_311 = arith.index_cast %get3A_310 : i32 to index
      %get3A_312 = arith.index_cast %mul3A_163 : i32 to index
      %get3A_313 = tpu.vector_load %arg9[%get3A_311, %get3A_312] {strides = array<i32>} : memref<24x1024xf32, #tpu.memory_space<vmem>>, vector<1x16xf32>,
      %get3A_314 = vector.shape_cast %get3A_313 : vector<1x16xf32> to vector<16xf32>
      %sub3A_315 = arith.subf %get3A_309, %get3A_314 : vector<16xf32>
      %mul3A_316 = arith.mulf %sub3A_315, %sub3A_315 : vector<16xf32>
      %add3A_317 = arith.addf %add3A_265, %mul3A_316 : vector<16xf32>
      %get3A_318 = arith.constant 12 : i32
      %get3A_319 = arith.index_cast %get3A_318 : i32 to index
      %get3A_320 = arith.index_cast %mul3A_163 : i32 to index
      %get3A_321 = tpu.vector_load %arg7[%get3A_319, %get3A_320] {strides = array<i32>} : memref<24x1024xf32, #tpu.memory_space<vmem>>, vector<1x16xf32>,
      %get3A_322 = vector.shape_cast %get3A_321 : vector<1x16xf32> to vector<16xf32>
      %get3A_323 = arith.constant 12 : i32
      %get3A_324 = arith.index_cast %get3A_323 : i32 to index
      %get3A_325 = arith.index_cast %mul3A_163 : i32 to index
      %get3A_326 = tpu.vector_load %arg9[%get3A_324, %get3A_325] {strides = array<i32>} : memref<24x1024xf32, #tpu.memory_space<vmem>>, vector<1x16xf32>,
      %get3A_327 = vector.shape_cast %get3A_326 : vector<1x16xf32> to vector<16xf32>
      %sub3A_328 = arith.subf %get3A_322, %get3A_327 : vector<16xf32>
      %mul3A_329 = arith.mulf %sub3A_328, %sub3A_328 : vector<16xf32>
      %add3A_330 = arith.addf %add3A_278, %mul3A_329 : vector<16xf32>
      %get3A_331 = arith.constant 13 : i32
      %get3A_332 = arith.index_cast %get3A_331 : i32 to index
      %get3A_333 = arith.index_cast %mul3A_163 : i32 to index
      %get3A_334 = tpu.vector_load %arg7[%get3A_332, %get3A_333] {strides = array<i32>} : memref<24x1024xf32, #tpu.memory_space<vmem>>, vector<1x16xf32>,
      %get3A_335 = vector.shape_cast %get3A_334 : vector<1x16xf32> to vector<16xf32>
      %get3A_336 = arith.constant 13 : i32
      %get3A_337 = arith.index_cast %get3A_336 : i32 to index
      %get3A_338 = arith.index_cast %mul3A_163 : i32 to index
      %get3A_339 = tpu.vector_load %arg9[%get3A_337, %get3A_338] {strides = array<i32>} : memref<24x1024xf32, #tpu.memory_space<vmem>>, vector<1x16xf32>,
      %get3A_340 = vector.shape_cast %get3A_339 : vector<1x16xf32> to vector<16xf32>
      %sub3A_341 = arith.subf %get3A_335, %get3A_340 : vector<16xf32>
      %mul3A_342 = arith.mulf %sub3A_341, %sub3A_341 : vector<16xf32>
      %add3A_343 = arith.addf %add3A_291, %mul3A_342 : vector<16xf32>
      %get3A_344 = arith.constant 14 : i32
      %get3A_345 = arith.index_cast %get3A_344 : i32 to index
      %get3A_346 = arith.index_cast %mul3A_163 : i32 to index
      %get3A_347 = tpu.vector_load %arg7[%get3A_345, %get3A_346] {strides = array<i32>} : memref<24x1024xf32, #tpu.memory_space<vmem>>, vector<1x16xf32>,
      %get3A_348 = vector.shape_cast %get3A_347 : vector<1x16xf32> to vector<16xf32>
      %get3A_349 = arith.constant 14 : i32
      %get3A_350 = arith.index_cast %get3A_349 : i32 to index
      %get3A_351 = arith.index_cast %mul3A_163 : i32 to index
      %get3A_352 = tpu.vector_load %arg9[%get3A_350, %get3A_351] {strides = array<i32>} : memref<24x1024xf32, #tpu.memory_space<vmem>>, vector<1x16xf32>,
      %get3A_353 = vector.shape_cast %get3A_352 : vector<1x16xf32> to vector<16xf32>
      %sub3A_354 = arith.subf %get3A_348, %get3A_353 : vector<16xf32>
      %mul3A_355 = arith.mulf %sub3A_354, %sub3A_354 : vector<16xf32>
      %add3A_356 = arith.addf %add3A_304, %mul3A_355 : vector<16xf32>
      %get3A_357 = arith.constant 15 : i32
      %get3A_358 = arith.index_cast %get3A_357 : i32 to index
      %get3A_359 = arith.index_cast %mul3A_163 : i32 to index
      %get3A_360 = tpu.vector_load %arg7[%get3A_358, %get3A_359] {strides = array<i32>} : memref<24x1024xf32, #tpu.memory_space<vmem>>, vector<1x16xf32>,
      %get3A_361 = vector.shape_cast %get3A_360 : vector<1x16xf32> to vector<16xf32>
      %get3A_362 = arith.constant 15 : i32
      %get3A_363 = arith.index_cast %get3A_362 : i32 to index
      %get3A_364 = arith.index_cast %mul3A_163 : i32 to index
      %get3A_365 = tpu.vector_load %arg9[%get3A_363, %get3A_364] {strides = array<i32>} : memref<24x1024xf32, #tpu.memory_space<vmem>>, vector<1x16xf32>,
      %get3A_366 = vector.shape_cast %get3A_365 : vector<1x16xf32> to vector<16xf32>
      %sub3A_367 = arith.subf %get3A_361, %get3A_366 : vector<16xf32>
      %mul3A_368 = arith.mulf %sub3A_367, %sub3A_367 : vector<16xf32>
      %add3A_369 = arith.addf %add3A_317, %mul3A_368 : vector<16xf32>
      %get3A_370 = arith.constant 16 : i32
      %get3A_371 = arith.index_cast %get3A_370 : i32 to index
      %get3A_372 = arith.index_cast %mul3A_163 : i32 to index
      %get3A_373 = tpu.vector_load %arg7[%get3A_371, %get3A_372] {strides = array<i32>} : memref<24x1024xf32, #tpu.memory_space<vmem>>, vector<1x16xf32>,
      %get3A_374 = vector.shape_cast %get3A_373 : vector<1x16xf32> to vector<16xf32>
      %get3A_375 = arith.constant 16 : i32
      %get3A_376 = arith.index_cast %get3A_375 : i32 to index
      %get3A_377 = arith.index_cast %mul3A_163 : i32 to index
      %get3A_378 = tpu.vector_load %arg9[%get3A_376, %get3A_377] {strides = array<i32>} : memref<24x1024xf32, #tpu.memory_space<vmem>>, vector<1x16xf32>,
      %get3A_379 = vector.shape_cast %get3A_378 : vector<1x16xf32> to vector<16xf32>
      %sub3A_380 = arith.subf %get3A_374, %get3A_379 : vector<16xf32>
      %mul3A_381 = arith.mulf %sub3A_380, %sub3A_380 : vector<16xf32>
      %add3A_382 = arith.addf %add3A_330, %mul3A_381 : vector<16xf32>
      %get3A_383 = arith.constant 17 : i32
      %get3A_384 = arith.index_cast %get3A_383 : i32 to index
      %get3A_385 = arith.index_cast %mul3A_163 : i32 to index
      %get3A_386 = tpu.vector_load %arg7[%get3A_384, %get3A_385] {strides = array<i32>} : memref<24x1024xf32, #tpu.memory_space<vmem>>, vector<1x16xf32>,
      %get3A_387 = vector.shape_cast %get3A_386 : vector<1x16xf32> to vector<16xf32>
      %get3A_388 = arith.constant 17 : i32
      %get3A_389 = arith.index_cast %get3A_388 : i32 to index
      %get3A_390 = arith.index_cast %mul3A_163 : i32 to index
      %get3A_391 = tpu.vector_load %arg9[%get3A_389, %get3A_390] {strides = array<i32>} : memref<24x1024xf32, #tpu.memory_space<vmem>>, vector<1x16xf32>,
      %get3A_392 = vector.shape_cast %get3A_391 : vector<1x16xf32> to vector<16xf32>
      %sub3A_393 = arith.subf %get3A_387, %get3A_392 : vector<16xf32>
      %mul3A_394 = arith.mulf %sub3A_393, %sub3A_393 : vector<16xf32>
      %add3A_395 = arith.addf %add3A_343, %mul3A_394 : vector<16xf32>
      %get3A_396 = arith.constant 18 : i32
      %get3A_397 = arith.index_cast %get3A_396 : i32 to index
      %get3A_398 = arith.index_cast %mul3A_163 : i32 to index
      %get3A_399 = tpu.vector_load %arg7[%get3A_397, %get3A_398] {strides = array<i32>} : memref<24x1024xf32, #tpu.memory_space<vmem>>, vector<1x16xf32>,
      %get3A_400 = vector.shape_cast %get3A_399 : vector<1x16xf32> to vector<16xf32>
      %get3A_401 = arith.constant 18 : i32
      %get3A_402 = arith.index_cast %get3A_401 : i32 to index
      %get3A_403 = arith.index_cast %mul3A_163 : i32 to index
      %get3A_404 = tpu.vector_load %arg9[%get3A_402, %get3A_403] {strides = array<i32>} : memref<24x1024xf32, #tpu.memory_space<vmem>>, vector<1x16xf32>,
      %get3A_405 = vector.shape_cast %get3A_404 : vector<1x16xf32> to vector<16xf32>
      %sub3A_406 = arith.subf %get3A_400, %get3A_405 : vector<16xf32>
      %mul3A_407 = arith.mulf %sub3A_406, %sub3A_406 : vector<16xf32>
      %add3A_408 = arith.addf %add3A_356, %mul3A_407 : vector<16xf32>
      %get3A_409 = arith.constant 19 : i32
      %get3A_410 = arith.index_cast %get3A_409 : i32 to index
      %get3A_411 = arith.index_cast %mul3A_163 : i32 to index
      %get3A_412 = tpu.vector_load %arg7[%get3A_410, %get3A_411] {strides = array<i32>} : memref<24x1024xf32, #tpu.memory_space<vmem>>, vector<1x16xf32>,
      %get3A_413 = vector.shape_cast %get3A_412 : vector<1x16xf32> to vector<16xf32>
      %get3A_414 = arith.constant 19 : i32
      %get3A_415 = arith.index_cast %get3A_414 : i32 to index
      %get3A_416 = arith.index_cast %mul3A_163 : i32 to index
      %get3A_417 = tpu.vector_load %arg9[%get3A_415, %get3A_416] {strides = array<i32>} : memref<24x1024xf32, #tpu.memory_space<vmem>>, vector<1x16xf32>,
      %get3A_418 = vector.shape_cast %get3A_417 : vector<1x16xf32> to vector<16xf32>
      %sub3A_419 = arith.subf %get3A_413, %get3A_418 : vector<16xf32>
      %mul3A_420 = arith.mulf %sub3A_419, %sub3A_419 : vector<16xf32>
      %add3A_421 = arith.addf %add3A_369, %mul3A_420 : vector<16xf32>
      %get3A_422 = arith.constant 20 : i32
      %get3A_423 = arith.index_cast %get3A_422 : i32 to index
      %get3A_424 = arith.index_cast %mul3A_163 : i32 to index
      %get3A_425 = tpu.vector_load %arg7[%get3A_423, %get3A_424] {strides = array<i32>} : memref<24x1024xf32, #tpu.memory_space<vmem>>, vector<1x16xf32>,
      %get3A_426 = vector.shape_cast %get3A_425 : vector<1x16xf32> to vector<16xf32>
      %get3A_427 = arith.constant 20 : i32
      %get3A_428 = arith.index_cast %get3A_427 : i32 to index
      %get3A_429 = arith.index_cast %mul3A_163 : i32 to index
      %get3A_430 = tpu.vector_load %arg9[%get3A_428, %get3A_429] {strides = array<i32>} : memref<24x1024xf32, #tpu.memory_space<vmem>>, vector<1x16xf32>,
      %get3A_431 = vector.shape_cast %get3A_430 : vector<1x16xf32> to vector<16xf32>
      %sub3A_432 = arith.subf %get3A_426, %get3A_431 : vector<16xf32>
      %mul3A_433 = arith.mulf %sub3A_432, %sub3A_432 : vector<16xf32>
      %add3A_434 = arith.addf %add3A_382, %mul3A_433 : vector<16xf32>
      %get3A_435 = arith.constant 21 : i32
      %get3A_436 = arith.index_cast %get3A_435 : i32 to index
      %get3A_437 = arith.index_cast %mul3A_163 : i32 to index
      %get3A_438 = tpu.vector_load %arg7[%get3A_436, %get3A_437] {strides = array<i32>} : memref<24x1024xf32, #tpu.memory_space<vmem>>, vector<1x16xf32>,
      %get3A_439 = vector.shape_cast %get3A_438 : vector<1x16xf32> to vector<16xf32>
      %get3A_440 = arith.constant 21 : i32
      %get3A_441 = arith.index_cast %get3A_440 : i32 to index
      %get3A_442 = arith.index_cast %mul3A_163 : i32 to index
      %get3A_443 = tpu.vector_load %arg9[%get3A_441, %get3A_442] {strides = array<i32>} : memref<24x1024xf32, #tpu.memory_space<vmem>>, vector<1x16xf32>,
      %get3A_444 = vector.shape_cast %get3A_443 : vector<1x16xf32> to vector<16xf32>
      %sub3A_445 = arith.subf %get3A_439, %get3A_444 : vector<16xf32>
      %mul3A_446 = arith.mulf %sub3A_445, %sub3A_445 : vector<16xf32>
      %add3A_447 = arith.addf %add3A_395, %mul3A_446 : vector<16xf32>
      %get3A_448 = arith.constant 22 : i32
      %get3A_449 = arith.index_cast %get3A_448 : i32 to index
      %get3A_450 = arith.index_cast %mul3A_163 : i32 to index
      %get3A_451 = tpu.vector_load %arg7[%get3A_449, %get3A_450] {strides = array<i32>} : memref<24x1024xf32, #tpu.memory_space<vmem>>, vector<1x16xf32>,
      %get3A_452 = vector.shape_cast %get3A_451 : vector<1x16xf32> to vector<16xf32>
      %get3A_453 = arith.constant 22 : i32
      %get3A_454 = arith.index_cast %get3A_453 : i32 to index
      %get3A_455 = arith.index_cast %mul3A_163 : i32 to index
      %get3A_456 = tpu.vector_load %arg9[%get3A_454, %get3A_455] {strides = array<i32>} : memref<24x1024xf32, #tpu.memory_space<vmem>>, vector<1x16xf32>,
      %get3A_457 = vector.shape_cast %get3A_456 : vector<1x16xf32> to vector<16xf32>
      %sub3A_458 = arith.subf %get3A_452, %get3A_457 : vector<16xf32>
      %mul3A_459 = arith.mulf %sub3A_458, %sub3A_458 : vector<16xf32>
      %add3A_460 = arith.addf %add3A_408, %mul3A_459 : vector<16xf32>
      %get3A_461 = arith.constant 23 : i32
      %get3A_462 = arith.index_cast %get3A_461 : i32 to index
      %get3A_463 = arith.index_cast %mul3A_163 : i32 to index
      %get3A_464 = tpu.vector_load %arg7[%get3A_462, %get3A_463] {strides = array<i32>} : memref<24x1024xf32, #tpu.memory_space<vmem>>, vector<1x16xf32>,
      %get3A_465 = vector.shape_cast %get3A_464 : vector<1x16xf32> to vector<16xf32>
      %get3A_466 = arith.constant 23 : i32
      %get3A_467 = arith.index_cast %get3A_466 : i32 to index
      %get3A_468 = arith.index_cast %mul3A_163 : i32 to index
      %get3A_469 = tpu.vector_load %arg9[%get3A_467, %get3A_468] {strides = array<i32>} : memref<24x1024xf32, #tpu.memory_space<vmem>>, vector<1x16xf32>,
      %get3A_470 = vector.shape_cast %get3A_469 : vector<1x16xf32> to vector<16xf32>
      %sub3A_471 = arith.subf %get3A_465, %get3A_470 : vector<16xf32>
      %mul3A_472 = arith.mulf %sub3A_471, %sub3A_471 : vector<16xf32>
      %add3A_473 = arith.addf %add3A_421, %mul3A_472 : vector<16xf32>
      scf.yield %add3A_434, %add3A_447, %add3A_460, %add3A_473 : vector<16xf32>, vector<16xf32>, vector<16xf32>, vector<16xf32>
    }
    %scan3A_58 = arith.constant 64 : i32
    %add3A_59 = arith.constant 0 : i32
    %add3A_60 = arith.addi %mul3A_2, %add3A_59 : i32
    %dma_start3A_61 = arith.constant 0 : i32
    %dma_start3A_62 = arith.constant 0 : i32
    %dma_start3A_63 = tpu.memref_slice %arg4[%add3A_60, %dma_start3A_62] : memref<4096x1024xf32, #tpu.memory_space<hbm>> -> memref<24x1024xf32, #tpu.memory_space<hbm>>
    %dma_start3A_64 = tpu.memref_slice %arg12[%dma_start3A_61] : memref<4x!tpu.dma_semaphore, #tpu.memory_space<semaphore_mem>> -> memref<1x!tpu.dma_semaphore, #tpu.memory_space<semaphore_mem>>
    %dma_start3A_65 = tpu.memref_squeeze %dma_start3A_64 : memref<1x!tpu.dma_semaphore, #tpu.memory_space<semaphore_mem>> -> memref<!tpu.dma_semaphore, #tpu.memory_space<semaphore_mem>>
    %dma_start3A_66 = arith.constant 0 : i32
    %dma_start3A_67 = tpu.memref_slice %arg4[%add3A_60, %dma_start3A_66] : memref<4096x1024xf32, #tpu.memory_space<hbm>> -> memref<24x1024xf32, #tpu.memory_space<hbm>>
    tpu.enqueue_dma source(%dma_start3A_67 : memref<24x1024xf32, #tpu.memory_space<hbm>>) target(%arg7 : memref<24x1024xf32, #tpu.memory_space<vmem>>) target_semaphore(%dma_start3A_65 : memref<!tpu.dma_semaphore, #tpu.memory_space<semaphore_mem>>)
    %dma_start3A_68 = arith.constant 2 : i32
    %dma_start3A_69 = arith.constant 0 : i32
    %dma_start3A_70 = tpu.memref_slice %arg5[%add3A_60, %dma_start3A_69] : memref<4096x1024xf32, #tpu.memory_space<hbm>> -> memref<24x1024xf32, #tpu.memory_space<hbm>>
    %dma_start3A_71 = tpu.memref_slice %arg12[%dma_start3A_68] : memref<4x!tpu.dma_semaphore, #tpu.memory_space<semaphore_mem>> -> memref<1x!tpu.dma_semaphore, #tpu.memory_space<semaphore_mem>>
    %dma_start3A_72 = tpu.memref_squeeze %dma_start3A_71 : memref<1x!tpu.dma_semaphore, #tpu.memory_space<semaphore_mem>> -> memref<!tpu.dma_semaphore, #tpu.memory_space<semaphore_mem>>
    %dma_start3A_73 = arith.constant 0 : i32
    %dma_start3A_74 = tpu.memref_slice %arg5[%add3A_60, %dma_start3A_73] : memref<4096x1024xf32, #tpu.memory_space<hbm>> -> memref<24x1024xf32, #tpu.memory_space<hbm>>
    tpu.enqueue_dma source(%dma_start3A_74 : memref<24x1024xf32, #tpu.memory_space<hbm>>) target(%arg9 : memref<24x1024xf32, #tpu.memory_space<vmem>>) target_semaphore(%dma_start3A_72 : memref<!tpu.dma_semaphore, #tpu.memory_space<semaphore_mem>>)
    %dma_wait3A_75 = arith.constant 1 : i32
    %dma_wait3A_76 = arith.constant 0 : i32
    %dma_wait3A_77 = tpu.memref_slice %arg2[%add3A_26, %dma_wait3A_76] : memref<4096x1024xf32, #tpu.memory_space<hbm>> -> memref<24x1024xf32, #tpu.memory_space<hbm>>
    %dma_wait3A_78 = tpu.memref_slice %arg12[%dma_wait3A_75] : memref<4x!tpu.dma_semaphore, #tpu.memory_space<semaphore_mem>> -> memref<1x!tpu.dma_semaphore, #tpu.memory_space<semaphore_mem>>
    %dma_wait3A_79 = tpu.memref_squeeze %dma_wait3A_78 : memref<1x!tpu.dma_semaphore, #tpu.memory_space<semaphore_mem>> -> memref<!tpu.dma_semaphore, #tpu.memory_space<semaphore_mem>>
    %dma_wait3A_80 = arith.constant 0 : i32
    %dma_wait3A_81 = tpu.memref_slice %arg2[%add3A_26, %dma_wait3A_80] : memref<4096x1024xf32, #tpu.memory_space<hbm>> -> memref<24x1024xf32, #tpu.memory_space<hbm>>
    tpu.wait_dma2 semaphore(%dma_wait3A_79 : memref<!tpu.dma_semaphore, #tpu.memory_space<semaphore_mem>>) src(%dma_wait3A_81 : memref<24x1024xf32, #tpu.memory_space<hbm>>) dst(%arg8 : memref<24x1024xf32, #tpu.memory_space<vmem>>)
    %dma_wait3A_82 = arith.constant 3 : i32
    %dma_wait3A_83 = arith.constant 0 : i32
    %dma_wait3A_84 = tpu.memref_slice %arg3[%add3A_26, %dma_wait3A_83] : memref<4096x1024xf32, #tpu.memory_space<hbm>> -> memref<24x1024xf32, #tpu.memory_space<hbm>>
    %dma_wait3A_85 = tpu.memref_slice %arg12[%dma_wait3A_82] : memref<4x!tpu.dma_semaphore, #tpu.memory_space<semaphore_mem>> -> memref<1x!tpu.dma_semaphore, #tpu.memory_space<semaphore_mem>>
    %dma_wait3A_86 = tpu.memref_squeeze %dma_wait3A_85 : memref<1x!tpu.dma_semaphore, #tpu.memory_space<semaphore_mem>> -> memref<!tpu.dma_semaphore, #tpu.memory_space<semaphore_mem>>
    %dma_wait3A_87 = arith.constant 0 : i32
    %dma_wait3A_88 = tpu.memref_slice %arg3[%add3A_26, %dma_wait3A_87] : memref<4096x1024xf32, #tpu.memory_space<hbm>> -> memref<24x1024xf32, #tpu.memory_space<hbm>>
    tpu.wait_dma2 semaphore(%dma_wait3A_86 : memref<!tpu.dma_semaphore, #tpu.memory_space<semaphore_mem>>) src(%dma_wait3A_88 : memref<24x1024xf32, #tpu.memory_space<hbm>>) dst(%arg10 : memref<24x1024xf32, #tpu.memory_space<vmem>>)
    %scan3A_89 = arith.constant 0 : i32
    %scan3A_90 = arith.constant 64 : i32
    %scan3A_91 = arith.addi %scan3A_89, %scan3A_90 : i32
    %scan3A_92 = arith.constant 1 : i32
    %scan3A_93:4 = scf.for %scan3A_157 = %scan3A_89 to %scan3A_91 step %scan3A_92 iter_args(%scan3A_158 = %scan3A_57#0, %scan3A_159 = %scan3A_57#1, %scan3A_160 = %scan3A_57#2, %scan3A_161 = %scan3A_57#3) -> (vector<16xf32>, vector<16xf32>, vector<16xf32>, vector<16xf32>)  : i32 {
      %mul3A_162 = arith.constant 16 : i32
      %mul3A_163 = arith.muli %scan3A_157, %mul3A_162 : i32
      %get3A = arith.constant 0 : i32
      %get3A_164 = arith.index_cast %get3A : i32 to index
      %get3A_165 = arith.index_cast %mul3A_163 : i32 to index
      %get3A_166 = tpu.vector_load %arg8[%get3A_164, %get3A_165] {strides = array<i32>} : memref<24x1024xf32, #tpu.memory_space<vmem>>, vector<1x16xf32>,
      %get3A_167 = vector.shape_cast %get3A_166 : vector<1x16xf32> to vector<16xf32>
      %get3A_168 = arith.constant 0 : i32
      %get3A_169 = arith.index_cast %get3A_168 : i32 to index
      %get3A_170 = arith.index_cast %mul3A_163 : i32 to index
      %get3A_171 = tpu.vector_load %arg10[%get3A_169, %get3A_170] {strides = array<i32>} : memref<24x1024xf32, #tpu.memory_space<vmem>>, vector<1x16xf32>,
      %get3A_172 = vector.shape_cast %get3A_171 : vector<1x16xf32> to vector<16xf32>
      %sub3A = arith.subf %get3A_167, %get3A_172 : vector<16xf32>
      %mul3A_173 = arith.mulf %sub3A, %sub3A : vector<16xf32>
      %add3A_174 = arith.addf %scan3A_158, %mul3A_173 : vector<16xf32>
      %get3A_175 = arith.constant 1 : i32
      %get3A_176 = arith.index_cast %get3A_175 : i32 to index
      %get3A_177 = arith.index_cast %mul3A_163 : i32 to index
      %get3A_178 = tpu.vector_load %arg8[%get3A_176, %get3A_177] {strides = array<i32>} : memref<24x1024xf32, #tpu.memory_space<vmem>>, vector<1x16xf32>,
      %get3A_179 = vector.shape_cast %get3A_178 : vector<1x16xf32> to vector<16xf32>
      %get3A_180 = arith.constant 1 : i32
      %get3A_181 = arith.index_cast %get3A_180 : i32 to index
      %get3A_182 = arith.index_cast %mul3A_163 : i32 to index
      %get3A_183 = tpu.vector_load %arg10[%get3A_181, %get3A_182] {strides = array<i32>} : memref<24x1024xf32, #tpu.memory_space<vmem>>, vector<1x16xf32>,
      %get3A_184 = vector.shape_cast %get3A_183 : vector<1x16xf32> to vector<16xf32>
      %sub3A_185 = arith.subf %get3A_179, %get3A_184 : vector<16xf32>
      %mul3A_186 = arith.mulf %sub3A_185, %sub3A_185 : vector<16xf32>
      %add3A_187 = arith.addf %scan3A_159, %mul3A_186 : vector<16xf32>
      %get3A_188 = arith.constant 2 : i32
      %get3A_189 = arith.index_cast %get3A_188 : i32 to index
      %get3A_190 = arith.index_cast %mul3A_163 : i32 to index
      %get3A_191 = tpu.vector_load %arg8[%get3A_189, %get3A_190] {strides = array<i32>} : memref<24x1024xf32, #tpu.memory_space<vmem>>, vector<1x16xf32>,
      %get3A_192 = vector.shape_cast %get3A_191 : vector<1x16xf32> to vector<16xf32>
      %get3A_193 = arith.constant 2 : i32
      %get3A_194 = arith.index_cast %get3A_193 : i32 to index
      %get3A_195 = arith.index_cast %mul3A_163 : i32 to index
      %get3A_196 = tpu.vector_load %arg10[%get3A_194, %get3A_195] {strides = array<i32>} : memref<24x1024xf32, #tpu.memory_space<vmem>>, vector<1x16xf32>,
      %get3A_197 = vector.shape_cast %get3A_196 : vector<1x16xf32> to vector<16xf32>
      %sub3A_198 = arith.subf %get3A_192, %get3A_197 : vector<16xf32>
      %mul3A_199 = arith.mulf %sub3A_198, %sub3A_198 : vector<16xf32>
      %add3A_200 = arith.addf %scan3A_160, %mul3A_199 : vector<16xf32>
      %get3A_201 = arith.constant 3 : i32
      %get3A_202 = arith.index_cast %get3A_201 : i32 to index
      %get3A_203 = arith.index_cast %mul3A_163 : i32 to index
      %get3A_204 = tpu.vector_load %arg8[%get3A_202, %get3A_203] {strides = array<i32>} : memref<24x1024xf32, #tpu.memory_space<vmem>>, vector<1x16xf32>,
      %get3A_205 = vector.shape_cast %get3A_204 : vector<1x16xf32> to vector<16xf32>
      %get3A_206 = arith.constant 3 : i32
      %get3A_207 = arith.index_cast %get3A_206 : i32 to index
      %get3A_208 = arith.index_cast %mul3A_163 : i32 to index
      %get3A_209 = tpu.vector_load %arg10[%get3A_207, %get3A_208] {strides = array<i32>} : memref<24x1024xf32, #tpu.memory_space<vmem>>, vector<1x16xf32>,
      %get3A_210 = vector.shape_cast %get3A_209 : vector<1x16xf32> to vector<16xf32>
      %sub3A_211 = arith.subf %get3A_205, %get3A_210 : vector<16xf32>
      %mul3A_212 = arith.mulf %sub3A_211, %sub3A_211 : vector<16xf32>
      %add3A_213 = arith.addf %scan3A_161, %mul3A_212 : vector<16xf32>
      %get3A_214 = arith.constant 4 : i32
      %get3A_215 = arith.index_cast %get3A_214 : i32 to index
      %get3A_216 = arith.index_cast %mul3A_163 : i32 to index
      %get3A_217 = tpu.vector_load %arg8[%get3A_215, %get3A_216] {strides = array<i32>} : memref<24x1024xf32, #tpu.memory_space<vmem>>, vector<1x16xf32>,
      %get3A_218 = vector.shape_cast %get3A_217 : vector<1x16xf32> to vector<16xf32>
      %get3A_219 = arith.constant 4 : i32
      %get3A_220 = arith.index_cast %get3A_219 : i32 to index
      %get3A_221 = arith.index_cast %mul3A_163 : i32 to index
      %get3A_222 = tpu.vector_load %arg10[%get3A_220, %get3A_221] {strides = array<i32>} : memref<24x1024xf32, #tpu.memory_space<vmem>>, vector<1x16xf32>,
      %get3A_223 = vector.shape_cast %get3A_222 : vector<1x16xf32> to vector<16xf32>
      %sub3A_224 = arith.subf %get3A_218, %get3A_223 : vector<16xf32>
      %mul3A_225 = arith.mulf %sub3A_224, %sub3A_224 : vector<16xf32>
      %add3A_226 = arith.addf %add3A_174, %mul3A_225 : vector<16xf32>
      %get3A_227 = arith.constant 5 : i32
      %get3A_228 = arith.index_cast %get3A_227 : i32 to index
      %get3A_229 = arith.index_cast %mul3A_163 : i32 to index
      %get3A_230 = tpu.vector_load %arg8[%get3A_228, %get3A_229] {strides = array<i32>} : memref<24x1024xf32, #tpu.memory_space<vmem>>, vector<1x16xf32>,
      %get3A_231 = vector.shape_cast %get3A_230 : vector<1x16xf32> to vector<16xf32>
      %get3A_232 = arith.constant 5 : i32
      %get3A_233 = arith.index_cast %get3A_232 : i32 to index
      %get3A_234 = arith.index_cast %mul3A_163 : i32 to index
      %get3A_235 = tpu.vector_load %arg10[%get3A_233, %get3A_234] {strides = array<i32>} : memref<24x1024xf32, #tpu.memory_space<vmem>>, vector<1x16xf32>,
      %get3A_236 = vector.shape_cast %get3A_235 : vector<1x16xf32> to vector<16xf32>
      %sub3A_237 = arith.subf %get3A_231, %get3A_236 : vector<16xf32>
      %mul3A_238 = arith.mulf %sub3A_237, %sub3A_237 : vector<16xf32>
      %add3A_239 = arith.addf %add3A_187, %mul3A_238 : vector<16xf32>
      %get3A_240 = arith.constant 6 : i32
      %get3A_241 = arith.index_cast %get3A_240 : i32 to index
      %get3A_242 = arith.index_cast %mul3A_163 : i32 to index
      %get3A_243 = tpu.vector_load %arg8[%get3A_241, %get3A_242] {strides = array<i32>} : memref<24x1024xf32, #tpu.memory_space<vmem>>, vector<1x16xf32>,
      %get3A_244 = vector.shape_cast %get3A_243 : vector<1x16xf32> to vector<16xf32>
      %get3A_245 = arith.constant 6 : i32
      %get3A_246 = arith.index_cast %get3A_245 : i32 to index
      %get3A_247 = arith.index_cast %mul3A_163 : i32 to index
      %get3A_248 = tpu.vector_load %arg10[%get3A_246, %get3A_247] {strides = array<i32>} : memref<24x1024xf32, #tpu.memory_space<vmem>>, vector<1x16xf32>,
      %get3A_249 = vector.shape_cast %get3A_248 : vector<1x16xf32> to vector<16xf32>
      %sub3A_250 = arith.subf %get3A_244, %get3A_249 : vector<16xf32>
      %mul3A_251 = arith.mulf %sub3A_250, %sub3A_250 : vector<16xf32>
      %add3A_252 = arith.addf %add3A_200, %mul3A_251 : vector<16xf32>
      %get3A_253 = arith.constant 7 : i32
      %get3A_254 = arith.index_cast %get3A_253 : i32 to index
      %get3A_255 = arith.index_cast %mul3A_163 : i32 to index
      %get3A_256 = tpu.vector_load %arg8[%get3A_254, %get3A_255] {strides = array<i32>} : memref<24x1024xf32, #tpu.memory_space<vmem>>, vector<1x16xf32>,
      %get3A_257 = vector.shape_cast %get3A_256 : vector<1x16xf32> to vector<16xf32>
      %get3A_258 = arith.constant 7 : i32
      %get3A_259 = arith.index_cast %get3A_258 : i32 to index
      %get3A_260 = arith.index_cast %mul3A_163 : i32 to index
      %get3A_261 = tpu.vector_load %arg10[%get3A_259, %get3A_260] {strides = array<i32>} : memref<24x1024xf32, #tpu.memory_space<vmem>>, vector<1x16xf32>,
      %get3A_262 = vector.shape_cast %get3A_261 : vector<1x16xf32> to vector<16xf32>
      %sub3A_263 = arith.subf %get3A_257, %get3A_262 : vector<16xf32>
      %mul3A_264 = arith.mulf %sub3A_263, %sub3A_263 : vector<16xf32>
      %add3A_265 = arith.addf %add3A_213, %mul3A_264 : vector<16xf32>
      %get3A_266 = arith.constant 8 : i32
      %get3A_267 = arith.index_cast %get3A_266 : i32 to index
      %get3A_268 = arith.index_cast %mul3A_163 : i32 to index
      %get3A_269 = tpu.vector_load %arg8[%get3A_267, %get3A_268] {strides = array<i32>} : memref<24x1024xf32, #tpu.memory_space<vmem>>, vector<1x16xf32>,
      %get3A_270 = vector.shape_cast %get3A_269 : vector<1x16xf32> to vector<16xf32>
      %get3A_271 = arith.constant 8 : i32
      %get3A_272 = arith.index_cast %get3A_271 : i32 to index
      %get3A_273 = arith.index_cast %mul3A_163 : i32 to index
      %get3A_274 = tpu.vector_load %arg10[%get3A_272, %get3A_273] {strides = array<i32>} : memref<24x1024xf32, #tpu.memory_space<vmem>>, vector<1x16xf32>,
      %get3A_275 = vector.shape_cast %get3A_274 : vector<1x16xf32> to vector<16xf32>
      %sub3A_276 = arith.subf %get3A_270, %get3A_275 : vector<16xf32>
      %mul3A_277 = arith.mulf %sub3A_276, %sub3A_276 : vector<16xf32>
      %add3A_278 = arith.addf %add3A_226, %mul3A_277 : vector<16xf32>
      %get3A_279 = arith.constant 9 : i32
      %get3A_280 = arith.index_cast %get3A_279 : i32 to index
      %get3A_281 = arith.index_cast %mul3A_163 : i32 to index
      %get3A_282 = tpu.vector_load %arg8[%get3A_280, %get3A_281] {strides = array<i32>} : memref<24x1024xf32, #tpu.memory_space<vmem>>, vector<1x16xf32>,
      %get3A_283 = vector.shape_cast %get3A_282 : vector<1x16xf32> to vector<16xf32>
      %get3A_284 = arith.constant 9 : i32
      %get3A_285 = arith.index_cast %get3A_284 : i32 to index
      %get3A_286 = arith.index_cast %mul3A_163 : i32 to index
      %get3A_287 = tpu.vector_load %arg10[%get3A_285, %get3A_286] {strides = array<i32>} : memref<24x1024xf32, #tpu.memory_space<vmem>>, vector<1x16xf32>,
      %get3A_288 = vector.shape_cast %get3A_287 : vector<1x16xf32> to vector<16xf32>
      %sub3A_289 = arith.subf %get3A_283, %get3A_288 : vector<16xf32>
      %mul3A_290 = arith.mulf %sub3A_289, %sub3A_289 : vector<16xf32>
      %add3A_291 = arith.addf %add3A_239, %mul3A_290 : vector<16xf32>
      %get3A_292 = arith.constant 10 : i32
      %get3A_293 = arith.index_cast %get3A_292 : i32 to index
      %get3A_294 = arith.index_cast %mul3A_163 : i32 to index
      %get3A_295 = tpu.vector_load %arg8[%get3A_293, %get3A_294] {strides = array<i32>} : memref<24x1024xf32, #tpu.memory_space<vmem>>, vector<1x16xf32>,
      %get3A_296 = vector.shape_cast %get3A_295 : vector<1x16xf32> to vector<16xf32>
      %get3A_297 = arith.constant 10 : i32
      %get3A_298 = arith.index_cast %get3A_297 : i32 to index
      %get3A_299 = arith.index_cast %mul3A_163 : i32 to index
      %get3A_300 = tpu.vector_load %arg10[%get3A_298, %get3A_299] {strides = array<i32>} : memref<24x1024xf32, #tpu.memory_space<vmem>>, vector<1x16xf32>,
      %get3A_301 = vector.shape_cast %get3A_300 : vector<1x16xf32> to vector<16xf32>
      %sub3A_302 = arith.subf %get3A_296, %get3A_301 : vector<16xf32>
      %mul3A_303 = arith.mulf %sub3A_302, %sub3A_302 : vector<16xf32>
      %add3A_304 = arith.addf %add3A_252, %mul3A_303 : vector<16xf32>
      %get3A_305 = arith.constant 11 : i32
      %get3A_306 = arith.index_cast %get3A_305 : i32 to index
      %get3A_307 = arith.index_cast %mul3A_163 : i32 to index
      %get3A_308 = tpu.vector_load %arg8[%get3A_306, %get3A_307] {strides = array<i32>} : memref<24x1024xf32, #tpu.memory_space<vmem>>, vector<1x16xf32>,
      %get3A_309 = vector.shape_cast %get3A_308 : vector<1x16xf32> to vector<16xf32>
      %get3A_310 = arith.constant 11 : i32
      %get3A_311 = arith.index_cast %get3A_310 : i32 to index
      %get3A_312 = arith.index_cast %mul3A_163 : i32 to index
      %get3A_313 = tpu.vector_load %arg10[%get3A_311, %get3A_312] {strides = array<i32>} : memref<24x1024xf32, #tpu.memory_space<vmem>>, vector<1x16xf32>,
      %get3A_314 = vector.shape_cast %get3A_313 : vector<1x16xf32> to vector<16xf32>
      %sub3A_315 = arith.subf %get3A_309, %get3A_314 : vector<16xf32>
      %mul3A_316 = arith.mulf %sub3A_315, %sub3A_315 : vector<16xf32>
      %add3A_317 = arith.addf %add3A_265, %mul3A_316 : vector<16xf32>
      %get3A_318 = arith.constant 12 : i32
      %get3A_319 = arith.index_cast %get3A_318 : i32 to index
      %get3A_320 = arith.index_cast %mul3A_163 : i32 to index
      %get3A_321 = tpu.vector_load %arg8[%get3A_319, %get3A_320] {strides = array<i32>} : memref<24x1024xf32, #tpu.memory_space<vmem>>, vector<1x16xf32>,
      %get3A_322 = vector.shape_cast %get3A_321 : vector<1x16xf32> to vector<16xf32>
      %get3A_323 = arith.constant 12 : i32
      %get3A_324 = arith.index_cast %get3A_323 : i32 to index
      %get3A_325 = arith.index_cast %mul3A_163 : i32 to index
      %get3A_326 = tpu.vector_load %arg10[%get3A_324, %get3A_325] {strides = array<i32>} : memref<24x1024xf32, #tpu.memory_space<vmem>>, vector<1x16xf32>,
      %get3A_327 = vector.shape_cast %get3A_326 : vector<1x16xf32> to vector<16xf32>
      %sub3A_328 = arith.subf %get3A_322, %get3A_327 : vector<16xf32>
      %mul3A_329 = arith.mulf %sub3A_328, %sub3A_328 : vector<16xf32>
      %add3A_330 = arith.addf %add3A_278, %mul3A_329 : vector<16xf32>
      %get3A_331 = arith.constant 13 : i32
      %get3A_332 = arith.index_cast %get3A_331 : i32 to index
      %get3A_333 = arith.index_cast %mul3A_163 : i32 to index
      %get3A_334 = tpu.vector_load %arg8[%get3A_332, %get3A_333] {strides = array<i32>} : memref<24x1024xf32, #tpu.memory_space<vmem>>, vector<1x16xf32>,
      %get3A_335 = vector.shape_cast %get3A_334 : vector<1x16xf32> to vector<16xf32>
      %get3A_336 = arith.constant 13 : i32
      %get3A_337 = arith.index_cast %get3A_336 : i32 to index
      %get3A_338 = arith.index_cast %mul3A_163 : i32 to index
      %get3A_339 = tpu.vector_load %arg10[%get3A_337, %get3A_338] {strides = array<i32>} : memref<24x1024xf32, #tpu.memory_space<vmem>>, vector<1x16xf32>,
      %get3A_340 = vector.shape_cast %get3A_339 : vector<1x16xf32> to vector<16xf32>
      %sub3A_341 = arith.subf %get3A_335, %get3A_340 : vector<16xf32>
      %mul3A_342 = arith.mulf %sub3A_341, %sub3A_341 : vector<16xf32>
      %add3A_343 = arith.addf %add3A_291, %mul3A_342 : vector<16xf32>
      %get3A_344 = arith.constant 14 : i32
      %get3A_345 = arith.index_cast %get3A_344 : i32 to index
      %get3A_346 = arith.index_cast %mul3A_163 : i32 to index
      %get3A_347 = tpu.vector_load %arg8[%get3A_345, %get3A_346] {strides = array<i32>} : memref<24x1024xf32, #tpu.memory_space<vmem>>, vector<1x16xf32>,
      %get3A_348 = vector.shape_cast %get3A_347 : vector<1x16xf32> to vector<16xf32>
      %get3A_349 = arith.constant 14 : i32
      %get3A_350 = arith.index_cast %get3A_349 : i32 to index
      %get3A_351 = arith.index_cast %mul3A_163 : i32 to index
      %get3A_352 = tpu.vector_load %arg10[%get3A_350, %get3A_351] {strides = array<i32>} : memref<24x1024xf32, #tpu.memory_space<vmem>>, vector<1x16xf32>,
      %get3A_353 = vector.shape_cast %get3A_352 : vector<1x16xf32> to vector<16xf32>
      %sub3A_354 = arith.subf %get3A_348, %get3A_353 : vector<16xf32>
      %mul3A_355 = arith.mulf %sub3A_354, %sub3A_354 : vector<16xf32>
      %add3A_356 = arith.addf %add3A_304, %mul3A_355 : vector<16xf32>
      %get3A_357 = arith.constant 15 : i32
      %get3A_358 = arith.index_cast %get3A_357 : i32 to index
      %get3A_359 = arith.index_cast %mul3A_163 : i32 to index
      %get3A_360 = tpu.vector_load %arg8[%get3A_358, %get3A_359] {strides = array<i32>} : memref<24x1024xf32, #tpu.memory_space<vmem>>, vector<1x16xf32>,
      %get3A_361 = vector.shape_cast %get3A_360 : vector<1x16xf32> to vector<16xf32>
      %get3A_362 = arith.constant 15 : i32
      %get3A_363 = arith.index_cast %get3A_362 : i32 to index
      %get3A_364 = arith.index_cast %mul3A_163 : i32 to index
      %get3A_365 = tpu.vector_load %arg10[%get3A_363, %get3A_364] {strides = array<i32>} : memref<24x1024xf32, #tpu.memory_space<vmem>>, vector<1x16xf32>,
      %get3A_366 = vector.shape_cast %get3A_365 : vector<1x16xf32> to vector<16xf32>
      %sub3A_367 = arith.subf %get3A_361, %get3A_366 : vector<16xf32>
      %mul3A_368 = arith.mulf %sub3A_367, %sub3A_367 : vector<16xf32>
      %add3A_369 = arith.addf %add3A_317, %mul3A_368 : vector<16xf32>
      %get3A_370 = arith.constant 16 : i32
      %get3A_371 = arith.index_cast %get3A_370 : i32 to index
      %get3A_372 = arith.index_cast %mul3A_163 : i32 to index
      %get3A_373 = tpu.vector_load %arg8[%get3A_371, %get3A_372] {strides = array<i32>} : memref<24x1024xf32, #tpu.memory_space<vmem>>, vector<1x16xf32>,
      %get3A_374 = vector.shape_cast %get3A_373 : vector<1x16xf32> to vector<16xf32>
      %get3A_375 = arith.constant 16 : i32
      %get3A_376 = arith.index_cast %get3A_375 : i32 to index
      %get3A_377 = arith.index_cast %mul3A_163 : i32 to index
      %get3A_378 = tpu.vector_load %arg10[%get3A_376, %get3A_377] {strides = array<i32>} : memref<24x1024xf32, #tpu.memory_space<vmem>>, vector<1x16xf32>,
      %get3A_379 = vector.shape_cast %get3A_378 : vector<1x16xf32> to vector<16xf32>
      %sub3A_380 = arith.subf %get3A_374, %get3A_379 : vector<16xf32>
      %mul3A_381 = arith.mulf %sub3A_380, %sub3A_380 : vector<16xf32>
      %add3A_382 = arith.addf %add3A_330, %mul3A_381 : vector<16xf32>
      %get3A_383 = arith.constant 17 : i32
      %get3A_384 = arith.index_cast %get3A_383 : i32 to index
      %get3A_385 = arith.index_cast %mul3A_163 : i32 to index
      %get3A_386 = tpu.vector_load %arg8[%get3A_384, %get3A_385] {strides = array<i32>} : memref<24x1024xf32, #tpu.memory_space<vmem>>, vector<1x16xf32>,
      %get3A_387 = vector.shape_cast %get3A_386 : vector<1x16xf32> to vector<16xf32>
      %get3A_388 = arith.constant 17 : i32
      %get3A_389 = arith.index_cast %get3A_388 : i32 to index
      %get3A_390 = arith.index_cast %mul3A_163 : i32 to index
      %get3A_391 = tpu.vector_load %arg10[%get3A_389, %get3A_390] {strides = array<i32>} : memref<24x1024xf32, #tpu.memory_space<vmem>>, vector<1x16xf32>,
      %get3A_392 = vector.shape_cast %get3A_391 : vector<1x16xf32> to vector<16xf32>
      %sub3A_393 = arith.subf %get3A_387, %get3A_392 : vector<16xf32>
      %mul3A_394 = arith.mulf %sub3A_393, %sub3A_393 : vector<16xf32>
      %add3A_395 = arith.addf %add3A_343, %mul3A_394 : vector<16xf32>
      %get3A_396 = arith.constant 18 : i32
      %get3A_397 = arith.index_cast %get3A_396 : i32 to index
      %get3A_398 = arith.index_cast %mul3A_163 : i32 to index
      %get3A_399 = tpu.vector_load %arg8[%get3A_397, %get3A_398] {strides = array<i32>} : memref<24x1024xf32, #tpu.memory_space<vmem>>, vector<1x16xf32>,
      %get3A_400 = vector.shape_cast %get3A_399 : vector<1x16xf32> to vector<16xf32>
      %get3A_401 = arith.constant 18 : i32
      %get3A_402 = arith.index_cast %get3A_401 : i32 to index
      %get3A_403 = arith.index_cast %mul3A_163 : i32 to index
      %get3A_404 = tpu.vector_load %arg10[%get3A_402, %get3A_403] {strides = array<i32>} : memref<24x1024xf32, #tpu.memory_space<vmem>>, vector<1x16xf32>,
      %get3A_405 = vector.shape_cast %get3A_404 : vector<1x16xf32> to vector<16xf32>
      %sub3A_406 = arith.subf %get3A_400, %get3A_405 : vector<16xf32>
      %mul3A_407 = arith.mulf %sub3A_406, %sub3A_406 : vector<16xf32>
      %add3A_408 = arith.addf %add3A_356, %mul3A_407 : vector<16xf32>
      %get3A_409 = arith.constant 19 : i32
      %get3A_410 = arith.index_cast %get3A_409 : i32 to index
      %get3A_411 = arith.index_cast %mul3A_163 : i32 to index
      %get3A_412 = tpu.vector_load %arg8[%get3A_410, %get3A_411] {strides = array<i32>} : memref<24x1024xf32, #tpu.memory_space<vmem>>, vector<1x16xf32>,
      %get3A_413 = vector.shape_cast %get3A_412 : vector<1x16xf32> to vector<16xf32>
      %get3A_414 = arith.constant 19 : i32
      %get3A_415 = arith.index_cast %get3A_414 : i32 to index
      %get3A_416 = arith.index_cast %mul3A_163 : i32 to index
      %get3A_417 = tpu.vector_load %arg10[%get3A_415, %get3A_416] {strides = array<i32>} : memref<24x1024xf32, #tpu.memory_space<vmem>>, vector<1x16xf32>,
      %get3A_418 = vector.shape_cast %get3A_417 : vector<1x16xf32> to vector<16xf32>
      %sub3A_419 = arith.subf %get3A_413, %get3A_418 : vector<16xf32>
      %mul3A_420 = arith.mulf %sub3A_419, %sub3A_419 : vector<16xf32>
      %add3A_421 = arith.addf %add3A_369, %mul3A_420 : vector<16xf32>
      %get3A_422 = arith.constant 20 : i32
      %get3A_423 = arith.index_cast %get3A_422 : i32 to index
      %get3A_424 = arith.index_cast %mul3A_163 : i32 to index
      %get3A_425 = tpu.vector_load %arg8[%get3A_423, %get3A_424] {strides = array<i32>} : memref<24x1024xf32, #tpu.memory_space<vmem>>, vector<1x16xf32>,
      %get3A_426 = vector.shape_cast %get3A_425 : vector<1x16xf32> to vector<16xf32>
      %get3A_427 = arith.constant 20 : i32
      %get3A_428 = arith.index_cast %get3A_427 : i32 to index
      %get3A_429 = arith.index_cast %mul3A_163 : i32 to index
      %get3A_430 = tpu.vector_load %arg10[%get3A_428, %get3A_429] {strides = array<i32>} : memref<24x1024xf32, #tpu.memory_space<vmem>>, vector<1x16xf32>,
      %get3A_431 = vector.shape_cast %get3A_430 : vector<1x16xf32> to vector<16xf32>
      %sub3A_432 = arith.subf %get3A_426, %get3A_431 : vector<16xf32>
      %mul3A_433 = arith.mulf %sub3A_432, %sub3A_432 : vector<16xf32>
      %add3A_434 = arith.addf %add3A_382, %mul3A_433 : vector<16xf32>
      %get3A_435 = arith.constant 21 : i32
      %get3A_436 = arith.index_cast %get3A_435 : i32 to index
      %get3A_437 = arith.index_cast %mul3A_163 : i32 to index
      %get3A_438 = tpu.vector_load %arg8[%get3A_436, %get3A_437] {strides = array<i32>} : memref<24x1024xf32, #tpu.memory_space<vmem>>, vector<1x16xf32>,
      %get3A_439 = vector.shape_cast %get3A_438 : vector<1x16xf32> to vector<16xf32>
      %get3A_440 = arith.constant 21 : i32
      %get3A_441 = arith.index_cast %get3A_440 : i32 to index
      %get3A_442 = arith.index_cast %mul3A_163 : i32 to index
      %get3A_443 = tpu.vector_load %arg10[%get3A_441, %get3A_442] {strides = array<i32>} : memref<24x1024xf32, #tpu.memory_space<vmem>>, vector<1x16xf32>,
      %get3A_444 = vector.shape_cast %get3A_443 : vector<1x16xf32> to vector<16xf32>
      %sub3A_445 = arith.subf %get3A_439, %get3A_444 : vector<16xf32>
      %mul3A_446 = arith.mulf %sub3A_445, %sub3A_445 : vector<16xf32>
      %add3A_447 = arith.addf %add3A_395, %mul3A_446 : vector<16xf32>
      %get3A_448 = arith.constant 22 : i32
      %get3A_449 = arith.index_cast %get3A_448 : i32 to index
      %get3A_450 = arith.index_cast %mul3A_163 : i32 to index
      %get3A_451 = tpu.vector_load %arg8[%get3A_449, %get3A_450] {strides = array<i32>} : memref<24x1024xf32, #tpu.memory_space<vmem>>, vector<1x16xf32>,
      %get3A_452 = vector.shape_cast %get3A_451 : vector<1x16xf32> to vector<16xf32>
      %get3A_453 = arith.constant 22 : i32
      %get3A_454 = arith.index_cast %get3A_453 : i32 to index
      %get3A_455 = arith.index_cast %mul3A_163 : i32 to index
      %get3A_456 = tpu.vector_load %arg10[%get3A_454, %get3A_455] {strides = array<i32>} : memref<24x1024xf32, #tpu.memory_space<vmem>>, vector<1x16xf32>,
      %get3A_457 = vector.shape_cast %get3A_456 : vector<1x16xf32> to vector<16xf32>
      %sub3A_458 = arith.subf %get3A_452, %get3A_457 : vector<16xf32>
      %mul3A_459 = arith.mulf %sub3A_458, %sub3A_458 : vector<16xf32>
      %add3A_460 = arith.addf %add3A_408, %mul3A_459 : vector<16xf32>
      %get3A_461 = arith.constant 23 : i32
      %get3A_462 = arith.index_cast %get3A_461 : i32 to index
      %get3A_463 = arith.index_cast %mul3A_163 : i32 to index
      %get3A_464 = tpu.vector_load %arg8[%get3A_462, %get3A_463] {strides = array<i32>} : memref<24x1024xf32, #tpu.memory_space<vmem>>, vector<1x16xf32>,
      %get3A_465 = vector.shape_cast %get3A_464 : vector<1x16xf32> to vector<16xf32>
      %get3A_466 = arith.constant 23 : i32
      %get3A_467 = arith.index_cast %get3A_466 : i32 to index
      %get3A_468 = arith.index_cast %mul3A_163 : i32 to index
      %get3A_469 = tpu.vector_load %arg10[%get3A_467, %get3A_468] {strides = array<i32>} : memref<24x1024xf32, #tpu.memory_space<vmem>>, vector<1x16xf32>,
      %get3A_470 = vector.shape_cast %get3A_469 : vector<1x16xf32> to vector<16xf32>
      %sub3A_471 = arith.subf %get3A_465, %get3A_470 : vector<16xf32>
      %mul3A_472 = arith.mulf %sub3A_471, %sub3A_471 : vector<16xf32>
      %add3A_473 = arith.addf %add3A_421, %mul3A_472 : vector<16xf32>
      scf.yield %add3A_434, %add3A_447, %add3A_460, %add3A_473 : vector<16xf32>, vector<16xf32>, vector<16xf32>, vector<16xf32>
    }
    %scan3A_94 = arith.constant 64 : i32
    %add3A_95 = arith.constant 24 : i32
    %add3A_96 = arith.addi %mul3A_2, %add3A_95 : i32
    %dma_start3A_97 = arith.constant 1 : i32
    %dma_start3A_98 = arith.constant 0 : i32
    %dma_start3A_99 = tpu.memref_slice %arg4[%add3A_96, %dma_start3A_98] : memref<4096x1024xf32, #tpu.memory_space<hbm>> -> memref<24x1024xf32, #tpu.memory_space<hbm>>
    %dma_start3A_100 = tpu.memref_slice %arg12[%dma_start3A_97] : memref<4x!tpu.dma_semaphore, #tpu.memory_space<semaphore_mem>> -> memref<1x!tpu.dma_semaphore, #tpu.memory_space<semaphore_mem>>
    %dma_start3A_101 = tpu.memref_squeeze %dma_start3A_100 : memref<1x!tpu.dma_semaphore, #tpu.memory_space<semaphore_mem>> -> memref<!tpu.dma_semaphore, #tpu.memory_space<semaphore_mem>>
    %dma_start3A_102 = arith.constant 0 : i32
    %dma_start3A_103 = tpu.memref_slice %arg4[%add3A_96, %dma_start3A_102] : memref<4096x1024xf32, #tpu.memory_space<hbm>> -> memref<24x1024xf32, #tpu.memory_space<hbm>>
    tpu.enqueue_dma source(%dma_start3A_103 : memref<24x1024xf32, #tpu.memory_space<hbm>>) target(%arg8 : memref<24x1024xf32, #tpu.memory_space<vmem>>) target_semaphore(%dma_start3A_101 : memref<!tpu.dma_semaphore, #tpu.memory_space<semaphore_mem>>)
    %dma_start3A_104 = arith.constant 3 : i32
    %dma_start3A_105 = arith.constant 0 : i32
    %dma_start3A_106 = tpu.memref_slice %arg5[%add3A_96, %dma_start3A_105] : memref<4096x1024xf32, #tpu.memory_space<hbm>> -> memref<24x1024xf32, #tpu.memory_space<hbm>>
    %dma_start3A_107 = tpu.memref_slice %arg12[%dma_start3A_104] : memref<4x!tpu.dma_semaphore, #tpu.memory_space<semaphore_mem>> -> memref<1x!tpu.dma_semaphore, #tpu.memory_space<semaphore_mem>>
    %dma_start3A_108 = tpu.memref_squeeze %dma_start3A_107 : memref<1x!tpu.dma_semaphore, #tpu.memory_space<semaphore_mem>> -> memref<!tpu.dma_semaphore, #tpu.memory_space<semaphore_mem>>
    %dma_start3A_109 = arith.constant 0 : i32
    %dma_start3A_110 = tpu.memref_slice %arg5[%add3A_96, %dma_start3A_109] : memref<4096x1024xf32, #tpu.memory_space<hbm>> -> memref<24x1024xf32, #tpu.memory_space<hbm>>
    tpu.enqueue_dma source(%dma_start3A_110 : memref<24x1024xf32, #tpu.memory_space<hbm>>) target(%arg10 : memref<24x1024xf32, #tpu.memory_space<vmem>>) target_semaphore(%dma_start3A_108 : memref<!tpu.dma_semaphore, #tpu.memory_space<semaphore_mem>>)
    %dma_wait3A_111 = arith.constant 0 : i32
    %dma_wait3A_112 = arith.constant 0 : i32
    %dma_wait3A_113 = tpu.memref_slice %arg4[%add3A_60, %dma_wait3A_112] : memref<4096x1024xf32, #tpu.memory_space<hbm>> -> memref<24x1024xf32, #tpu.memory_space<hbm>>
    %dma_wait3A_114 = tpu.memref_slice %arg12[%dma_wait3A_111] : memref<4x!tpu.dma_semaphore, #tpu.memory_space<semaphore_mem>> -> memref<1x!tpu.dma_semaphore, #tpu.memory_space<semaphore_mem>>
    %dma_wait3A_115 = tpu.memref_squeeze %dma_wait3A_114 : memref<1x!tpu.dma_semaphore, #tpu.memory_space<semaphore_mem>> -> memref<!tpu.dma_semaphore, #tpu.memory_space<semaphore_mem>>
    %dma_wait3A_116 = arith.constant 0 : i32
    %dma_wait3A_117 = tpu.memref_slice %arg4[%add3A_60, %dma_wait3A_116] : memref<4096x1024xf32, #tpu.memory_space<hbm>> -> memref<24x1024xf32, #tpu.memory_space<hbm>>
    tpu.wait_dma2 semaphore(%dma_wait3A_115 : memref<!tpu.dma_semaphore, #tpu.memory_space<semaphore_mem>>) src(%dma_wait3A_117 : memref<24x1024xf32, #tpu.memory_space<hbm>>) dst(%arg7 : memref<24x1024xf32, #tpu.memory_space<vmem>>)
    %dma_wait3A_118 = arith.constant 2 : i32
    %dma_wait3A_119 = arith.constant 0 : i32
    %dma_wait3A_120 = tpu.memref_slice %arg5[%add3A_60, %dma_wait3A_119] : memref<4096x1024xf32, #tpu.memory_space<hbm>> -> memref<24x1024xf32, #tpu.memory_space<hbm>>
    %dma_wait3A_121 = tpu.memref_slice %arg12[%dma_wait3A_118] : memref<4x!tpu.dma_semaphore, #tpu.memory_space<semaphore_mem>> -> memref<1x!tpu.dma_semaphore, #tpu.memory_space<semaphore_mem>>
    %dma_wait3A_122 = tpu.memref_squeeze %dma_wait3A_121 : memref<1x!tpu.dma_semaphore, #tpu.memory_space<semaphore_mem>> -> memref<!tpu.dma_semaphore, #tpu.memory_space<semaphore_mem>>
    %dma_wait3A_123 = arith.constant 0 : i32
    %dma_wait3A_124 = tpu.memref_slice %arg5[%add3A_60, %dma_wait3A_123] : memref<4096x1024xf32, #tpu.memory_space<hbm>> -> memref<24x1024xf32, #tpu.memory_space<hbm>>
    tpu.wait_dma2 semaphore(%dma_wait3A_122 : memref<!tpu.dma_semaphore, #tpu.memory_space<semaphore_mem>>) src(%dma_wait3A_124 : memref<24x1024xf32, #tpu.memory_space<hbm>>) dst(%arg9 : memref<24x1024xf32, #tpu.memory_space<vmem>>)
    %scan3A_125 = arith.constant 0 : i32
    %scan3A_126 = arith.constant 64 : i32
    %scan3A_127 = arith.addi %scan3A_125, %scan3A_126 : i32
    %scan3A_128 = arith.constant 1 : i32
    %scan3A_129:4 = scf.for %scan3A_157 = %scan3A_125 to %scan3A_127 step %scan3A_128 iter_args(%scan3A_158 = %scan3A_93#0, %scan3A_159 = %scan3A_93#1, %scan3A_160 = %scan3A_93#2, %scan3A_161 = %scan3A_93#3) -> (vector<16xf32>, vector<16xf32>, vector<16xf32>, vector<16xf32>)  : i32 {
      %mul3A_162 = arith.constant 16 : i32
      %mul3A_163 = arith.muli %scan3A_157, %mul3A_162 : i32
      %get3A = arith.constant 0 : i32
      %get3A_164 = arith.index_cast %get3A : i32 to index
      %get3A_165 = arith.index_cast %mul3A_163 : i32 to index
      %get3A_166 = tpu.vector_load %arg7[%get3A_164, %get3A_165] {strides = array<i32>} : memref<24x1024xf32, #tpu.memory_space<vmem>>, vector<1x16xf32>,
      %get3A_167 = vector.shape_cast %get3A_166 : vector<1x16xf32> to vector<16xf32>
      %get3A_168 = arith.constant 0 : i32
      %get3A_169 = arith.index_cast %get3A_168 : i32 to index
      %get3A_170 = arith.index_cast %mul3A_163 : i32 to index
      %get3A_171 = tpu.vector_load %arg9[%get3A_169, %get3A_170] {strides = array<i32>} : memref<24x1024xf32, #tpu.memory_space<vmem>>, vector<1x16xf32>,
      %get3A_172 = vector.shape_cast %get3A_171 : vector<1x16xf32> to vector<16xf32>
      %sub3A = arith.subf %get3A_167, %get3A_172 : vector<16xf32>
      %mul3A_173 = arith.mulf %sub3A, %sub3A : vector<16xf32>
      %add3A_174 = arith.addf %scan3A_158, %mul3A_173 : vector<16xf32>
      %get3A_175 = arith.constant 1 : i32
      %get3A_176 = arith.index_cast %get3A_175 : i32 to index
      %get3A_177 = arith.index_cast %mul3A_163 : i32 to index
      %get3A_178 = tpu.vector_load %arg7[%get3A_176, %get3A_177] {strides = array<i32>} : memref<24x1024xf32, #tpu.memory_space<vmem>>, vector<1x16xf32>,
      %get3A_179 = vector.shape_cast %get3A_178 : vector<1x16xf32> to vector<16xf32>
      %get3A_180 = arith.constant 1 : i32
      %get3A_181 = arith.index_cast %get3A_180 : i32 to index
      %get3A_182 = arith.index_cast %mul3A_163 : i32 to index
      %get3A_183 = tpu.vector_load %arg9[%get3A_181, %get3A_182] {strides = array<i32>} : memref<24x1024xf32, #tpu.memory_space<vmem>>, vector<1x16xf32>,
      %get3A_184 = vector.shape_cast %get3A_183 : vector<1x16xf32> to vector<16xf32>
      %sub3A_185 = arith.subf %get3A_179, %get3A_184 : vector<16xf32>
      %mul3A_186 = arith.mulf %sub3A_185, %sub3A_185 : vector<16xf32>
      %add3A_187 = arith.addf %scan3A_159, %mul3A_186 : vector<16xf32>
      %get3A_188 = arith.constant 2 : i32
      %get3A_189 = arith.index_cast %get3A_188 : i32 to index
      %get3A_190 = arith.index_cast %mul3A_163 : i32 to index
      %get3A_191 = tpu.vector_load %arg7[%get3A_189, %get3A_190] {strides = array<i32>} : memref<24x1024xf32, #tpu.memory_space<vmem>>, vector<1x16xf32>,
      %get3A_192 = vector.shape_cast %get3A_191 : vector<1x16xf32> to vector<16xf32>
      %get3A_193 = arith.constant 2 : i32
      %get3A_194 = arith.index_cast %get3A_193 : i32 to index
      %get3A_195 = arith.index_cast %mul3A_163 : i32 to index
      %get3A_196 = tpu.vector_load %arg9[%get3A_194, %get3A_195] {strides = array<i32>} : memref<24x1024xf32, #tpu.memory_space<vmem>>, vector<1x16xf32>,
      %get3A_197 = vector.shape_cast %get3A_196 : vector<1x16xf32> to vector<16xf32>
      %sub3A_198 = arith.subf %get3A_192, %get3A_197 : vector<16xf32>
      %mul3A_199 = arith.mulf %sub3A_198, %sub3A_198 : vector<16xf32>
      %add3A_200 = arith.addf %scan3A_160, %mul3A_199 : vector<16xf32>
      %get3A_201 = arith.constant 3 : i32
      %get3A_202 = arith.index_cast %get3A_201 : i32 to index
      %get3A_203 = arith.index_cast %mul3A_163 : i32 to index
      %get3A_204 = tpu.vector_load %arg7[%get3A_202, %get3A_203] {strides = array<i32>} : memref<24x1024xf32, #tpu.memory_space<vmem>>, vector<1x16xf32>,
      %get3A_205 = vector.shape_cast %get3A_204 : vector<1x16xf32> to vector<16xf32>
      %get3A_206 = arith.constant 3 : i32
      %get3A_207 = arith.index_cast %get3A_206 : i32 to index
      %get3A_208 = arith.index_cast %mul3A_163 : i32 to index
      %get3A_209 = tpu.vector_load %arg9[%get3A_207, %get3A_208] {strides = array<i32>} : memref<24x1024xf32, #tpu.memory_space<vmem>>, vector<1x16xf32>,
      %get3A_210 = vector.shape_cast %get3A_209 : vector<1x16xf32> to vector<16xf32>
      %sub3A_211 = arith.subf %get3A_205, %get3A_210 : vector<16xf32>
      %mul3A_212 = arith.mulf %sub3A_211, %sub3A_211 : vector<16xf32>
      %add3A_213 = arith.addf %scan3A_161, %mul3A_212 : vector<16xf32>
      %get3A_214 = arith.constant 4 : i32
      %get3A_215 = arith.index_cast %get3A_214 : i32 to index
      %get3A_216 = arith.index_cast %mul3A_163 : i32 to index
      %get3A_217 = tpu.vector_load %arg7[%get3A_215, %get3A_216] {strides = array<i32>} : memref<24x1024xf32, #tpu.memory_space<vmem>>, vector<1x16xf32>,
      %get3A_218 = vector.shape_cast %get3A_217 : vector<1x16xf32> to vector<16xf32>
      %get3A_219 = arith.constant 4 : i32
      %get3A_220 = arith.index_cast %get3A_219 : i32 to index
      %get3A_221 = arith.index_cast %mul3A_163 : i32 to index
      %get3A_222 = tpu.vector_load %arg9[%get3A_220, %get3A_221] {strides = array<i32>} : memref<24x1024xf32, #tpu.memory_space<vmem>>, vector<1x16xf32>,
      %get3A_223 = vector.shape_cast %get3A_222 : vector<1x16xf32> to vector<16xf32>
      %sub3A_224 = arith.subf %get3A_218, %get3A_223 : vector<16xf32>
      %mul3A_225 = arith.mulf %sub3A_224, %sub3A_224 : vector<16xf32>
      %add3A_226 = arith.addf %add3A_174, %mul3A_225 : vector<16xf32>
      %get3A_227 = arith.constant 5 : i32
      %get3A_228 = arith.index_cast %get3A_227 : i32 to index
      %get3A_229 = arith.index_cast %mul3A_163 : i32 to index
      %get3A_230 = tpu.vector_load %arg7[%get3A_228, %get3A_229] {strides = array<i32>} : memref<24x1024xf32, #tpu.memory_space<vmem>>, vector<1x16xf32>,
      %get3A_231 = vector.shape_cast %get3A_230 : vector<1x16xf32> to vector<16xf32>
      %get3A_232 = arith.constant 5 : i32
      %get3A_233 = arith.index_cast %get3A_232 : i32 to index
      %get3A_234 = arith.index_cast %mul3A_163 : i32 to index
      %get3A_235 = tpu.vector_load %arg9[%get3A_233, %get3A_234] {strides = array<i32>} : memref<24x1024xf32, #tpu.memory_space<vmem>>, vector<1x16xf32>,
      %get3A_236 = vector.shape_cast %get3A_235 : vector<1x16xf32> to vector<16xf32>
      %sub3A_237 = arith.subf %get3A_231, %get3A_236 : vector<16xf32>
      %mul3A_238 = arith.mulf %sub3A_237, %sub3A_237 : vector<16xf32>
      %add3A_239 = arith.addf %add3A_187, %mul3A_238 : vector<16xf32>
      %get3A_240 = arith.constant 6 : i32
      %get3A_241 = arith.index_cast %get3A_240 : i32 to index
      %get3A_242 = arith.index_cast %mul3A_163 : i32 to index
      %get3A_243 = tpu.vector_load %arg7[%get3A_241, %get3A_242] {strides = array<i32>} : memref<24x1024xf32, #tpu.memory_space<vmem>>, vector<1x16xf32>,
      %get3A_244 = vector.shape_cast %get3A_243 : vector<1x16xf32> to vector<16xf32>
      %get3A_245 = arith.constant 6 : i32
      %get3A_246 = arith.index_cast %get3A_245 : i32 to index
      %get3A_247 = arith.index_cast %mul3A_163 : i32 to index
      %get3A_248 = tpu.vector_load %arg9[%get3A_246, %get3A_247] {strides = array<i32>} : memref<24x1024xf32, #tpu.memory_space<vmem>>, vector<1x16xf32>,
      %get3A_249 = vector.shape_cast %get3A_248 : vector<1x16xf32> to vector<16xf32>
      %sub3A_250 = arith.subf %get3A_244, %get3A_249 : vector<16xf32>
      %mul3A_251 = arith.mulf %sub3A_250, %sub3A_250 : vector<16xf32>
      %add3A_252 = arith.addf %add3A_200, %mul3A_251 : vector<16xf32>
      %get3A_253 = arith.constant 7 : i32
      %get3A_254 = arith.index_cast %get3A_253 : i32 to index
      %get3A_255 = arith.index_cast %mul3A_163 : i32 to index
      %get3A_256 = tpu.vector_load %arg7[%get3A_254, %get3A_255] {strides = array<i32>} : memref<24x1024xf32, #tpu.memory_space<vmem>>, vector<1x16xf32>,
      %get3A_257 = vector.shape_cast %get3A_256 : vector<1x16xf32> to vector<16xf32>
      %get3A_258 = arith.constant 7 : i32
      %get3A_259 = arith.index_cast %get3A_258 : i32 to index
      %get3A_260 = arith.index_cast %mul3A_163 : i32 to index
      %get3A_261 = tpu.vector_load %arg9[%get3A_259, %get3A_260] {strides = array<i32>} : memref<24x1024xf32, #tpu.memory_space<vmem>>, vector<1x16xf32>,
      %get3A_262 = vector.shape_cast %get3A_261 : vector<1x16xf32> to vector<16xf32>
      %sub3A_263 = arith.subf %get3A_257, %get3A_262 : vector<16xf32>
      %mul3A_264 = arith.mulf %sub3A_263, %sub3A_263 : vector<16xf32>
      %add3A_265 = arith.addf %add3A_213, %mul3A_264 : vector<16xf32>
      %get3A_266 = arith.constant 8 : i32
      %get3A_267 = arith.index_cast %get3A_266 : i32 to index
      %get3A_268 = arith.index_cast %mul3A_163 : i32 to index
      %get3A_269 = tpu.vector_load %arg7[%get3A_267, %get3A_268] {strides = array<i32>} : memref<24x1024xf32, #tpu.memory_space<vmem>>, vector<1x16xf32>,
      %get3A_270 = vector.shape_cast %get3A_269 : vector<1x16xf32> to vector<16xf32>
      %get3A_271 = arith.constant 8 : i32
      %get3A_272 = arith.index_cast %get3A_271 : i32 to index
      %get3A_273 = arith.index_cast %mul3A_163 : i32 to index
      %get3A_274 = tpu.vector_load %arg9[%get3A_272, %get3A_273] {strides = array<i32>} : memref<24x1024xf32, #tpu.memory_space<vmem>>, vector<1x16xf32>,
      %get3A_275 = vector.shape_cast %get3A_274 : vector<1x16xf32> to vector<16xf32>
      %sub3A_276 = arith.subf %get3A_270, %get3A_275 : vector<16xf32>
      %mul3A_277 = arith.mulf %sub3A_276, %sub3A_276 : vector<16xf32>
      %add3A_278 = arith.addf %add3A_226, %mul3A_277 : vector<16xf32>
      %get3A_279 = arith.constant 9 : i32
      %get3A_280 = arith.index_cast %get3A_279 : i32 to index
      %get3A_281 = arith.index_cast %mul3A_163 : i32 to index
      %get3A_282 = tpu.vector_load %arg7[%get3A_280, %get3A_281] {strides = array<i32>} : memref<24x1024xf32, #tpu.memory_space<vmem>>, vector<1x16xf32>,
      %get3A_283 = vector.shape_cast %get3A_282 : vector<1x16xf32> to vector<16xf32>
      %get3A_284 = arith.constant 9 : i32
      %get3A_285 = arith.index_cast %get3A_284 : i32 to index
      %get3A_286 = arith.index_cast %mul3A_163 : i32 to index
      %get3A_287 = tpu.vector_load %arg9[%get3A_285, %get3A_286] {strides = array<i32>} : memref<24x1024xf32, #tpu.memory_space<vmem>>, vector<1x16xf32>,
      %get3A_288 = vector.shape_cast %get3A_287 : vector<1x16xf32> to vector<16xf32>
      %sub3A_289 = arith.subf %get3A_283, %get3A_288 : vector<16xf32>
      %mul3A_290 = arith.mulf %sub3A_289, %sub3A_289 : vector<16xf32>
      %add3A_291 = arith.addf %add3A_239, %mul3A_290 : vector<16xf32>
      %get3A_292 = arith.constant 10 : i32
      %get3A_293 = arith.index_cast %get3A_292 : i32 to index
      %get3A_294 = arith.index_cast %mul3A_163 : i32 to index
      %get3A_295 = tpu.vector_load %arg7[%get3A_293, %get3A_294] {strides = array<i32>} : memref<24x1024xf32, #tpu.memory_space<vmem>>, vector<1x16xf32>,
      %get3A_296 = vector.shape_cast %get3A_295 : vector<1x16xf32> to vector<16xf32>
      %get3A_297 = arith.constant 10 : i32
      %get3A_298 = arith.index_cast %get3A_297 : i32 to index
      %get3A_299 = arith.index_cast %mul3A_163 : i32 to index
      %get3A_300 = tpu.vector_load %arg9[%get3A_298, %get3A_299] {strides = array<i32>} : memref<24x1024xf32, #tpu.memory_space<vmem>>, vector<1x16xf32>,
      %get3A_301 = vector.shape_cast %get3A_300 : vector<1x16xf32> to vector<16xf32>
      %sub3A_302 = arith.subf %get3A_296, %get3A_301 : vector<16xf32>
      %mul3A_303 = arith.mulf %sub3A_302, %sub3A_302 : vector<16xf32>
      %add3A_304 = arith.addf %add3A_252, %mul3A_303 : vector<16xf32>
      %get3A_305 = arith.constant 11 : i32
      %get3A_306 = arith.index_cast %get3A_305 : i32 to index
      %get3A_307 = arith.index_cast %mul3A_163 : i32 to index
      %get3A_308 = tpu.vector_load %arg7[%get3A_306, %get3A_307] {strides = array<i32>} : memref<24x1024xf32, #tpu.memory_space<vmem>>, vector<1x16xf32>,
      %get3A_309 = vector.shape_cast %get3A_308 : vector<1x16xf32> to vector<16xf32>
      %get3A_310 = arith.constant 11 : i32
      %get3A_311 = arith.index_cast %get3A_310 : i32 to index
      %get3A_312 = arith.index_cast %mul3A_163 : i32 to index
      %get3A_313 = tpu.vector_load %arg9[%get3A_311, %get3A_312] {strides = array<i32>} : memref<24x1024xf32, #tpu.memory_space<vmem>>, vector<1x16xf32>,
      %get3A_314 = vector.shape_cast %get3A_313 : vector<1x16xf32> to vector<16xf32>
      %sub3A_315 = arith.subf %get3A_309, %get3A_314 : vector<16xf32>
      %mul3A_316 = arith.mulf %sub3A_315, %sub3A_315 : vector<16xf32>
      %add3A_317 = arith.addf %add3A_265, %mul3A_316 : vector<16xf32>
      %get3A_318 = arith.constant 12 : i32
      %get3A_319 = arith.index_cast %get3A_318 : i32 to index
      %get3A_320 = arith.index_cast %mul3A_163 : i32 to index
      %get3A_321 = tpu.vector_load %arg7[%get3A_319, %get3A_320] {strides = array<i32>} : memref<24x1024xf32, #tpu.memory_space<vmem>>, vector<1x16xf32>,
      %get3A_322 = vector.shape_cast %get3A_321 : vector<1x16xf32> to vector<16xf32>
      %get3A_323 = arith.constant 12 : i32
      %get3A_324 = arith.index_cast %get3A_323 : i32 to index
      %get3A_325 = arith.index_cast %mul3A_163 : i32 to index
      %get3A_326 = tpu.vector_load %arg9[%get3A_324, %get3A_325] {strides = array<i32>} : memref<24x1024xf32, #tpu.memory_space<vmem>>, vector<1x16xf32>,
      %get3A_327 = vector.shape_cast %get3A_326 : vector<1x16xf32> to vector<16xf32>
      %sub3A_328 = arith.subf %get3A_322, %get3A_327 : vector<16xf32>
      %mul3A_329 = arith.mulf %sub3A_328, %sub3A_328 : vector<16xf32>
      %add3A_330 = arith.addf %add3A_278, %mul3A_329 : vector<16xf32>
      %get3A_331 = arith.constant 13 : i32
      %get3A_332 = arith.index_cast %get3A_331 : i32 to index
      %get3A_333 = arith.index_cast %mul3A_163 : i32 to index
      %get3A_334 = tpu.vector_load %arg7[%get3A_332, %get3A_333] {strides = array<i32>} : memref<24x1024xf32, #tpu.memory_space<vmem>>, vector<1x16xf32>,
      %get3A_335 = vector.shape_cast %get3A_334 : vector<1x16xf32> to vector<16xf32>
      %get3A_336 = arith.constant 13 : i32
      %get3A_337 = arith.index_cast %get3A_336 : i32 to index
      %get3A_338 = arith.index_cast %mul3A_163 : i32 to index
      %get3A_339 = tpu.vector_load %arg9[%get3A_337, %get3A_338] {strides = array<i32>} : memref<24x1024xf32, #tpu.memory_space<vmem>>, vector<1x16xf32>,
      %get3A_340 = vector.shape_cast %get3A_339 : vector<1x16xf32> to vector<16xf32>
      %sub3A_341 = arith.subf %get3A_335, %get3A_340 : vector<16xf32>
      %mul3A_342 = arith.mulf %sub3A_341, %sub3A_341 : vector<16xf32>
      %add3A_343 = arith.addf %add3A_291, %mul3A_342 : vector<16xf32>
      %get3A_344 = arith.constant 14 : i32
      %get3A_345 = arith.index_cast %get3A_344 : i32 to index
      %get3A_346 = arith.index_cast %mul3A_163 : i32 to index
      %get3A_347 = tpu.vector_load %arg7[%get3A_345, %get3A_346] {strides = array<i32>} : memref<24x1024xf32, #tpu.memory_space<vmem>>, vector<1x16xf32>,
      %get3A_348 = vector.shape_cast %get3A_347 : vector<1x16xf32> to vector<16xf32>
      %get3A_349 = arith.constant 14 : i32
      %get3A_350 = arith.index_cast %get3A_349 : i32 to index
      %get3A_351 = arith.index_cast %mul3A_163 : i32 to index
      %get3A_352 = tpu.vector_load %arg9[%get3A_350, %get3A_351] {strides = array<i32>} : memref<24x1024xf32, #tpu.memory_space<vmem>>, vector<1x16xf32>,
      %get3A_353 = vector.shape_cast %get3A_352 : vector<1x16xf32> to vector<16xf32>
      %sub3A_354 = arith.subf %get3A_348, %get3A_353 : vector<16xf32>
      %mul3A_355 = arith.mulf %sub3A_354, %sub3A_354 : vector<16xf32>
      %add3A_356 = arith.addf %add3A_304, %mul3A_355 : vector<16xf32>
      %get3A_357 = arith.constant 15 : i32
      %get3A_358 = arith.index_cast %get3A_357 : i32 to index
      %get3A_359 = arith.index_cast %mul3A_163 : i32 to index
      %get3A_360 = tpu.vector_load %arg7[%get3A_358, %get3A_359] {strides = array<i32>} : memref<24x1024xf32, #tpu.memory_space<vmem>>, vector<1x16xf32>,
      %get3A_361 = vector.shape_cast %get3A_360 : vector<1x16xf32> to vector<16xf32>
      %get3A_362 = arith.constant 15 : i32
      %get3A_363 = arith.index_cast %get3A_362 : i32 to index
      %get3A_364 = arith.index_cast %mul3A_163 : i32 to index
      %get3A_365 = tpu.vector_load %arg9[%get3A_363, %get3A_364] {strides = array<i32>} : memref<24x1024xf32, #tpu.memory_space<vmem>>, vector<1x16xf32>,
      %get3A_366 = vector.shape_cast %get3A_365 : vector<1x16xf32> to vector<16xf32>
      %sub3A_367 = arith.subf %get3A_361, %get3A_366 : vector<16xf32>
      %mul3A_368 = arith.mulf %sub3A_367, %sub3A_367 : vector<16xf32>
      %add3A_369 = arith.addf %add3A_317, %mul3A_368 : vector<16xf32>
      %get3A_370 = arith.constant 16 : i32
      %get3A_371 = arith.index_cast %get3A_370 : i32 to index
      %get3A_372 = arith.index_cast %mul3A_163 : i32 to index
      %get3A_373 = tpu.vector_load %arg7[%get3A_371, %get3A_372] {strides = array<i32>} : memref<24x1024xf32, #tpu.memory_space<vmem>>, vector<1x16xf32>,
      %get3A_374 = vector.shape_cast %get3A_373 : vector<1x16xf32> to vector<16xf32>
      %get3A_375 = arith.constant 16 : i32
      %get3A_376 = arith.index_cast %get3A_375 : i32 to index
      %get3A_377 = arith.index_cast %mul3A_163 : i32 to index
      %get3A_378 = tpu.vector_load %arg9[%get3A_376, %get3A_377] {strides = array<i32>} : memref<24x1024xf32, #tpu.memory_space<vmem>>, vector<1x16xf32>,
      %get3A_379 = vector.shape_cast %get3A_378 : vector<1x16xf32> to vector<16xf32>
      %sub3A_380 = arith.subf %get3A_374, %get3A_379 : vector<16xf32>
      %mul3A_381 = arith.mulf %sub3A_380, %sub3A_380 : vector<16xf32>
      %add3A_382 = arith.addf %add3A_330, %mul3A_381 : vector<16xf32>
      %get3A_383 = arith.constant 17 : i32
      %get3A_384 = arith.index_cast %get3A_383 : i32 to index
      %get3A_385 = arith.index_cast %mul3A_163 : i32 to index
      %get3A_386 = tpu.vector_load %arg7[%get3A_384, %get3A_385] {strides = array<i32>} : memref<24x1024xf32, #tpu.memory_space<vmem>>, vector<1x16xf32>,
      %get3A_387 = vector.shape_cast %get3A_386 : vector<1x16xf32> to vector<16xf32>
      %get3A_388 = arith.constant 17 : i32
      %get3A_389 = arith.index_cast %get3A_388 : i32 to index
      %get3A_390 = arith.index_cast %mul3A_163 : i32 to index
      %get3A_391 = tpu.vector_load %arg9[%get3A_389, %get3A_390] {strides = array<i32>} : memref<24x1024xf32, #tpu.memory_space<vmem>>, vector<1x16xf32>,
      %get3A_392 = vector.shape_cast %get3A_391 : vector<1x16xf32> to vector<16xf32>
      %sub3A_393 = arith.subf %get3A_387, %get3A_392 : vector<16xf32>
      %mul3A_394 = arith.mulf %sub3A_393, %sub3A_393 : vector<16xf32>
      %add3A_395 = arith.addf %add3A_343, %mul3A_394 : vector<16xf32>
      %get3A_396 = arith.constant 18 : i32
      %get3A_397 = arith.index_cast %get3A_396 : i32 to index
      %get3A_398 = arith.index_cast %mul3A_163 : i32 to index
      %get3A_399 = tpu.vector_load %arg7[%get3A_397, %get3A_398] {strides = array<i32>} : memref<24x1024xf32, #tpu.memory_space<vmem>>, vector<1x16xf32>,
      %get3A_400 = vector.shape_cast %get3A_399 : vector<1x16xf32> to vector<16xf32>
      %get3A_401 = arith.constant 18 : i32
      %get3A_402 = arith.index_cast %get3A_401 : i32 to index
      %get3A_403 = arith.index_cast %mul3A_163 : i32 to index
      %get3A_404 = tpu.vector_load %arg9[%get3A_402, %get3A_403] {strides = array<i32>} : memref<24x1024xf32, #tpu.memory_space<vmem>>, vector<1x16xf32>,
      %get3A_405 = vector.shape_cast %get3A_404 : vector<1x16xf32> to vector<16xf32>
      %sub3A_406 = arith.subf %get3A_400, %get3A_405 : vector<16xf32>
      %mul3A_407 = arith.mulf %sub3A_406, %sub3A_406 : vector<16xf32>
      %add3A_408 = arith.addf %add3A_356, %mul3A_407 : vector<16xf32>
      %get3A_409 = arith.constant 19 : i32
      %get3A_410 = arith.index_cast %get3A_409 : i32 to index
      %get3A_411 = arith.index_cast %mul3A_163 : i32 to index
      %get3A_412 = tpu.vector_load %arg7[%get3A_410, %get3A_411] {strides = array<i32>} : memref<24x1024xf32, #tpu.memory_space<vmem>>, vector<1x16xf32>,
      %get3A_413 = vector.shape_cast %get3A_412 : vector<1x16xf32> to vector<16xf32>
      %get3A_414 = arith.constant 19 : i32
      %get3A_415 = arith.index_cast %get3A_414 : i32 to index
      %get3A_416 = arith.index_cast %mul3A_163 : i32 to index
      %get3A_417 = tpu.vector_load %arg9[%get3A_415, %get3A_416] {strides = array<i32>} : memref<24x1024xf32, #tpu.memory_space<vmem>>, vector<1x16xf32>,
      %get3A_418 = vector.shape_cast %get3A_417 : vector<1x16xf32> to vector<16xf32>
      %sub3A_419 = arith.subf %get3A_413, %get3A_418 : vector<16xf32>
      %mul3A_420 = arith.mulf %sub3A_419, %sub3A_419 : vector<16xf32>
      %add3A_421 = arith.addf %add3A_369, %mul3A_420 : vector<16xf32>
      %get3A_422 = arith.constant 20 : i32
      %get3A_423 = arith.index_cast %get3A_422 : i32 to index
      %get3A_424 = arith.index_cast %mul3A_163 : i32 to index
      %get3A_425 = tpu.vector_load %arg7[%get3A_423, %get3A_424] {strides = array<i32>} : memref<24x1024xf32, #tpu.memory_space<vmem>>, vector<1x16xf32>,
      %get3A_426 = vector.shape_cast %get3A_425 : vector<1x16xf32> to vector<16xf32>
      %get3A_427 = arith.constant 20 : i32
      %get3A_428 = arith.index_cast %get3A_427 : i32 to index
      %get3A_429 = arith.index_cast %mul3A_163 : i32 to index
      %get3A_430 = tpu.vector_load %arg9[%get3A_428, %get3A_429] {strides = array<i32>} : memref<24x1024xf32, #tpu.memory_space<vmem>>, vector<1x16xf32>,
      %get3A_431 = vector.shape_cast %get3A_430 : vector<1x16xf32> to vector<16xf32>
      %sub3A_432 = arith.subf %get3A_426, %get3A_431 : vector<16xf32>
      %mul3A_433 = arith.mulf %sub3A_432, %sub3A_432 : vector<16xf32>
      %add3A_434 = arith.addf %add3A_382, %mul3A_433 : vector<16xf32>
      %get3A_435 = arith.constant 21 : i32
      %get3A_436 = arith.index_cast %get3A_435 : i32 to index
      %get3A_437 = arith.index_cast %mul3A_163 : i32 to index
      %get3A_438 = tpu.vector_load %arg7[%get3A_436, %get3A_437] {strides = array<i32>} : memref<24x1024xf32, #tpu.memory_space<vmem>>, vector<1x16xf32>,
      %get3A_439 = vector.shape_cast %get3A_438 : vector<1x16xf32> to vector<16xf32>
      %get3A_440 = arith.constant 21 : i32
      %get3A_441 = arith.index_cast %get3A_440 : i32 to index
      %get3A_442 = arith.index_cast %mul3A_163 : i32 to index
      %get3A_443 = tpu.vector_load %arg9[%get3A_441, %get3A_442] {strides = array<i32>} : memref<24x1024xf32, #tpu.memory_space<vmem>>, vector<1x16xf32>,
      %get3A_444 = vector.shape_cast %get3A_443 : vector<1x16xf32> to vector<16xf32>
      %sub3A_445 = arith.subf %get3A_439, %get3A_444 : vector<16xf32>
      %mul3A_446 = arith.mulf %sub3A_445, %sub3A_445 : vector<16xf32>
      %add3A_447 = arith.addf %add3A_395, %mul3A_446 : vector<16xf32>
      %get3A_448 = arith.constant 22 : i32
      %get3A_449 = arith.index_cast %get3A_448 : i32 to index
      %get3A_450 = arith.index_cast %mul3A_163 : i32 to index
      %get3A_451 = tpu.vector_load %arg7[%get3A_449, %get3A_450] {strides = array<i32>} : memref<24x1024xf32, #tpu.memory_space<vmem>>, vector<1x16xf32>,
      %get3A_452 = vector.shape_cast %get3A_451 : vector<1x16xf32> to vector<16xf32>
      %get3A_453 = arith.constant 22 : i32
      %get3A_454 = arith.index_cast %get3A_453 : i32 to index
      %get3A_455 = arith.index_cast %mul3A_163 : i32 to index
      %get3A_456 = tpu.vector_load %arg9[%get3A_454, %get3A_455] {strides = array<i32>} : memref<24x1024xf32, #tpu.memory_space<vmem>>, vector<1x16xf32>,
      %get3A_457 = vector.shape_cast %get3A_456 : vector<1x16xf32> to vector<16xf32>
      %sub3A_458 = arith.subf %get3A_452, %get3A_457 : vector<16xf32>
      %mul3A_459 = arith.mulf %sub3A_458, %sub3A_458 : vector<16xf32>
      %add3A_460 = arith.addf %add3A_408, %mul3A_459 : vector<16xf32>
      %get3A_461 = arith.constant 23 : i32
      %get3A_462 = arith.index_cast %get3A_461 : i32 to index
      %get3A_463 = arith.index_cast %mul3A_163 : i32 to index
      %get3A_464 = tpu.vector_load %arg7[%get3A_462, %get3A_463] {strides = array<i32>} : memref<24x1024xf32, #tpu.memory_space<vmem>>, vector<1x16xf32>,
      %get3A_465 = vector.shape_cast %get3A_464 : vector<1x16xf32> to vector<16xf32>
      %get3A_466 = arith.constant 23 : i32
      %get3A_467 = arith.index_cast %get3A_466 : i32 to index
      %get3A_468 = arith.index_cast %mul3A_163 : i32 to index
      %get3A_469 = tpu.vector_load %arg9[%get3A_467, %get3A_468] {strides = array<i32>} : memref<24x1024xf32, #tpu.memory_space<vmem>>, vector<1x16xf32>,
      %get3A_470 = vector.shape_cast %get3A_469 : vector<1x16xf32> to vector<16xf32>
      %sub3A_471 = arith.subf %get3A_465, %get3A_470 : vector<16xf32>
      %mul3A_472 = arith.mulf %sub3A_471, %sub3A_471 : vector<16xf32>
      %add3A_473 = arith.addf %add3A_421, %mul3A_472 : vector<16xf32>
      scf.yield %add3A_434, %add3A_447, %add3A_460, %add3A_473 : vector<16xf32>, vector<16xf32>, vector<16xf32>, vector<16xf32>
    }
    %scan3A_130 = arith.constant 64 : i32
    %dma_wait3A_131 = arith.constant 1 : i32
    %dma_wait3A_132 = arith.constant 0 : i32
    %dma_wait3A_133 = tpu.memref_slice %arg4[%add3A_96, %dma_wait3A_132] : memref<4096x1024xf32, #tpu.memory_space<hbm>> -> memref<24x1024xf32, #tpu.memory_space<hbm>>
    %dma_wait3A_134 = tpu.memref_slice %arg12[%dma_wait3A_131] : memref<4x!tpu.dma_semaphore, #tpu.memory_space<semaphore_mem>> -> memref<1x!tpu.dma_semaphore, #tpu.memory_space<semaphore_mem>>
    %dma_wait3A_135 = tpu.memref_squeeze %dma_wait3A_134 : memref<1x!tpu.dma_semaphore, #tpu.memory_space<semaphore_mem>> -> memref<!tpu.dma_semaphore, #tpu.memory_space<semaphore_mem>>
    %dma_wait3A_136 = arith.constant 0 : i32
    %dma_wait3A_137 = tpu.memref_slice %arg4[%add3A_96, %dma_wait3A_136] : memref<4096x1024xf32, #tpu.memory_space<hbm>> -> memref<24x1024xf32, #tpu.memory_space<hbm>>
    tpu.wait_dma2 semaphore(%dma_wait3A_135 : memref<!tpu.dma_semaphore, #tpu.memory_space<semaphore_mem>>) src(%dma_wait3A_137 : memref<24x1024xf32, #tpu.memory_space<hbm>>) dst(%arg8 : memref<24x1024xf32, #tpu.memory_space<vmem>>)
    %dma_wait3A_138 = arith.constant 3 : i32
    %dma_wait3A_139 = arith.constant 0 : i32
    %dma_wait3A_140 = tpu.memref_slice %arg5[%add3A_96, %dma_wait3A_139] : memref<4096x1024xf32, #tpu.memory_space<hbm>> -> memref<24x1024xf32, #tpu.memory_space<hbm>>
    %dma_wait3A_141 = tpu.memref_slice %arg12[%dma_wait3A_138] : memref<4x!tpu.dma_semaphore, #tpu.memory_space<semaphore_mem>> -> memref<1x!tpu.dma_semaphore, #tpu.memory_space<semaphore_mem>>
    %dma_wait3A_142 = tpu.memref_squeeze %dma_wait3A_141 : memref<1x!tpu.dma_semaphore, #tpu.memory_space<semaphore_mem>> -> memref<!tpu.dma_semaphore, #tpu.memory_space<semaphore_mem>>
    %dma_wait3A_143 = arith.constant 0 : i32
    %dma_wait3A_144 = tpu.memref_slice %arg5[%add3A_96, %dma_wait3A_143] : memref<4096x1024xf32, #tpu.memory_space<hbm>> -> memref<24x1024xf32, #tpu.memory_space<hbm>>
    tpu.wait_dma2 semaphore(%dma_wait3A_142 : memref<!tpu.dma_semaphore, #tpu.memory_space<semaphore_mem>>) src(%dma_wait3A_144 : memref<24x1024xf32, #tpu.memory_space<hbm>>) dst(%arg10 : memref<24x1024xf32, #tpu.memory_space<vmem>>)
    %scan3A_145 = arith.constant 0 : i32
    %scan3A_146 = arith.constant 64 : i32
    %scan3A_147 = arith.addi %scan3A_145, %scan3A_146 : i32
    %scan3A_148 = arith.constant 1 : i32
    %scan3A_149:4 = scf.for %scan3A_157 = %scan3A_145 to %scan3A_147 step %scan3A_148 iter_args(%scan3A_158 = %scan3A_129#0, %scan3A_159 = %scan3A_129#1, %scan3A_160 = %scan3A_129#2, %scan3A_161 = %scan3A_129#3) -> (vector<16xf32>, vector<16xf32>, vector<16xf32>, vector<16xf32>)  : i32 {
      %mul3A_162 = arith.constant 16 : i32
      %mul3A_163 = arith.muli %scan3A_157, %mul3A_162 : i32
      %get3A = arith.constant 0 : i32
      %get3A_164 = arith.index_cast %get3A : i32 to index
      %get3A_165 = arith.index_cast %mul3A_163 : i32 to index
      %get3A_166 = tpu.vector_load %arg8[%get3A_164, %get3A_165] {strides = array<i32>} : memref<24x1024xf32, #tpu.memory_space<vmem>>, vector<1x16xf32>,
      %get3A_167 = vector.shape_cast %get3A_166 : vector<1x16xf32> to vector<16xf32>
      %get3A_168 = arith.constant 0 : i32
      %get3A_169 = arith.index_cast %get3A_168 : i32 to index
      %get3A_170 = arith.index_cast %mul3A_163 : i32 to index
      %get3A_171 = tpu.vector_load %arg10[%get3A_169, %get3A_170] {strides = array<i32>} : memref<24x1024xf32, #tpu.memory_space<vmem>>, vector<1x16xf32>,
      %get3A_172 = vector.shape_cast %get3A_171 : vector<1x16xf32> to vector<16xf32>
      %sub3A = arith.subf %get3A_167, %get3A_172 : vector<16xf32>
      %mul3A_173 = arith.mulf %sub3A, %sub3A : vector<16xf32>
      %add3A_174 = arith.addf %scan3A_158, %mul3A_173 : vector<16xf32>
      %get3A_175 = arith.constant 1 : i32
      %get3A_176 = arith.index_cast %get3A_175 : i32 to index
      %get3A_177 = arith.index_cast %mul3A_163 : i32 to index
      %get3A_178 = tpu.vector_load %arg8[%get3A_176, %get3A_177] {strides = array<i32>} : memref<24x1024xf32, #tpu.memory_space<vmem>>, vector<1x16xf32>,
      %get3A_179 = vector.shape_cast %get3A_178 : vector<1x16xf32> to vector<16xf32>
      %get3A_180 = arith.constant 1 : i32
      %get3A_181 = arith.index_cast %get3A_180 : i32 to index
      %get3A_182 = arith.index_cast %mul3A_163 : i32 to index
      %get3A_183 = tpu.vector_load %arg10[%get3A_181, %get3A_182] {strides = array<i32>} : memref<24x1024xf32, #tpu.memory_space<vmem>>, vector<1x16xf32>,
      %get3A_184 = vector.shape_cast %get3A_183 : vector<1x16xf32> to vector<16xf32>
      %sub3A_185 = arith.subf %get3A_179, %get3A_184 : vector<16xf32>
      %mul3A_186 = arith.mulf %sub3A_185, %sub3A_185 : vector<16xf32>
      %add3A_187 = arith.addf %scan3A_159, %mul3A_186 : vector<16xf32>
      %get3A_188 = arith.constant 2 : i32
      %get3A_189 = arith.index_cast %get3A_188 : i32 to index
      %get3A_190 = arith.index_cast %mul3A_163 : i32 to index
      %get3A_191 = tpu.vector_load %arg8[%get3A_189, %get3A_190] {strides = array<i32>} : memref<24x1024xf32, #tpu.memory_space<vmem>>, vector<1x16xf32>,
      %get3A_192 = vector.shape_cast %get3A_191 : vector<1x16xf32> to vector<16xf32>
      %get3A_193 = arith.constant 2 : i32
      %get3A_194 = arith.index_cast %get3A_193 : i32 to index
      %get3A_195 = arith.index_cast %mul3A_163 : i32 to index
      %get3A_196 = tpu.vector_load %arg10[%get3A_194, %get3A_195] {strides = array<i32>} : memref<24x1024xf32, #tpu.memory_space<vmem>>, vector<1x16xf32>,
      %get3A_197 = vector.shape_cast %get3A_196 : vector<1x16xf32> to vector<16xf32>
      %sub3A_198 = arith.subf %get3A_192, %get3A_197 : vector<16xf32>
      %mul3A_199 = arith.mulf %sub3A_198, %sub3A_198 : vector<16xf32>
      %add3A_200 = arith.addf %scan3A_160, %mul3A_199 : vector<16xf32>
      %get3A_201 = arith.constant 3 : i32
      %get3A_202 = arith.index_cast %get3A_201 : i32 to index
      %get3A_203 = arith.index_cast %mul3A_163 : i32 to index
      %get3A_204 = tpu.vector_load %arg8[%get3A_202, %get3A_203] {strides = array<i32>} : memref<24x1024xf32, #tpu.memory_space<vmem>>, vector<1x16xf32>,
      %get3A_205 = vector.shape_cast %get3A_204 : vector<1x16xf32> to vector<16xf32>
      %get3A_206 = arith.constant 3 : i32
      %get3A_207 = arith.index_cast %get3A_206 : i32 to index
      %get3A_208 = arith.index_cast %mul3A_163 : i32 to index
      %get3A_209 = tpu.vector_load %arg10[%get3A_207, %get3A_208] {strides = array<i32>} : memref<24x1024xf32, #tpu.memory_space<vmem>>, vector<1x16xf32>,
      %get3A_210 = vector.shape_cast %get3A_209 : vector<1x16xf32> to vector<16xf32>
      %sub3A_211 = arith.subf %get3A_205, %get3A_210 : vector<16xf32>
      %mul3A_212 = arith.mulf %sub3A_211, %sub3A_211 : vector<16xf32>
      %add3A_213 = arith.addf %scan3A_161, %mul3A_212 : vector<16xf32>
      %get3A_214 = arith.constant 4 : i32
      %get3A_215 = arith.index_cast %get3A_214 : i32 to index
      %get3A_216 = arith.index_cast %mul3A_163 : i32 to index
      %get3A_217 = tpu.vector_load %arg8[%get3A_215, %get3A_216] {strides = array<i32>} : memref<24x1024xf32, #tpu.memory_space<vmem>>, vector<1x16xf32>,
      %get3A_218 = vector.shape_cast %get3A_217 : vector<1x16xf32> to vector<16xf32>
      %get3A_219 = arith.constant 4 : i32
      %get3A_220 = arith.index_cast %get3A_219 : i32 to index
      %get3A_221 = arith.index_cast %mul3A_163 : i32 to index
      %get3A_222 = tpu.vector_load %arg10[%get3A_220, %get3A_221] {strides = array<i32>} : memref<24x1024xf32, #tpu.memory_space<vmem>>, vector<1x16xf32>,
      %get3A_223 = vector.shape_cast %get3A_222 : vector<1x16xf32> to vector<16xf32>
      %sub3A_224 = arith.subf %get3A_218, %get3A_223 : vector<16xf32>
      %mul3A_225 = arith.mulf %sub3A_224, %sub3A_224 : vector<16xf32>
      %add3A_226 = arith.addf %add3A_174, %mul3A_225 : vector<16xf32>
      %get3A_227 = arith.constant 5 : i32
      %get3A_228 = arith.index_cast %get3A_227 : i32 to index
      %get3A_229 = arith.index_cast %mul3A_163 : i32 to index
      %get3A_230 = tpu.vector_load %arg8[%get3A_228, %get3A_229] {strides = array<i32>} : memref<24x1024xf32, #tpu.memory_space<vmem>>, vector<1x16xf32>,
      %get3A_231 = vector.shape_cast %get3A_230 : vector<1x16xf32> to vector<16xf32>
      %get3A_232 = arith.constant 5 : i32
      %get3A_233 = arith.index_cast %get3A_232 : i32 to index
      %get3A_234 = arith.index_cast %mul3A_163 : i32 to index
      %get3A_235 = tpu.vector_load %arg10[%get3A_233, %get3A_234] {strides = array<i32>} : memref<24x1024xf32, #tpu.memory_space<vmem>>, vector<1x16xf32>,
      %get3A_236 = vector.shape_cast %get3A_235 : vector<1x16xf32> to vector<16xf32>
      %sub3A_237 = arith.subf %get3A_231, %get3A_236 : vector<16xf32>
      %mul3A_238 = arith.mulf %sub3A_237, %sub3A_237 : vector<16xf32>
      %add3A_239 = arith.addf %add3A_187, %mul3A_238 : vector<16xf32>
      %get3A_240 = arith.constant 6 : i32
      %get3A_241 = arith.index_cast %get3A_240 : i32 to index
      %get3A_242 = arith.index_cast %mul3A_163 : i32 to index
      %get3A_243 = tpu.vector_load %arg8[%get3A_241, %get3A_242] {strides = array<i32>} : memref<24x1024xf32, #tpu.memory_space<vmem>>, vector<1x16xf32>,
      %get3A_244 = vector.shape_cast %get3A_243 : vector<1x16xf32> to vector<16xf32>
      %get3A_245 = arith.constant 6 : i32
      %get3A_246 = arith.index_cast %get3A_245 : i32 to index
      %get3A_247 = arith.index_cast %mul3A_163 : i32 to index
      %get3A_248 = tpu.vector_load %arg10[%get3A_246, %get3A_247] {strides = array<i32>} : memref<24x1024xf32, #tpu.memory_space<vmem>>, vector<1x16xf32>,
      %get3A_249 = vector.shape_cast %get3A_248 : vector<1x16xf32> to vector<16xf32>
      %sub3A_250 = arith.subf %get3A_244, %get3A_249 : vector<16xf32>
      %mul3A_251 = arith.mulf %sub3A_250, %sub3A_250 : vector<16xf32>
      %add3A_252 = arith.addf %add3A_200, %mul3A_251 : vector<16xf32>
      %get3A_253 = arith.constant 7 : i32
      %get3A_254 = arith.index_cast %get3A_253 : i32 to index
      %get3A_255 = arith.index_cast %mul3A_163 : i32 to index
      %get3A_256 = tpu.vector_load %arg8[%get3A_254, %get3A_255] {strides = array<i32>} : memref<24x1024xf32, #tpu.memory_space<vmem>>, vector<1x16xf32>,
      %get3A_257 = vector.shape_cast %get3A_256 : vector<1x16xf32> to vector<16xf32>
      %get3A_258 = arith.constant 7 : i32
      %get3A_259 = arith.index_cast %get3A_258 : i32 to index
      %get3A_260 = arith.index_cast %mul3A_163 : i32 to index
      %get3A_261 = tpu.vector_load %arg10[%get3A_259, %get3A_260] {strides = array<i32>} : memref<24x1024xf32, #tpu.memory_space<vmem>>, vector<1x16xf32>,
      %get3A_262 = vector.shape_cast %get3A_261 : vector<1x16xf32> to vector<16xf32>
      %sub3A_263 = arith.subf %get3A_257, %get3A_262 : vector<16xf32>
      %mul3A_264 = arith.mulf %sub3A_263, %sub3A_263 : vector<16xf32>
      %add3A_265 = arith.addf %add3A_213, %mul3A_264 : vector<16xf32>
      %get3A_266 = arith.constant 8 : i32
      %get3A_267 = arith.index_cast %get3A_266 : i32 to index
      %get3A_268 = arith.index_cast %mul3A_163 : i32 to index
      %get3A_269 = tpu.vector_load %arg8[%get3A_267, %get3A_268] {strides = array<i32>} : memref<24x1024xf32, #tpu.memory_space<vmem>>, vector<1x16xf32>,
      %get3A_270 = vector.shape_cast %get3A_269 : vector<1x16xf32> to vector<16xf32>
      %get3A_271 = arith.constant 8 : i32
      %get3A_272 = arith.index_cast %get3A_271 : i32 to index
      %get3A_273 = arith.index_cast %mul3A_163 : i32 to index
      %get3A_274 = tpu.vector_load %arg10[%get3A_272, %get3A_273] {strides = array<i32>} : memref<24x1024xf32, #tpu.memory_space<vmem>>, vector<1x16xf32>,
      %get3A_275 = vector.shape_cast %get3A_274 : vector<1x16xf32> to vector<16xf32>
      %sub3A_276 = arith.subf %get3A_270, %get3A_275 : vector<16xf32>
      %mul3A_277 = arith.mulf %sub3A_276, %sub3A_276 : vector<16xf32>
      %add3A_278 = arith.addf %add3A_226, %mul3A_277 : vector<16xf32>
      %get3A_279 = arith.constant 9 : i32
      %get3A_280 = arith.index_cast %get3A_279 : i32 to index
      %get3A_281 = arith.index_cast %mul3A_163 : i32 to index
      %get3A_282 = tpu.vector_load %arg8[%get3A_280, %get3A_281] {strides = array<i32>} : memref<24x1024xf32, #tpu.memory_space<vmem>>, vector<1x16xf32>,
      %get3A_283 = vector.shape_cast %get3A_282 : vector<1x16xf32> to vector<16xf32>
      %get3A_284 = arith.constant 9 : i32
      %get3A_285 = arith.index_cast %get3A_284 : i32 to index
      %get3A_286 = arith.index_cast %mul3A_163 : i32 to index
      %get3A_287 = tpu.vector_load %arg10[%get3A_285, %get3A_286] {strides = array<i32>} : memref<24x1024xf32, #tpu.memory_space<vmem>>, vector<1x16xf32>,
      %get3A_288 = vector.shape_cast %get3A_287 : vector<1x16xf32> to vector<16xf32>
      %sub3A_289 = arith.subf %get3A_283, %get3A_288 : vector<16xf32>
      %mul3A_290 = arith.mulf %sub3A_289, %sub3A_289 : vector<16xf32>
      %add3A_291 = arith.addf %add3A_239, %mul3A_290 : vector<16xf32>
      %get3A_292 = arith.constant 10 : i32
      %get3A_293 = arith.index_cast %get3A_292 : i32 to index
      %get3A_294 = arith.index_cast %mul3A_163 : i32 to index
      %get3A_295 = tpu.vector_load %arg8[%get3A_293, %get3A_294] {strides = array<i32>} : memref<24x1024xf32, #tpu.memory_space<vmem>>, vector<1x16xf32>,
      %get3A_296 = vector.shape_cast %get3A_295 : vector<1x16xf32> to vector<16xf32>
      %get3A_297 = arith.constant 10 : i32
      %get3A_298 = arith.index_cast %get3A_297 : i32 to index
      %get3A_299 = arith.index_cast %mul3A_163 : i32 to index
      %get3A_300 = tpu.vector_load %arg10[%get3A_298, %get3A_299] {strides = array<i32>} : memref<24x1024xf32, #tpu.memory_space<vmem>>, vector<1x16xf32>,
      %get3A_301 = vector.shape_cast %get3A_300 : vector<1x16xf32> to vector<16xf32>
      %sub3A_302 = arith.subf %get3A_296, %get3A_301 : vector<16xf32>
      %mul3A_303 = arith.mulf %sub3A_302, %sub3A_302 : vector<16xf32>
      %add3A_304 = arith.addf %add3A_252, %mul3A_303 : vector<16xf32>
      %get3A_305 = arith.constant 11 : i32
      %get3A_306 = arith.index_cast %get3A_305 : i32 to index
      %get3A_307 = arith.index_cast %mul3A_163 : i32 to index
      %get3A_308 = tpu.vector_load %arg8[%get3A_306, %get3A_307] {strides = array<i32>} : memref<24x1024xf32, #tpu.memory_space<vmem>>, vector<1x16xf32>,
      %get3A_309 = vector.shape_cast %get3A_308 : vector<1x16xf32> to vector<16xf32>
      %get3A_310 = arith.constant 11 : i32
      %get3A_311 = arith.index_cast %get3A_310 : i32 to index
      %get3A_312 = arith.index_cast %mul3A_163 : i32 to index
      %get3A_313 = tpu.vector_load %arg10[%get3A_311, %get3A_312] {strides = array<i32>} : memref<24x1024xf32, #tpu.memory_space<vmem>>, vector<1x16xf32>,
      %get3A_314 = vector.shape_cast %get3A_313 : vector<1x16xf32> to vector<16xf32>
      %sub3A_315 = arith.subf %get3A_309, %get3A_314 : vector<16xf32>
      %mul3A_316 = arith.mulf %sub3A_315, %sub3A_315 : vector<16xf32>
      %add3A_317 = arith.addf %add3A_265, %mul3A_316 : vector<16xf32>
      %get3A_318 = arith.constant 12 : i32
      %get3A_319 = arith.index_cast %get3A_318 : i32 to index
      %get3A_320 = arith.index_cast %mul3A_163 : i32 to index
      %get3A_321 = tpu.vector_load %arg8[%get3A_319, %get3A_320] {strides = array<i32>} : memref<24x1024xf32, #tpu.memory_space<vmem>>, vector<1x16xf32>,
      %get3A_322 = vector.shape_cast %get3A_321 : vector<1x16xf32> to vector<16xf32>
      %get3A_323 = arith.constant 12 : i32
      %get3A_324 = arith.index_cast %get3A_323 : i32 to index
      %get3A_325 = arith.index_cast %mul3A_163 : i32 to index
      %get3A_326 = tpu.vector_load %arg10[%get3A_324, %get3A_325] {strides = array<i32>} : memref<24x1024xf32, #tpu.memory_space<vmem>>, vector<1x16xf32>,
      %get3A_327 = vector.shape_cast %get3A_326 : vector<1x16xf32> to vector<16xf32>
      %sub3A_328 = arith.subf %get3A_322, %get3A_327 : vector<16xf32>
      %mul3A_329 = arith.mulf %sub3A_328, %sub3A_328 : vector<16xf32>
      %add3A_330 = arith.addf %add3A_278, %mul3A_329 : vector<16xf32>
      %get3A_331 = arith.constant 13 : i32
      %get3A_332 = arith.index_cast %get3A_331 : i32 to index
      %get3A_333 = arith.index_cast %mul3A_163 : i32 to index
      %get3A_334 = tpu.vector_load %arg8[%get3A_332, %get3A_333] {strides = array<i32>} : memref<24x1024xf32, #tpu.memory_space<vmem>>, vector<1x16xf32>,
      %get3A_335 = vector.shape_cast %get3A_334 : vector<1x16xf32> to vector<16xf32>
      %get3A_336 = arith.constant 13 : i32
      %get3A_337 = arith.index_cast %get3A_336 : i32 to index
      %get3A_338 = arith.index_cast %mul3A_163 : i32 to index
      %get3A_339 = tpu.vector_load %arg10[%get3A_337, %get3A_338] {strides = array<i32>} : memref<24x1024xf32, #tpu.memory_space<vmem>>, vector<1x16xf32>,
      %get3A_340 = vector.shape_cast %get3A_339 : vector<1x16xf32> to vector<16xf32>
      %sub3A_341 = arith.subf %get3A_335, %get3A_340 : vector<16xf32>
      %mul3A_342 = arith.mulf %sub3A_341, %sub3A_341 : vector<16xf32>
      %add3A_343 = arith.addf %add3A_291, %mul3A_342 : vector<16xf32>
      %get3A_344 = arith.constant 14 : i32
      %get3A_345 = arith.index_cast %get3A_344 : i32 to index
      %get3A_346 = arith.index_cast %mul3A_163 : i32 to index
      %get3A_347 = tpu.vector_load %arg8[%get3A_345, %get3A_346] {strides = array<i32>} : memref<24x1024xf32, #tpu.memory_space<vmem>>, vector<1x16xf32>,
      %get3A_348 = vector.shape_cast %get3A_347 : vector<1x16xf32> to vector<16xf32>
      %get3A_349 = arith.constant 14 : i32
      %get3A_350 = arith.index_cast %get3A_349 : i32 to index
      %get3A_351 = arith.index_cast %mul3A_163 : i32 to index
      %get3A_352 = tpu.vector_load %arg10[%get3A_350, %get3A_351] {strides = array<i32>} : memref<24x1024xf32, #tpu.memory_space<vmem>>, vector<1x16xf32>,
      %get3A_353 = vector.shape_cast %get3A_352 : vector<1x16xf32> to vector<16xf32>
      %sub3A_354 = arith.subf %get3A_348, %get3A_353 : vector<16xf32>
      %mul3A_355 = arith.mulf %sub3A_354, %sub3A_354 : vector<16xf32>
      %add3A_356 = arith.addf %add3A_304, %mul3A_355 : vector<16xf32>
      %get3A_357 = arith.constant 15 : i32
      %get3A_358 = arith.index_cast %get3A_357 : i32 to index
      %get3A_359 = arith.index_cast %mul3A_163 : i32 to index
      %get3A_360 = tpu.vector_load %arg8[%get3A_358, %get3A_359] {strides = array<i32>} : memref<24x1024xf32, #tpu.memory_space<vmem>>, vector<1x16xf32>,
      %get3A_361 = vector.shape_cast %get3A_360 : vector<1x16xf32> to vector<16xf32>
      %get3A_362 = arith.constant 15 : i32
      %get3A_363 = arith.index_cast %get3A_362 : i32 to index
      %get3A_364 = arith.index_cast %mul3A_163 : i32 to index
      %get3A_365 = tpu.vector_load %arg10[%get3A_363, %get3A_364] {strides = array<i32>} : memref<24x1024xf32, #tpu.memory_space<vmem>>, vector<1x16xf32>,
      %get3A_366 = vector.shape_cast %get3A_365 : vector<1x16xf32> to vector<16xf32>
      %sub3A_367 = arith.subf %get3A_361, %get3A_366 : vector<16xf32>
      %mul3A_368 = arith.mulf %sub3A_367, %sub3A_367 : vector<16xf32>
      %add3A_369 = arith.addf %add3A_317, %mul3A_368 : vector<16xf32>
      %get3A_370 = arith.constant 16 : i32
      %get3A_371 = arith.index_cast %get3A_370 : i32 to index
      %get3A_372 = arith.index_cast %mul3A_163 : i32 to index
      %get3A_373 = tpu.vector_load %arg8[%get3A_371, %get3A_372] {strides = array<i32>} : memref<24x1024xf32, #tpu.memory_space<vmem>>, vector<1x16xf32>,
      %get3A_374 = vector.shape_cast %get3A_373 : vector<1x16xf32> to vector<16xf32>
      %get3A_375 = arith.constant 16 : i32
      %get3A_376 = arith.index_cast %get3A_375 : i32 to index
      %get3A_377 = arith.index_cast %mul3A_163 : i32 to index
      %get3A_378 = tpu.vector_load %arg10[%get3A_376, %get3A_377] {strides = array<i32>} : memref<24x1024xf32, #tpu.memory_space<vmem>>, vector<1x16xf32>,
      %get3A_379 = vector.shape_cast %get3A_378 : vector<1x16xf32> to vector<16xf32>
      %sub3A_380 = arith.subf %get3A_374, %get3A_379 : vector<16xf32>
      %mul3A_381 = arith.mulf %sub3A_380, %sub3A_380 : vector<16xf32>
      %add3A_382 = arith.addf %add3A_330, %mul3A_381 : vector<16xf32>
      %get3A_383 = arith.constant 17 : i32
      %get3A_384 = arith.index_cast %get3A_383 : i32 to index
      %get3A_385 = arith.index_cast %mul3A_163 : i32 to index
      %get3A_386 = tpu.vector_load %arg8[%get3A_384, %get3A_385] {strides = array<i32>} : memref<24x1024xf32, #tpu.memory_space<vmem>>, vector<1x16xf32>,
      %get3A_387 = vector.shape_cast %get3A_386 : vector<1x16xf32> to vector<16xf32>
      %get3A_388 = arith.constant 17 : i32
      %get3A_389 = arith.index_cast %get3A_388 : i32 to index
      %get3A_390 = arith.index_cast %mul3A_163 : i32 to index
      %get3A_391 = tpu.vector_load %arg10[%get3A_389, %get3A_390] {strides = array<i32>} : memref<24x1024xf32, #tpu.memory_space<vmem>>, vector<1x16xf32>,
      %get3A_392 = vector.shape_cast %get3A_391 : vector<1x16xf32> to vector<16xf32>
      %sub3A_393 = arith.subf %get3A_387, %get3A_392 : vector<16xf32>
      %mul3A_394 = arith.mulf %sub3A_393, %sub3A_393 : vector<16xf32>
      %add3A_395 = arith.addf %add3A_343, %mul3A_394 : vector<16xf32>
      %get3A_396 = arith.constant 18 : i32
      %get3A_397 = arith.index_cast %get3A_396 : i32 to index
      %get3A_398 = arith.index_cast %mul3A_163 : i32 to index
      %get3A_399 = tpu.vector_load %arg8[%get3A_397, %get3A_398] {strides = array<i32>} : memref<24x1024xf32, #tpu.memory_space<vmem>>, vector<1x16xf32>,
      %get3A_400 = vector.shape_cast %get3A_399 : vector<1x16xf32> to vector<16xf32>
      %get3A_401 = arith.constant 18 : i32
      %get3A_402 = arith.index_cast %get3A_401 : i32 to index
      %get3A_403 = arith.index_cast %mul3A_163 : i32 to index
      %get3A_404 = tpu.vector_load %arg10[%get3A_402, %get3A_403] {strides = array<i32>} : memref<24x1024xf32, #tpu.memory_space<vmem>>, vector<1x16xf32>,
      %get3A_405 = vector.shape_cast %get3A_404 : vector<1x16xf32> to vector<16xf32>
      %sub3A_406 = arith.subf %get3A_400, %get3A_405 : vector<16xf32>
      %mul3A_407 = arith.mulf %sub3A_406, %sub3A_406 : vector<16xf32>
      %add3A_408 = arith.addf %add3A_356, %mul3A_407 : vector<16xf32>
      %get3A_409 = arith.constant 19 : i32
      %get3A_410 = arith.index_cast %get3A_409 : i32 to index
      %get3A_411 = arith.index_cast %mul3A_163 : i32 to index
      %get3A_412 = tpu.vector_load %arg8[%get3A_410, %get3A_411] {strides = array<i32>} : memref<24x1024xf32, #tpu.memory_space<vmem>>, vector<1x16xf32>,
      %get3A_413 = vector.shape_cast %get3A_412 : vector<1x16xf32> to vector<16xf32>
      %get3A_414 = arith.constant 19 : i32
      %get3A_415 = arith.index_cast %get3A_414 : i32 to index
      %get3A_416 = arith.index_cast %mul3A_163 : i32 to index
      %get3A_417 = tpu.vector_load %arg10[%get3A_415, %get3A_416] {strides = array<i32>} : memref<24x1024xf32, #tpu.memory_space<vmem>>, vector<1x16xf32>,
      %get3A_418 = vector.shape_cast %get3A_417 : vector<1x16xf32> to vector<16xf32>
      %sub3A_419 = arith.subf %get3A_413, %get3A_418 : vector<16xf32>
      %mul3A_420 = arith.mulf %sub3A_419, %sub3A_419 : vector<16xf32>
      %add3A_421 = arith.addf %add3A_369, %mul3A_420 : vector<16xf32>
      %get3A_422 = arith.constant 20 : i32
      %get3A_423 = arith.index_cast %get3A_422 : i32 to index
      %get3A_424 = arith.index_cast %mul3A_163 : i32 to index
      %get3A_425 = tpu.vector_load %arg8[%get3A_423, %get3A_424] {strides = array<i32>} : memref<24x1024xf32, #tpu.memory_space<vmem>>, vector<1x16xf32>,
      %get3A_426 = vector.shape_cast %get3A_425 : vector<1x16xf32> to vector<16xf32>
      %get3A_427 = arith.constant 20 : i32
      %get3A_428 = arith.index_cast %get3A_427 : i32 to index
      %get3A_429 = arith.index_cast %mul3A_163 : i32 to index
      %get3A_430 = tpu.vector_load %arg10[%get3A_428, %get3A_429] {strides = array<i32>} : memref<24x1024xf32, #tpu.memory_space<vmem>>, vector<1x16xf32>,
      %get3A_431 = vector.shape_cast %get3A_430 : vector<1x16xf32> to vector<16xf32>
      %sub3A_432 = arith.subf %get3A_426, %get3A_431 : vector<16xf32>
      %mul3A_433 = arith.mulf %sub3A_432, %sub3A_432 : vector<16xf32>
      %add3A_434 = arith.addf %add3A_382, %mul3A_433 : vector<16xf32>
      %get3A_435 = arith.constant 21 : i32
      %get3A_436 = arith.index_cast %get3A_435 : i32 to index
      %get3A_437 = arith.index_cast %mul3A_163 : i32 to index
      %get3A_438 = tpu.vector_load %arg8[%get3A_436, %get3A_437] {strides = array<i32>} : memref<24x1024xf32, #tpu.memory_space<vmem>>, vector<1x16xf32>,
      %get3A_439 = vector.shape_cast %get3A_438 : vector<1x16xf32> to vector<16xf32>
      %get3A_440 = arith.constant 21 : i32
      %get3A_441 = arith.index_cast %get3A_440 : i32 to index
      %get3A_442 = arith.index_cast %mul3A_163 : i32 to index
      %get3A_443 = tpu.vector_load %arg10[%get3A_441, %get3A_442] {strides = array<i32>} : memref<24x1024xf32, #tpu.memory_space<vmem>>, vector<1x16xf32>,
      %get3A_444 = vector.shape_cast %get3A_443 : vector<1x16xf32> to vector<16xf32>
      %sub3A_445 = arith.subf %get3A_439, %get3A_444 : vector<16xf32>
      %mul3A_446 = arith.mulf %sub3A_445, %sub3A_445 : vector<16xf32>
      %add3A_447 = arith.addf %add3A_395, %mul3A_446 : vector<16xf32>
      %get3A_448 = arith.constant 22 : i32
      %get3A_449 = arith.index_cast %get3A_448 : i32 to index
      %get3A_450 = arith.index_cast %mul3A_163 : i32 to index
      %get3A_451 = tpu.vector_load %arg8[%get3A_449, %get3A_450] {strides = array<i32>} : memref<24x1024xf32, #tpu.memory_space<vmem>>, vector<1x16xf32>,
      %get3A_452 = vector.shape_cast %get3A_451 : vector<1x16xf32> to vector<16xf32>
      %get3A_453 = arith.constant 22 : i32
      %get3A_454 = arith.index_cast %get3A_453 : i32 to index
      %get3A_455 = arith.index_cast %mul3A_163 : i32 to index
      %get3A_456 = tpu.vector_load %arg10[%get3A_454, %get3A_455] {strides = array<i32>} : memref<24x1024xf32, #tpu.memory_space<vmem>>, vector<1x16xf32>,
      %get3A_457 = vector.shape_cast %get3A_456 : vector<1x16xf32> to vector<16xf32>
      %sub3A_458 = arith.subf %get3A_452, %get3A_457 : vector<16xf32>
      %mul3A_459 = arith.mulf %sub3A_458, %sub3A_458 : vector<16xf32>
      %add3A_460 = arith.addf %add3A_408, %mul3A_459 : vector<16xf32>
      %get3A_461 = arith.constant 23 : i32
      %get3A_462 = arith.index_cast %get3A_461 : i32 to index
      %get3A_463 = arith.index_cast %mul3A_163 : i32 to index
      %get3A_464 = tpu.vector_load %arg8[%get3A_462, %get3A_463] {strides = array<i32>} : memref<24x1024xf32, #tpu.memory_space<vmem>>, vector<1x16xf32>,
      %get3A_465 = vector.shape_cast %get3A_464 : vector<1x16xf32> to vector<16xf32>
      %get3A_466 = arith.constant 23 : i32
      %get3A_467 = arith.index_cast %get3A_466 : i32 to index
      %get3A_468 = arith.index_cast %mul3A_163 : i32 to index
      %get3A_469 = tpu.vector_load %arg10[%get3A_467, %get3A_468] {strides = array<i32>} : memref<24x1024xf32, #tpu.memory_space<vmem>>, vector<1x16xf32>,
      %get3A_470 = vector.shape_cast %get3A_469 : vector<1x16xf32> to vector<16xf32>
      %sub3A_471 = arith.subf %get3A_465, %get3A_470 : vector<16xf32>
      %mul3A_472 = arith.mulf %sub3A_471, %sub3A_471 : vector<16xf32>
      %add3A_473 = arith.addf %add3A_421, %mul3A_472 : vector<16xf32>
      scf.yield %add3A_434, %add3A_447, %add3A_460, %add3A_473 : vector<16xf32>, vector<16xf32>, vector<16xf32>, vector<16xf32>
    }
    %scan3A_150 = arith.constant 64 : i32
    %add3A_151 = arith.addf %scan3A_149#0, %scan3A_149#1 : vector<16xf32>
    %add3A_152 = arith.addf %scan3A_149#2, %scan3A_149#3 : vector<16xf32>
    %add3A_153 = arith.addf %add3A_151, %add3A_152 : vector<16xf32>
    %swap3A = arith.constant 0 : index
    %swap3A_154 = tpu.vector_load %arg11[%swap3A] {strides = array<i32>} : memref<16xf32, #tpu.memory_space<vmem>>, vector<16xf32>,
    %swap3A_155 = vector.shape_cast %swap3A_154 : vector<16xf32> to vector<16xf32>
    %swap3A_156 = vector.shape_cast %add3A_153 : vector<16xf32> to vector<16xf32>
    tpu.vector_store %arg11[%swap3A], %swap3A_156 {strides = array<i32>} : memref<16xf32, #tpu.memory_space<vmem>>, vector<16xf32>,
    "tpu.region"() ({
      %run_scoped3A = tpu.sem_alloc : memref<!tpu.dma_semaphore, #tpu.memory_space<semaphore_mem>>
      %dma_start3A_157 = arith.constant 0 : i32
      %dma_start3A_158 = tpu.memref_slice %arg6[%add3A, %dma_start3A_157] : memref<32x16xf32, #tpu.memory_space<hbm>> -> memref<1x16xf32, #tpu.memory_space<hbm>>
      %dma_start3A_159 = tpu.memref_squeeze %dma_start3A_158 : memref<1x16xf32, #tpu.memory_space<hbm>> -> memref<16xf32, #tpu.memory_space<hbm>>
      %dma_start3A_160 = arith.constant 0 : i32
      %dma_start3A_161 = tpu.memref_slice %arg6[%add3A, %dma_start3A_160] : memref<32x16xf32, #tpu.memory_space<hbm>> -> memref<1x16xf32, #tpu.memory_space<hbm>>
      %dma_start3A_162 = tpu.memref_squeeze %dma_start3A_161 : memref<1x16xf32, #tpu.memory_space<hbm>> -> memref<16xf32, #tpu.memory_space<hbm>>
      tpu.enqueue_dma source(%arg11 : memref<16xf32, #tpu.memory_space<vmem>>) target(%dma_start3A_162 : memref<16xf32, #tpu.memory_space<hbm>>) target_semaphore(%run_scoped3A : memref<!tpu.dma_semaphore, #tpu.memory_space<semaphore_mem>>)
      %dma_wait3A_163 = arith.constant 0 : i32
      %dma_wait3A_164 = tpu.memref_slice %arg6[%add3A, %dma_wait3A_163] : memref<32x16xf32, #tpu.memory_space<hbm>> -> memref<1x16xf32, #tpu.memory_space<hbm>>
      %dma_wait3A_165 = tpu.memref_squeeze %dma_wait3A_164 : memref<1x16xf32, #tpu.memory_space<hbm>> -> memref<16xf32, #tpu.memory_space<hbm>>
      %dma_wait3A_166 = arith.constant 0 : i32
      %dma_wait3A_167 = tpu.memref_slice %arg6[%add3A, %dma_wait3A_166] : memref<32x16xf32, #tpu.memory_space<hbm>> -> memref<1x16xf32, #tpu.memory_space<hbm>>
      %dma_wait3A_168 = tpu.memref_squeeze %dma_wait3A_167 : memref<1x16xf32, #tpu.memory_space<hbm>> -> memref<16xf32, #tpu.memory_space<hbm>>
      tpu.wait_dma2 semaphore(%run_scoped3A : memref<!tpu.dma_semaphore, #tpu.memory_space<semaphore_mem>>) src(%arg11 : memref<16xf32, #tpu.memory_space<vmem>>) dst(%dma_wait3A_168 : memref<16xf32, #tpu.memory_space<hbm>>)
      tpu.yield
    }) : () -> ()
    return
  }
}

module attributes {stable_mosaic.version = 14 : i64} {
  func.func @_combine_body(%arg0: memref<1xi32, #tpu.memory_space<smem>>, %arg1: memref<3xf32, #tpu.memory_space<smem>>, %arg2: memref<32x16xf32, #tpu.memory_space<vmem>>, %arg3: memref<1xf32, #tpu.memory_space<smem>>) attributes {dimension_semantics = [], scalar_prefetch = 0 : i64, scratch_operands = 0 : i64, tpu.core_type = #tpu.core_type<tc>} {
    %get3A = arith.constant 2 : index
    %get3A_0 = memref.load %arg1[%get3A] : memref<3xf32, #tpu.memory_space<smem>>
    %get3A_1 = arith.constant 0 : index
    %get3A_2 = arith.constant 0 : index
    %get3A_3 = vector.load %arg2[%get3A_1, %get3A_2] : memref<32x16xf32, #tpu.memory_space<vmem>>, vector<32x16xf32>
    %reduce_sum3A = vector.shape_cast %get3A_3 : vector<32x16xf32> to vector<1x32x16xf32>
    %reduce_sum3A_4 = arith.constant dense<0.000000e+00> : vector<1xf32>
    %reduce_sum3A_5 = vector.multi_reduction <add>, %reduce_sum3A, %reduce_sum3A_4 [1, 2] : vector<1x32x16xf32> to vector<1xf32>
    %reduce_sum3A_6 = vector.shape_cast %reduce_sum3A_5 : vector<1xf32> to vector<1x1x1xf32>
    %reduce_sum3A_7 = vector.extract %reduce_sum3A_6[0, 0, 0] : f32 from vector<1x1x1xf32>
    %add3A = arith.addf %get3A_0, %reduce_sum3A_7 : f32
    %mul3A = arith.constant 9.53674316E-7 : f32
    %mul3A_8 = arith.mulf %add3A, %mul3A : f32
    %get3A_9 = arith.constant 0 : index
    %get3A_10 = memref.load %arg1[%get3A_9] : memref<3xf32, #tpu.memory_space<smem>>
    %get3A_11 = arith.constant 0 : index
    %get3A_12 = memref.load %arg0[%get3A_11] : memref<1xi32, #tpu.memory_space<smem>>
    %lt3A = arith.constant 10 : i32
    %lt3A_13 = arith.cmpi slt, %get3A_12, %lt3A : i32
    %jit3A = arith.constant 0.000000e+00 : f32
    %select_n3A = arith.select %lt3A_13, %mul3A_8, %jit3A : f32
    %add3A_14 = arith.addf %get3A_10, %select_n3A : f32
    %get3A_15 = arith.constant 1 : index
    %get3A_16 = memref.load %arg1[%get3A_15] : memref<3xf32, #tpu.memory_space<smem>>
    %div3A = arith.divf %add3A_14, %get3A_16 : f32
    %swap3A = arith.constant 0 : index
    %swap3A_17 = memref.load %arg3[%swap3A] : memref<1xf32, #tpu.memory_space<smem>>
    memref.store %div3A, %arg3[%swap3A] : memref<1xf32, #tpu.memory_space<smem>>
    return
  }
}

module attributes {stable_mosaic.version = 14 : i64} {
  func.func @_tc_body(%arg0: i32, %arg1: memref<4x256x256xf32, #tpu.memory_space<vmem>>, %arg2: memref<4x256x256xf32, #tpu.memory_space<vmem>>, %arg3: memref<4x256x256xf32, #tpu.memory_space<vmem>>, %arg4: memref<512x1024xf32, #tpu.memory_space<vmem>>, %arg5: memref<512x1024xf32, #tpu.memory_space<vmem>>, %arg6: memref<512x1024xf32, #tpu.memory_space<vmem>>, %arg7: memref<512x1024xf32, #tpu.memory_space<vmem>>, %arg8: memref<3xf32, #tpu.memory_space<smem>>) attributes {dimension_semantics = [#tpu.dimension_semantics<arbitrary>], iteration_bounds = array<i64: 5>, scalar_prefetch = 0 : i64, scratch_operands = 0 : i64, tpu.core_type = #tpu.core_type<tc>, window_params = [{pipeline_mode = #tpu.pipeline_mode<synchronous>, transform_indices = @transform_0, window_bounds = array<i64: 4, 256, 256>}, {pipeline_mode = #tpu.pipeline_mode<synchronous>, transform_indices = @transform_1, window_bounds = array<i64: 4, 256, 256>}, {pipeline_mode = #tpu.pipeline_mode<synchronous>, transform_indices = @transform_2, window_bounds = array<i64: 4, 256, 256>}, {transform_indices = @transform_3, window_bounds = array<i64: 512, 1024>}, {transform_indices = @transform_4, window_bounds = array<i64: 512, 1024>}, {transform_indices = @transform_5, window_bounds = array<i64: 512, 1024>}, {transform_indices = @transform_6, window_bounds = array<i64: 512, 1024>}, {transform_indices = @transform_7, window_bounds = array<i64: 3>}]} {
    %eq3A = arith.constant 0 : i32
    %eq3A_0 = arith.cmpi eq, %arg0, %eq3A : i32
    %convert_element_type3A = arith.extui %eq3A_0 : i1 to i32
    %cond3A = arith.constant 0 : i32
    %cond3A_1 = arith.cmpi ne, %convert_element_type3A, %cond3A : i32
    scf.if %cond3A_1 {
      %get3A_28 = arith.constant 0 : index
      %get3A_29 = arith.constant 0 : index
      %get3A_30 = arith.constant 0 : index
      %get3A_31 = vector.load %arg1[%get3A_28, %get3A_29, %get3A_30] : memref<4x256x256xf32, #tpu.memory_space<vmem>>, vector<1x256x256xf32>
      %get3A_32 = vector.shape_cast %get3A_31 : vector<1x256x256xf32> to vector<256x256xf32>
      %get3A_33 = arith.constant 0 : index
      %get3A_34 = arith.constant 0 : index
      %get3A_35 = arith.constant 0 : index
      %get3A_36 = vector.load %arg2[%get3A_33, %get3A_34, %get3A_35] : memref<4x256x256xf32, #tpu.memory_space<vmem>>, vector<1x256x256xf32>
      %get3A_37 = vector.shape_cast %get3A_36 : vector<1x256x256xf32> to vector<256x256xf32>
      %get3A_38 = arith.constant 0 : index
      %get3A_39 = arith.constant 0 : index
      %get3A_40 = arith.constant 0 : index
      %get3A_41 = vector.load %arg3[%get3A_38, %get3A_39, %get3A_40] : memref<4x256x256xf32, #tpu.memory_space<vmem>>, vector<1x256x256xf32>
      %get3A_42 = vector.shape_cast %get3A_41 : vector<1x256x256xf32> to vector<256x256xf32>
      %gt3A = arith.constant 0.000000e+00 : f32
      %gt3A_43 = vector.broadcast %gt3A : f32 to vector<256x256xf32>
      %gt3A_44 = arith.cmpf ogt, %get3A_42, %gt3A_43 : vector<256x256xf32>
      %convert_element_type3A_45 = arith.extui %gt3A_44 : vector<256x256xi1> to vector<256x256xi32>
      %convert_element_type3A_46 = arith.sitofp %convert_element_type3A_45 : vector<256x256xi32> to vector<256x256xf32>
      %dot_general3A = arith.constant dense<0.000000e+00> : vector<256x256xf32>
      %dot_general3A_47 = tpu.matmul %get3A_32, %get3A_37, %dot_general3A {dimension_numbers = #tpu.dot_dimension_numbers<[1], [1], [0], [0], [0, 0, 1, 0], [], []>, transpose_lhs_hint = false} : vector<256x256xf32>, vector<256x256xf32>, vector<256x256xf32> -> vector<256x256xf32>
      %reduce_sum3A_48 = arith.constant dense<0.000000e+00> : vector<256xf32>
      %reduce_sum3A_49 = vector.multi_reduction <add>, %convert_element_type3A_46, %reduce_sum3A_48 [1] : vector<256x256xf32> to vector<256xf32>
      %reduce_sum3A_50 = arith.constant dense<0.000000e+00> : vector<256xf32>
      %reduce_sum3A_51 = vector.multi_reduction <add>, %convert_element_type3A_46, %reduce_sum3A_50 [0] : vector<256x256xf32> to vector<256xf32>
      %mul3A = arith.mulf %get3A_32, %get3A_32 : vector<256x256xf32>
      %reduce_sum3A_52 = arith.constant dense<0.000000e+00> : vector<256xf32>
      %reduce_sum3A_53 = vector.multi_reduction <add>, %mul3A, %reduce_sum3A_52 [1] : vector<256x256xf32> to vector<256xf32>
      %mul3A_54 = arith.mulf %get3A_37, %get3A_37 : vector<256x256xf32>
      %reduce_sum3A_55 = arith.constant dense<0.000000e+00> : vector<256xf32>
      %reduce_sum3A_56 = vector.multi_reduction <add>, %mul3A_54, %reduce_sum3A_55 [1] : vector<256x256xf32> to vector<256xf32>
      %reduce_sum3A_57 = vector.shape_cast %convert_element_type3A_46 : vector<256x256xf32> to vector<1x256x256xf32>
      %reduce_sum3A_58 = arith.constant dense<0.000000e+00> : vector<1xf32>
      %reduce_sum3A_59 = vector.multi_reduction <add>, %reduce_sum3A_57, %reduce_sum3A_58 [1, 2] : vector<1x256x256xf32> to vector<1xf32>
      %reduce_sum3A_60 = vector.shape_cast %reduce_sum3A_59 : vector<1xf32> to vector<1x1x1xf32>
      %reduce_sum3A_61 = vector.extract %reduce_sum3A_60[0, 0, 0] : f32 from vector<1x1x1xf32>
      %mul3A_62 = arith.mulf %reduce_sum3A_49, %reduce_sum3A_53 : vector<256xf32>
      %reduce_sum3A_63 = vector.shape_cast %mul3A_62 : vector<256xf32> to vector<1x256xf32>
      %reduce_sum3A_64 = arith.constant dense<0.000000e+00> : vector<1xf32>
      %reduce_sum3A_65 = vector.multi_reduction <add>, %reduce_sum3A_63, %reduce_sum3A_64 [1] : vector<1x256xf32> to vector<1xf32>
      %reduce_sum3A_66 = vector.shape_cast %reduce_sum3A_65 : vector<1xf32> to vector<1x1xf32>
      %reduce_sum3A_67 = vector.extract %reduce_sum3A_66[0, 0] : f32 from vector<1x1xf32>
      %mul3A_68 = arith.mulf %reduce_sum3A_51, %reduce_sum3A_56 : vector<256xf32>
      %reduce_sum3A_69 = vector.shape_cast %mul3A_68 : vector<256xf32> to vector<1x256xf32>
      %reduce_sum3A_70 = arith.constant dense<0.000000e+00> : vector<1xf32>
      %reduce_sum3A_71 = vector.multi_reduction <add>, %reduce_sum3A_69, %reduce_sum3A_70 [1] : vector<1x256xf32> to vector<1xf32>
      %reduce_sum3A_72 = vector.shape_cast %reduce_sum3A_71 : vector<1xf32> to vector<1x1xf32>
      %reduce_sum3A_73 = vector.extract %reduce_sum3A_72[0, 0] : f32 from vector<1x1xf32>
      %add3A_74 = arith.addf %reduce_sum3A_67, %reduce_sum3A_73 : f32
      %mul3A_75 = arith.mulf %convert_element_type3A_46, %dot_general3A_47 : vector<256x256xf32>
      %reduce_sum3A_76 = vector.shape_cast %mul3A_75 : vector<256x256xf32> to vector<1x256x256xf32>
      %reduce_sum3A_77 = arith.constant dense<0.000000e+00> : vector<1xf32>
      %reduce_sum3A_78 = vector.multi_reduction <add>, %reduce_sum3A_76, %reduce_sum3A_77 [1, 2] : vector<1x256x256xf32> to vector<1xf32>
      %reduce_sum3A_79 = vector.shape_cast %reduce_sum3A_78 : vector<1xf32> to vector<1x1x1xf32>
      %reduce_sum3A_80 = vector.extract %reduce_sum3A_79[0, 0, 0] : f32 from vector<1x1x1xf32>
      %mul3A_81 = arith.constant 2.000000e+00 : f32
      %mul3A_82 = arith.mulf %mul3A_81, %reduce_sum3A_80 : f32
      %sub3A_83 = arith.subf %add3A_74, %mul3A_82 : f32
      %gt3A_84 = arith.constant 0.000000e+00 : f32
      %gt3A_85 = arith.cmpf ogt, %reduce_sum3A_61, %gt3A_84 : f32
      %mul3A_86 = arith.constant 2.560000e+02 : f32
      %mul3A_87 = arith.mulf %reduce_sum3A_61, %mul3A_86 : f32
      %max3A = arith.constant 1.000000e+00 : f32
      %max3A_88 = arith.maximumf %mul3A_87, %max3A : f32
      %div3A = arith.divf %sub3A_83, %max3A_88 : f32
      %jit3A = arith.constant 0.000000e+00 : f32
      %select_n3A = arith.select %gt3A_85, %div3A, %jit3A : f32
      %add3A_89 = arith.constant 0.000000e+00 : f32
      %add3A_90 = arith.addf %add3A_89, %select_n3A : f32
      %gt3A_91 = arith.constant 0.000000e+00 : f32
      %gt3A_92 = arith.cmpf ogt, %reduce_sum3A_61, %gt3A_91 : f32
      %convert_element_type3A_93 = arith.extui %gt3A_92 : i1 to i32
      %convert_element_type3A_94 = arith.sitofp %convert_element_type3A_93 : i32 to f32
      %add3A_95 = arith.constant 0.000000e+00 : f32
      %add3A_96 = arith.addf %add3A_95, %convert_element_type3A_94 : f32
      %get3A_97 = arith.constant 1 : index
      %get3A_98 = arith.constant 0 : index
      %get3A_99 = arith.constant 0 : index
      %get3A_100 = vector.load %arg1[%get3A_97, %get3A_98, %get3A_99] : memref<4x256x256xf32, #tpu.memory_space<vmem>>, vector<1x256x256xf32>
      %get3A_101 = vector.shape_cast %get3A_100 : vector<1x256x256xf32> to vector<256x256xf32>
      %get3A_102 = arith.constant 1 : index
      %get3A_103 = arith.constant 0 : index
      %get3A_104 = arith.constant 0 : index
      %get3A_105 = vector.load %arg2[%get3A_102, %get3A_103, %get3A_104] : memref<4x256x256xf32, #tpu.memory_space<vmem>>, vector<1x256x256xf32>
      %get3A_106 = vector.shape_cast %get3A_105 : vector<1x256x256xf32> to vector<256x256xf32>
      %get3A_107 = arith.constant 1 : index
      %get3A_108 = arith.constant 0 : index
      %get3A_109 = arith.constant 0 : index
      %get3A_110 = vector.load %arg3[%get3A_107, %get3A_108, %get3A_109] : memref<4x256x256xf32, #tpu.memory_space<vmem>>, vector<1x256x256xf32>
      %get3A_111 = vector.shape_cast %get3A_110 : vector<1x256x256xf32> to vector<256x256xf32>
      %gt3A_112 = arith.constant 0.000000e+00 : f32
      %gt3A_113 = vector.broadcast %gt3A_112 : f32 to vector<256x256xf32>
      %gt3A_114 = arith.cmpf ogt, %get3A_111, %gt3A_113 : vector<256x256xf32>
      %convert_element_type3A_115 = arith.extui %gt3A_114 : vector<256x256xi1> to vector<256x256xi32>
      %convert_element_type3A_116 = arith.sitofp %convert_element_type3A_115 : vector<256x256xi32> to vector<256x256xf32>
      %dot_general3A_117 = arith.constant dense<0.000000e+00> : vector<256x256xf32>
      %dot_general3A_118 = tpu.matmul %get3A_101, %get3A_106, %dot_general3A_117 {dimension_numbers = #tpu.dot_dimension_numbers<[1], [1], [0], [0], [0, 0, 1, 0], [], []>, transpose_lhs_hint = false} : vector<256x256xf32>, vector<256x256xf32>, vector<256x256xf32> -> vector<256x256xf32>
      %reduce_sum3A_119 = arith.constant dense<0.000000e+00> : vector<256xf32>
      %reduce_sum3A_120 = vector.multi_reduction <add>, %convert_element_type3A_116, %reduce_sum3A_119 [1] : vector<256x256xf32> to vector<256xf32>
      %reduce_sum3A_121 = arith.constant dense<0.000000e+00> : vector<256xf32>
      %reduce_sum3A_122 = vector.multi_reduction <add>, %convert_element_type3A_116, %reduce_sum3A_121 [0] : vector<256x256xf32> to vector<256xf32>
      %mul3A_123 = arith.mulf %get3A_101, %get3A_101 : vector<256x256xf32>
      %reduce_sum3A_124 = arith.constant dense<0.000000e+00> : vector<256xf32>
      %reduce_sum3A_125 = vector.multi_reduction <add>, %mul3A_123, %reduce_sum3A_124 [1] : vector<256x256xf32> to vector<256xf32>
      %mul3A_126 = arith.mulf %get3A_106, %get3A_106 : vector<256x256xf32>
      %reduce_sum3A_127 = arith.constant dense<0.000000e+00> : vector<256xf32>
      %reduce_sum3A_128 = vector.multi_reduction <add>, %mul3A_126, %reduce_sum3A_127 [1] : vector<256x256xf32> to vector<256xf32>
      %reduce_sum3A_129 = vector.shape_cast %convert_element_type3A_116 : vector<256x256xf32> to vector<1x256x256xf32>
      %reduce_sum3A_130 = arith.constant dense<0.000000e+00> : vector<1xf32>
      %reduce_sum3A_131 = vector.multi_reduction <add>, %reduce_sum3A_129, %reduce_sum3A_130 [1, 2] : vector<1x256x256xf32> to vector<1xf32>
      %reduce_sum3A_132 = vector.shape_cast %reduce_sum3A_131 : vector<1xf32> to vector<1x1x1xf32>
      %reduce_sum3A_133 = vector.extract %reduce_sum3A_132[0, 0, 0] : f32 from vector<1x1x1xf32>
      %mul3A_134 = arith.mulf %reduce_sum3A_120, %reduce_sum3A_125 : vector<256xf32>
      %reduce_sum3A_135 = vector.shape_cast %mul3A_134 : vector<256xf32> to vector<1x256xf32>
      %reduce_sum3A_136 = arith.constant dense<0.000000e+00> : vector<1xf32>
      %reduce_sum3A_137 = vector.multi_reduction <add>, %reduce_sum3A_135, %reduce_sum3A_136 [1] : vector<1x256xf32> to vector<1xf32>
      %reduce_sum3A_138 = vector.shape_cast %reduce_sum3A_137 : vector<1xf32> to vector<1x1xf32>
      %reduce_sum3A_139 = vector.extract %reduce_sum3A_138[0, 0] : f32 from vector<1x1xf32>
      %mul3A_140 = arith.mulf %reduce_sum3A_122, %reduce_sum3A_128 : vector<256xf32>
      %reduce_sum3A_141 = vector.shape_cast %mul3A_140 : vector<256xf32> to vector<1x256xf32>
      %reduce_sum3A_142 = arith.constant dense<0.000000e+00> : vector<1xf32>
      %reduce_sum3A_143 = vector.multi_reduction <add>, %reduce_sum3A_141, %reduce_sum3A_142 [1] : vector<1x256xf32> to vector<1xf32>
      %reduce_sum3A_144 = vector.shape_cast %reduce_sum3A_143 : vector<1xf32> to vector<1x1xf32>
      %reduce_sum3A_145 = vector.extract %reduce_sum3A_144[0, 0] : f32 from vector<1x1xf32>
      %add3A_146 = arith.addf %reduce_sum3A_139, %reduce_sum3A_145 : f32
      %mul3A_147 = arith.mulf %convert_element_type3A_116, %dot_general3A_118 : vector<256x256xf32>
      %reduce_sum3A_148 = vector.shape_cast %mul3A_147 : vector<256x256xf32> to vector<1x256x256xf32>
      %reduce_sum3A_149 = arith.constant dense<0.000000e+00> : vector<1xf32>
      %reduce_sum3A_150 = vector.multi_reduction <add>, %reduce_sum3A_148, %reduce_sum3A_149 [1, 2] : vector<1x256x256xf32> to vector<1xf32>
      %reduce_sum3A_151 = vector.shape_cast %reduce_sum3A_150 : vector<1xf32> to vector<1x1x1xf32>
      %reduce_sum3A_152 = vector.extract %reduce_sum3A_151[0, 0, 0] : f32 from vector<1x1x1xf32>
      %mul3A_153 = arith.constant 2.000000e+00 : f32
      %mul3A_154 = arith.mulf %mul3A_153, %reduce_sum3A_152 : f32
      %sub3A_155 = arith.subf %add3A_146, %mul3A_154 : f32
      %gt3A_156 = arith.constant 0.000000e+00 : f32
      %gt3A_157 = arith.cmpf ogt, %reduce_sum3A_133, %gt3A_156 : f32
      %mul3A_158 = arith.constant 2.560000e+02 : f32
      %mul3A_159 = arith.mulf %reduce_sum3A_133, %mul3A_158 : f32
      %max3A_160 = arith.constant 1.000000e+00 : f32
      %max3A_161 = arith.maximumf %mul3A_159, %max3A_160 : f32
      %div3A_162 = arith.divf %sub3A_155, %max3A_161 : f32
      %jit3A_163 = arith.constant 0.000000e+00 : f32
      %select_n3A_164 = arith.select %gt3A_157, %div3A_162, %jit3A_163 : f32
      %add3A_165 = arith.addf %add3A_90, %select_n3A_164 : f32
      %gt3A_166 = arith.constant 0.000000e+00 : f32
      %gt3A_167 = arith.cmpf ogt, %reduce_sum3A_133, %gt3A_166 : f32
      %convert_element_type3A_168 = arith.extui %gt3A_167 : i1 to i32
      %convert_element_type3A_169 = arith.sitofp %convert_element_type3A_168 : i32 to f32
      %add3A_170 = arith.addf %add3A_96, %convert_element_type3A_169 : f32
      %get3A_171 = arith.constant 2 : index
      %get3A_172 = arith.constant 0 : index
      %get3A_173 = arith.constant 0 : index
      %get3A_174 = vector.load %arg1[%get3A_171, %get3A_172, %get3A_173] : memref<4x256x256xf32, #tpu.memory_space<vmem>>, vector<1x256x256xf32>
      %get3A_175 = vector.shape_cast %get3A_174 : vector<1x256x256xf32> to vector<256x256xf32>
      %get3A_176 = arith.constant 2 : index
      %get3A_177 = arith.constant 0 : index
      %get3A_178 = arith.constant 0 : index
      %get3A_179 = vector.load %arg2[%get3A_176, %get3A_177, %get3A_178] : memref<4x256x256xf32, #tpu.memory_space<vmem>>, vector<1x256x256xf32>
      %get3A_180 = vector.shape_cast %get3A_179 : vector<1x256x256xf32> to vector<256x256xf32>
      %get3A_181 = arith.constant 2 : index
      %get3A_182 = arith.constant 0 : index
      %get3A_183 = arith.constant 0 : index
      %get3A_184 = vector.load %arg3[%get3A_181, %get3A_182, %get3A_183] : memref<4x256x256xf32, #tpu.memory_space<vmem>>, vector<1x256x256xf32>
      %get3A_185 = vector.shape_cast %get3A_184 : vector<1x256x256xf32> to vector<256x256xf32>
      %gt3A_186 = arith.constant 0.000000e+00 : f32
      %gt3A_187 = vector.broadcast %gt3A_186 : f32 to vector<256x256xf32>
      %gt3A_188 = arith.cmpf ogt, %get3A_185, %gt3A_187 : vector<256x256xf32>
      %convert_element_type3A_189 = arith.extui %gt3A_188 : vector<256x256xi1> to vector<256x256xi32>
      %convert_element_type3A_190 = arith.sitofp %convert_element_type3A_189 : vector<256x256xi32> to vector<256x256xf32>
      %dot_general3A_191 = arith.constant dense<0.000000e+00> : vector<256x256xf32>
      %dot_general3A_192 = tpu.matmul %get3A_175, %get3A_180, %dot_general3A_191 {dimension_numbers = #tpu.dot_dimension_numbers<[1], [1], [0], [0], [0, 0, 1, 0], [], []>, transpose_lhs_hint = false} : vector<256x256xf32>, vector<256x256xf32>, vector<256x256xf32> -> vector<256x256xf32>
      %reduce_sum3A_193 = arith.constant dense<0.000000e+00> : vector<256xf32>
      %reduce_sum3A_194 = vector.multi_reduction <add>, %convert_element_type3A_190, %reduce_sum3A_193 [1] : vector<256x256xf32> to vector<256xf32>
      %reduce_sum3A_195 = arith.constant dense<0.000000e+00> : vector<256xf32>
      %reduce_sum3A_196 = vector.multi_reduction <add>, %convert_element_type3A_190, %reduce_sum3A_195 [0] : vector<256x256xf32> to vector<256xf32>
      %mul3A_197 = arith.mulf %get3A_175, %get3A_175 : vector<256x256xf32>
      %reduce_sum3A_198 = arith.constant dense<0.000000e+00> : vector<256xf32>
      %reduce_sum3A_199 = vector.multi_reduction <add>, %mul3A_197, %reduce_sum3A_198 [1] : vector<256x256xf32> to vector<256xf32>
      %mul3A_200 = arith.mulf %get3A_180, %get3A_180 : vector<256x256xf32>
      %reduce_sum3A_201 = arith.constant dense<0.000000e+00> : vector<256xf32>
      %reduce_sum3A_202 = vector.multi_reduction <add>, %mul3A_200, %reduce_sum3A_201 [1] : vector<256x256xf32> to vector<256xf32>
      %reduce_sum3A_203 = vector.shape_cast %convert_element_type3A_190 : vector<256x256xf32> to vector<1x256x256xf32>
      %reduce_sum3A_204 = arith.constant dense<0.000000e+00> : vector<1xf32>
      %reduce_sum3A_205 = vector.multi_reduction <add>, %reduce_sum3A_203, %reduce_sum3A_204 [1, 2] : vector<1x256x256xf32> to vector<1xf32>
      %reduce_sum3A_206 = vector.shape_cast %reduce_sum3A_205 : vector<1xf32> to vector<1x1x1xf32>
      %reduce_sum3A_207 = vector.extract %reduce_sum3A_206[0, 0, 0] : f32 from vector<1x1x1xf32>
      %mul3A_208 = arith.mulf %reduce_sum3A_194, %reduce_sum3A_199 : vector<256xf32>
      %reduce_sum3A_209 = vector.shape_cast %mul3A_208 : vector<256xf32> to vector<1x256xf32>
      %reduce_sum3A_210 = arith.constant dense<0.000000e+00> : vector<1xf32>
      %reduce_sum3A_211 = vector.multi_reduction <add>, %reduce_sum3A_209, %reduce_sum3A_210 [1] : vector<1x256xf32> to vector<1xf32>
      %reduce_sum3A_212 = vector.shape_cast %reduce_sum3A_211 : vector<1xf32> to vector<1x1xf32>
      %reduce_sum3A_213 = vector.extract %reduce_sum3A_212[0, 0] : f32 from vector<1x1xf32>
      %mul3A_214 = arith.mulf %reduce_sum3A_196, %reduce_sum3A_202 : vector<256xf32>
      %reduce_sum3A_215 = vector.shape_cast %mul3A_214 : vector<256xf32> to vector<1x256xf32>
      %reduce_sum3A_216 = arith.constant dense<0.000000e+00> : vector<1xf32>
      %reduce_sum3A_217 = vector.multi_reduction <add>, %reduce_sum3A_215, %reduce_sum3A_216 [1] : vector<1x256xf32> to vector<1xf32>
      %reduce_sum3A_218 = vector.shape_cast %reduce_sum3A_217 : vector<1xf32> to vector<1x1xf32>
      %reduce_sum3A_219 = vector.extract %reduce_sum3A_218[0, 0] : f32 from vector<1x1xf32>
      %add3A_220 = arith.addf %reduce_sum3A_213, %reduce_sum3A_219 : f32
      %mul3A_221 = arith.mulf %convert_element_type3A_190, %dot_general3A_192 : vector<256x256xf32>
      %reduce_sum3A_222 = vector.shape_cast %mul3A_221 : vector<256x256xf32> to vector<1x256x256xf32>
      %reduce_sum3A_223 = arith.constant dense<0.000000e+00> : vector<1xf32>
      %reduce_sum3A_224 = vector.multi_reduction <add>, %reduce_sum3A_222, %reduce_sum3A_223 [1, 2] : vector<1x256x256xf32> to vector<1xf32>
      %reduce_sum3A_225 = vector.shape_cast %reduce_sum3A_224 : vector<1xf32> to vector<1x1x1xf32>
      %reduce_sum3A_226 = vector.extract %reduce_sum3A_225[0, 0, 0] : f32 from vector<1x1x1xf32>
      %mul3A_227 = arith.constant 2.000000e+00 : f32
      %mul3A_228 = arith.mulf %mul3A_227, %reduce_sum3A_226 : f32
      %sub3A_229 = arith.subf %add3A_220, %mul3A_228 : f32
      %gt3A_230 = arith.constant 0.000000e+00 : f32
      %gt3A_231 = arith.cmpf ogt, %reduce_sum3A_207, %gt3A_230 : f32
      %mul3A_232 = arith.constant 2.560000e+02 : f32
      %mul3A_233 = arith.mulf %reduce_sum3A_207, %mul3A_232 : f32
      %max3A_234 = arith.constant 1.000000e+00 : f32
      %max3A_235 = arith.maximumf %mul3A_233, %max3A_234 : f32
      %div3A_236 = arith.divf %sub3A_229, %max3A_235 : f32
      %jit3A_237 = arith.constant 0.000000e+00 : f32
      %select_n3A_238 = arith.select %gt3A_231, %div3A_236, %jit3A_237 : f32
      %add3A_239 = arith.addf %add3A_165, %select_n3A_238 : f32
      %gt3A_240 = arith.constant 0.000000e+00 : f32
      %gt3A_241 = arith.cmpf ogt, %reduce_sum3A_207, %gt3A_240 : f32
      %convert_element_type3A_242 = arith.extui %gt3A_241 : i1 to i32
      %convert_element_type3A_243 = arith.sitofp %convert_element_type3A_242 : i32 to f32
      %add3A_244 = arith.addf %add3A_170, %convert_element_type3A_243 : f32
      %get3A_245 = arith.constant 3 : index
      %get3A_246 = arith.constant 0 : index
      %get3A_247 = arith.constant 0 : index
      %get3A_248 = vector.load %arg1[%get3A_245, %get3A_246, %get3A_247] : memref<4x256x256xf32, #tpu.memory_space<vmem>>, vector<1x256x256xf32>
      %get3A_249 = vector.shape_cast %get3A_248 : vector<1x256x256xf32> to vector<256x256xf32>
      %get3A_250 = arith.constant 3 : index
      %get3A_251 = arith.constant 0 : index
      %get3A_252 = arith.constant 0 : index
      %get3A_253 = vector.load %arg2[%get3A_250, %get3A_251, %get3A_252] : memref<4x256x256xf32, #tpu.memory_space<vmem>>, vector<1x256x256xf32>
      %get3A_254 = vector.shape_cast %get3A_253 : vector<1x256x256xf32> to vector<256x256xf32>
      %get3A_255 = arith.constant 3 : index
      %get3A_256 = arith.constant 0 : index
      %get3A_257 = arith.constant 0 : index
      %get3A_258 = vector.load %arg3[%get3A_255, %get3A_256, %get3A_257] : memref<4x256x256xf32, #tpu.memory_space<vmem>>, vector<1x256x256xf32>
      %get3A_259 = vector.shape_cast %get3A_258 : vector<1x256x256xf32> to vector<256x256xf32>
      %gt3A_260 = arith.constant 0.000000e+00 : f32
      %gt3A_261 = vector.broadcast %gt3A_260 : f32 to vector<256x256xf32>
      %gt3A_262 = arith.cmpf ogt, %get3A_259, %gt3A_261 : vector<256x256xf32>
      %convert_element_type3A_263 = arith.extui %gt3A_262 : vector<256x256xi1> to vector<256x256xi32>
      %convert_element_type3A_264 = arith.sitofp %convert_element_type3A_263 : vector<256x256xi32> to vector<256x256xf32>
      %dot_general3A_265 = arith.constant dense<0.000000e+00> : vector<256x256xf32>
      %dot_general3A_266 = tpu.matmul %get3A_249, %get3A_254, %dot_general3A_265 {dimension_numbers = #tpu.dot_dimension_numbers<[1], [1], [0], [0], [0, 0, 1, 0], [], []>, transpose_lhs_hint = false} : vector<256x256xf32>, vector<256x256xf32>, vector<256x256xf32> -> vector<256x256xf32>
      %reduce_sum3A_267 = arith.constant dense<0.000000e+00> : vector<256xf32>
      %reduce_sum3A_268 = vector.multi_reduction <add>, %convert_element_type3A_264, %reduce_sum3A_267 [1] : vector<256x256xf32> to vector<256xf32>
      %reduce_sum3A_269 = arith.constant dense<0.000000e+00> : vector<256xf32>
      %reduce_sum3A_270 = vector.multi_reduction <add>, %convert_element_type3A_264, %reduce_sum3A_269 [0] : vector<256x256xf32> to vector<256xf32>
      %mul3A_271 = arith.mulf %get3A_249, %get3A_249 : vector<256x256xf32>
      %reduce_sum3A_272 = arith.constant dense<0.000000e+00> : vector<256xf32>
      %reduce_sum3A_273 = vector.multi_reduction <add>, %mul3A_271, %reduce_sum3A_272 [1] : vector<256x256xf32> to vector<256xf32>
      %mul3A_274 = arith.mulf %get3A_254, %get3A_254 : vector<256x256xf32>
      %reduce_sum3A_275 = arith.constant dense<0.000000e+00> : vector<256xf32>
      %reduce_sum3A_276 = vector.multi_reduction <add>, %mul3A_274, %reduce_sum3A_275 [1] : vector<256x256xf32> to vector<256xf32>
      %reduce_sum3A_277 = vector.shape_cast %convert_element_type3A_264 : vector<256x256xf32> to vector<1x256x256xf32>
      %reduce_sum3A_278 = arith.constant dense<0.000000e+00> : vector<1xf32>
      %reduce_sum3A_279 = vector.multi_reduction <add>, %reduce_sum3A_277, %reduce_sum3A_278 [1, 2] : vector<1x256x256xf32> to vector<1xf32>
      %reduce_sum3A_280 = vector.shape_cast %reduce_sum3A_279 : vector<1xf32> to vector<1x1x1xf32>
      %reduce_sum3A_281 = vector.extract %reduce_sum3A_280[0, 0, 0] : f32 from vector<1x1x1xf32>
      %mul3A_282 = arith.mulf %reduce_sum3A_268, %reduce_sum3A_273 : vector<256xf32>
      %reduce_sum3A_283 = vector.shape_cast %mul3A_282 : vector<256xf32> to vector<1x256xf32>
      %reduce_sum3A_284 = arith.constant dense<0.000000e+00> : vector<1xf32>
      %reduce_sum3A_285 = vector.multi_reduction <add>, %reduce_sum3A_283, %reduce_sum3A_284 [1] : vector<1x256xf32> to vector<1xf32>
      %reduce_sum3A_286 = vector.shape_cast %reduce_sum3A_285 : vector<1xf32> to vector<1x1xf32>
      %reduce_sum3A_287 = vector.extract %reduce_sum3A_286[0, 0] : f32 from vector<1x1xf32>
      %mul3A_288 = arith.mulf %reduce_sum3A_270, %reduce_sum3A_276 : vector<256xf32>
      %reduce_sum3A_289 = vector.shape_cast %mul3A_288 : vector<256xf32> to vector<1x256xf32>
      %reduce_sum3A_290 = arith.constant dense<0.000000e+00> : vector<1xf32>
      %reduce_sum3A_291 = vector.multi_reduction <add>, %reduce_sum3A_289, %reduce_sum3A_290 [1] : vector<1x256xf32> to vector<1xf32>
      %reduce_sum3A_292 = vector.shape_cast %reduce_sum3A_291 : vector<1xf32> to vector<1x1xf32>
      %reduce_sum3A_293 = vector.extract %reduce_sum3A_292[0, 0] : f32 from vector<1x1xf32>
      %add3A_294 = arith.addf %reduce_sum3A_287, %reduce_sum3A_293 : f32
      %mul3A_295 = arith.mulf %convert_element_type3A_264, %dot_general3A_266 : vector<256x256xf32>
      %reduce_sum3A_296 = vector.shape_cast %mul3A_295 : vector<256x256xf32> to vector<1x256x256xf32>
      %reduce_sum3A_297 = arith.constant dense<0.000000e+00> : vector<1xf32>
      %reduce_sum3A_298 = vector.multi_reduction <add>, %reduce_sum3A_296, %reduce_sum3A_297 [1, 2] : vector<1x256x256xf32> to vector<1xf32>
      %reduce_sum3A_299 = vector.shape_cast %reduce_sum3A_298 : vector<1xf32> to vector<1x1x1xf32>
      %reduce_sum3A_300 = vector.extract %reduce_sum3A_299[0, 0, 0] : f32 from vector<1x1x1xf32>
      %mul3A_301 = arith.constant 2.000000e+00 : f32
      %mul3A_302 = arith.mulf %mul3A_301, %reduce_sum3A_300 : f32
      %sub3A_303 = arith.subf %add3A_294, %mul3A_302 : f32
      %gt3A_304 = arith.constant 0.000000e+00 : f32
      %gt3A_305 = arith.cmpf ogt, %reduce_sum3A_281, %gt3A_304 : f32
      %mul3A_306 = arith.constant 2.560000e+02 : f32
      %mul3A_307 = arith.mulf %reduce_sum3A_281, %mul3A_306 : f32
      %max3A_308 = arith.constant 1.000000e+00 : f32
      %max3A_309 = arith.maximumf %mul3A_307, %max3A_308 : f32
      %div3A_310 = arith.divf %sub3A_303, %max3A_309 : f32
      %jit3A_311 = arith.constant 0.000000e+00 : f32
      %select_n3A_312 = arith.select %gt3A_305, %div3A_310, %jit3A_311 : f32
      %add3A_313 = arith.addf %add3A_239, %select_n3A_312 : f32
      %gt3A_314 = arith.constant 0.000000e+00 : f32
      %gt3A_315 = arith.cmpf ogt, %reduce_sum3A_281, %gt3A_314 : f32
      %convert_element_type3A_316 = arith.extui %gt3A_315 : i1 to i32
      %convert_element_type3A_317 = arith.sitofp %convert_element_type3A_316 : i32 to f32
      %add3A_318 = arith.addf %add3A_244, %convert_element_type3A_317 : f32
      %swap3A_319 = arith.constant 0 : index
      %swap3A_320 = memref.load %arg8[%swap3A_319] : memref<3xf32, #tpu.memory_space<smem>>
      memref.store %add3A_313, %arg8[%swap3A_319] : memref<3xf32, #tpu.memory_space<smem>>
      %swap3A_321 = arith.constant 1 : index
      %swap3A_322 = memref.load %arg8[%swap3A_321] : memref<3xf32, #tpu.memory_space<smem>>
      memref.store %add3A_318, %arg8[%swap3A_321] : memref<3xf32, #tpu.memory_space<smem>>
      %swap3A_323 = arith.constant 0.000000e+00 : f32
      %swap3A_324 = arith.constant 2 : index
      %swap3A_325 = memref.load %arg8[%swap3A_324] : memref<3xf32, #tpu.memory_space<smem>>
      memref.store %swap3A_323, %arg8[%swap3A_324] : memref<3xf32, #tpu.memory_space<smem>>
    } else {
    }
    %get3A = arith.constant 0 : index
    %get3A_2 = arith.constant 0 : index
    %get3A_3 = vector.load %arg4[%get3A, %get3A_2] : memref<512x1024xf32, #tpu.memory_space<vmem>>, vector<512x1024xf32>
    %get3A_4 = arith.constant 0 : index
    %get3A_5 = arith.constant 0 : index
    %get3A_6 = vector.load %arg5[%get3A_4, %get3A_5] : memref<512x1024xf32, #tpu.memory_space<vmem>>, vector<512x1024xf32>
    %sub3A = arith.subf %get3A_3, %get3A_6 : vector<512x1024xf32>
    %integer_pow3A = arith.mulf %sub3A, %sub3A : vector<512x1024xf32>
    %reduce_sum3A = vector.shape_cast %integer_pow3A : vector<512x1024xf32> to vector<1x512x1024xf32>
    %reduce_sum3A_7 = arith.constant dense<0.000000e+00> : vector<1xf32>
    %reduce_sum3A_8 = vector.multi_reduction <add>, %reduce_sum3A, %reduce_sum3A_7 [1, 2] : vector<1x512x1024xf32> to vector<1xf32>
    %reduce_sum3A_9 = vector.shape_cast %reduce_sum3A_8 : vector<1xf32> to vector<1x1x1xf32>
    %reduce_sum3A_10 = vector.extract %reduce_sum3A_9[0, 0, 0] : f32 from vector<1x1x1xf32>
    %get3A_11 = arith.constant 0 : index
    %get3A_12 = arith.constant 0 : index
    %get3A_13 = vector.load %arg6[%get3A_11, %get3A_12] : memref<512x1024xf32, #tpu.memory_space<vmem>>, vector<512x1024xf32>
    %get3A_14 = arith.constant 0 : index
    %get3A_15 = arith.constant 0 : index
    %get3A_16 = vector.load %arg7[%get3A_14, %get3A_15] : memref<512x1024xf32, #tpu.memory_space<vmem>>, vector<512x1024xf32>
    %sub3A_17 = arith.subf %get3A_13, %get3A_16 : vector<512x1024xf32>
    %integer_pow3A_18 = arith.mulf %sub3A_17, %sub3A_17 : vector<512x1024xf32>
    %reduce_sum3A_19 = vector.shape_cast %integer_pow3A_18 : vector<512x1024xf32> to vector<1x512x1024xf32>
    %reduce_sum3A_20 = arith.constant dense<0.000000e+00> : vector<1xf32>
    %reduce_sum3A_21 = vector.multi_reduction <add>, %reduce_sum3A_19, %reduce_sum3A_20 [1, 2] : vector<1x512x1024xf32> to vector<1xf32>
    %reduce_sum3A_22 = vector.shape_cast %reduce_sum3A_21 : vector<1xf32> to vector<1x1x1xf32>
    %reduce_sum3A_23 = vector.extract %reduce_sum3A_22[0, 0, 0] : f32 from vector<1x1x1xf32>
    %add3A = arith.addf %reduce_sum3A_10, %reduce_sum3A_23 : f32
    %get3A_24 = arith.constant 2 : index
    %get3A_25 = memref.load %arg8[%get3A_24] : memref<3xf32, #tpu.memory_space<smem>>
    %add3A_26 = arith.addf %get3A_25, %add3A : f32
    %swap3A = arith.constant 2 : index
    %swap3A_27 = memref.load %arg8[%swap3A] : memref<3xf32, #tpu.memory_space<smem>>
    memref.store %add3A_26, %arg8[%swap3A] : memref<3xf32, #tpu.memory_space<smem>>
    return
  }
  func.func @transform_0(%arg0: i32) -> (i32, i32, i32) {
    %c0_i32 = arith.constant 0 : i32
    %c0_i32_0 = arith.constant 0 : i32
    %c0_i32_1 = arith.constant 0 : i32
    %c0_i32_2 = arith.constant 0 : i32
    return %c0_i32, %c0_i32_0, %c0_i32_1 : i32, i32, i32
  }
  func.func @transform_1(%arg0: i32) -> (i32, i32, i32) {
    %c0_i32 = arith.constant 0 : i32
    %c0_i32_0 = arith.constant 0 : i32
    %c0_i32_1 = arith.constant 0 : i32
    %c0_i32_2 = arith.constant 0 : i32
    return %c0_i32, %c0_i32_0, %c0_i32_1 : i32, i32, i32
  }
  func.func @transform_2(%arg0: i32) -> (i32, i32, i32) {
    %c0_i32 = arith.constant 0 : i32
    %c0_i32_0 = arith.constant 0 : i32
    %c0_i32_1 = arith.constant 0 : i32
    %c0_i32_2 = arith.constant 0 : i32
    return %c0_i32, %c0_i32_0, %c0_i32_1 : i32, i32, i32
  }
  func.func @transform_3(%arg0: i32) -> (i32, i32) {
    %add3A = arith.constant 3 : i32
    %add3A_0 = arith.addi %arg0, %add3A : i32
    %c0_i32 = arith.constant 0 : i32
    %c0_i32_1 = arith.constant 0 : i32
    return %add3A_0, %c0_i32 : i32, i32
  }
  func.func @transform_4(%arg0: i32) -> (i32, i32) {
    %add3A = arith.constant 3 : i32
    %add3A_0 = arith.addi %arg0, %add3A : i32
    %c0_i32 = arith.constant 0 : i32
    %c0_i32_1 = arith.constant 0 : i32
    return %add3A_0, %c0_i32 : i32, i32
  }
  func.func @transform_5(%arg0: i32) -> (i32, i32) {
    %add3A = arith.constant 3 : i32
    %add3A_0 = arith.addi %arg0, %add3A : i32
    %c0_i32 = arith.constant 0 : i32
    %c0_i32_1 = arith.constant 0 : i32
    return %add3A_0, %c0_i32 : i32, i32
  }
  func.func @transform_6(%arg0: i32) -> (i32, i32) {
    %add3A = arith.constant 3 : i32
    %add3A_0 = arith.addi %arg0, %add3A : i32
    %c0_i32 = arith.constant 0 : i32
    %c0_i32_1 = arith.constant 0 : i32
    return %add3A_0, %c0_i32 : i32, i32
  }
  func.func @transform_7(%arg0: i32) -> i32 {
    %c0_i32 = arith.constant 0 : i32
    %c0_i32_0 = arith.constant 0 : i32
    return %c0_i32 : i32
  }
}

</mosaic_0001>

<sc_bundles>
// kernel: kernel.5.cloned.1.call-start
scs
__scs_entry_jumppad:
0x0: {  	(pc) =	sbr.rel $0x88, $3  }
0x1: {  	(tag) =	ssettag $0x0;
	lr =	simm.s32 $0x1  }
0x2: {  	[smem:$0x3F99] =	sst lr;
	_ =	strace $0xD0000000  }
0x3: {  	_ = 	snop  }
0x4: {  	_ = 	snop  }
0x5: {  	_ = 	snop  }
0x6: {  	_ = 	snop  }
0x7: {  	_ = 	snop  }
__scs_overlays_trampoline_lowered:
0x8: {  	[smem:$0x3FA8] =	sst s0  }
0x9: {  	[smem:$0x3FA9] =	sst s1  }
0xa: {  	[smem:$0x3FAA] =	sst s2  }
0xb: {  	[smem:$0x3FAB] =	sst s3  }
0xc: {  	[smem:$0x3FAC] =	sst s4  }
0xd: {  	[smem:$0x3FAD] =	sst s5  }
0xe: {  	[smem:$0x3FAE] =	sst s6  }
0xf: {  	[smem:$0x3FAF] =	sst s7  }
0x10: {  	[smem:$0x3FB0] =	sst s8  }
0x11: {  	[smem:$0x3FB1] =	sst s9;
	s0 =	simm.s32 @!p0 $0x0  }
0x12: {  	s1 =	sld [smem:$0x3F97];
	s0 =	simm.s32 @p0 $0x1  }
0x13: {  	[smem:$0x3FB2] =	sst s0;
	s0 =	simm.s32 @!p1 $0x0  }
0x14: {  	s2 =	sld [smem:$0x3F96];
	s0 =	simm.s32 @p1 $0x1  }
0x15: {  	[smem:$0x3FB3] =	sst s0;
	s0 =	simm.s32 @!p2 $0x0  }
0x16: {  	s3 =	sld [smem:$0x3FDB];
	s0 =	simm.s32 @p2 $0x1  }
0x17: {  	s4 =	simm.s32 $0x1BF5;
	[smem:$0x3FB5] =	sst s0  }
0x18: {  	s0 =	sld [smem:$0x3F98];
	_ =	swait.ge [sflag:s4], $0x0  }
0x19: {  	s7 =	sld [smem:$0x3F99]  }
0x1a: {  	s8 =	sadd.s32 $0xFFFFE003, lr  }
0x1b: {  	s9 =	sadd.s32 $0xFFFFFEF7, lr;
	s5 =	simm.s32 $0xFFFFFFFF;
	p2 =	slt.u32 s8, $0xFFFFF086  }
0x1c: {  	p1 =	slt.u32 s9, $0xF7A;
	s5 =	simm.s32 @!p2 $0x0  }
0x1d: {  	s5 =	simm.s32 @p1 $0x1;
	p0 =	seq.s32 s7, s2  }
0x1e: {  	s7 =	smul.u32 @!p0 $0xF7A, s2;
	p2 =	seq.s32 @!p0 s5, $0x0  }
0x1f: {  	s9 =	smul.u32 $0xF7A, s1;
	s8 =	simm.s32 @!p0 $0x1BF5;
	p2 =	por !p2, p0  }
0x20: {  	[sflag:s8] =	ssyncset.s32 @!p0 $0xFFFFF086;
	s6 =	sadd.s32 @!p0 s3, s7;
	s7 =	simm.s32 @!p0 $0x108  }
0x21: {  	s3 =	sadd.s32 s3, s9;
	s6 =	sadd.s32 @!p0 $0x88, s6;
	s7 =	simm.s32 @p2 $0x1082  }
0x22: {  	[simem:s7], [sflag:s8] =	dma.local @!p0 [hbm:s6], $0xF7A  }
0x23: {  	s9 =	sor.u32 $0xD0000000, s2;
	s6 =	simm.s32 $0x108;
	_ =	swait.ge @!p0 [sflag:s8], $0x0  }
0x24: {  	s3 =	sadd.s32 $0x88, s3;
	s6 =	simm.s32 @!p1 $0x1082;
	[sflag:s4] =	ssyncset.s32 $0xFFFFF086  }
0x25: {  	[simem:s6], [sflag:s4] =	dma.local [hbm:s3], $0xF7A  }
0x26: {  	[smem:$0x3F99] =	sst s1;
	(tag) =	ssettag s2;
	_ =	strace s9  }
0x27: {  	s1 =	sld [smem:$0x3FA9]  }
0x28: {  	s2 =	sld [smem:$0x3FAA]  }
0x29: {  	s4 =	sld [smem:$0x3FAC]  }
0x2a: {  	p0 =	seq.s32 s5, $0x0;
	s5 =	sld [smem:$0x3FAD]  }
0x2b: {  	s6 =	sld [smem:$0x3FAE]  }
0x2c: {  	s7 =	sld [smem:$0x3FAF]  }
0x2d: {  	s3 =	simm.s32 $0x108;
	s8 =	sld [smem:$0x3FB0]  }
0x2e: {  	s3 =	simm.s32 @!p0 $0x1082;
	s9 =	sld [smem:$0x3FB1]  }
0x2f: {  	lr =	sadd.s32 s0, s3;
	s0 =	sld [smem:$0x3FA8]  }
0x30: {  	s3 =	sld [smem:$0x3FAB]  }
0x31: {  	[smem:$0x3FB4] =	sst s10  }
0x32: {  	s10 =	sld [smem:$0x3FB2];
	_ =	sdelay $0x3  }
0x33: {  	p0 =	seq.s32 s10, $0x1;
	s10 =	sld [smem:$0x3FB4];
	_ =	sdelay $0x3  }
0x34: {  	[smem:$0x3FB4] =	sst s10  }
0x35: {  	s10 =	sld [smem:$0x3FB3];
	_ =	sdelay $0x3  }
0x36: {  	p1 =	seq.s32 s10, $0x1;
	s10 =	sld [smem:$0x3FB4];
	_ =	sdelay $0x3  }
0x37: {  	[smem:$0x3FB4] =	sst s10  }
0x38: {  	s10 =	sld [smem:$0x3FB5]  }
0x39: {  	_ = 	snop;
	(pc) =	sbr.ind lr, $3  }
0x3a: {  	_ = 	snop  }
0x3b: {  	_ = 	snop  }
0x3c: {  	p2 =	seq.s32 s10, $0x1;
	s10 =	sld [smem:$0x3FB4]  }
0x3d: {  	_ =	shalt  }
0x3e: {  	_ =	shalt  }
0x3f: {  	_ =	shalt  }
0x40: {  	_ =	shalt  }
0x41: {  	_ =	shalt  }
0x42: {  	_ =	shalt  }
0x43: {  	_ =	shalt  }
0x44: {  	_ =	shalt  }
0x45: {  	_ =	shalt  }
0x46: {  	_ =	shalt  }
0x47: {  	_ =	shalt  }
0x48: {  	_ =	shalt  }
0x49: {  	_ =	shalt  }
0x4a: {  	_ =	shalt  }
0x4b: {  	_ =	shalt  }
0x4c: {  	_ =	shalt  }
0x4d: {  	_ =	shalt  }
0x4e: {  	_ =	shalt  }
0x4f: {  	_ =	shalt  }
0x50: {  	_ =	shalt  }
0x51: {  	_ =	shalt  }
0x52: {  	_ =	shalt  }
0x53: {  	_ =	shalt  }
0x54: {  	_ =	shalt  }
0x55: {  	_ =	shalt  }
0x56: {  	_ =	shalt  }
0x57: {  	_ =	shalt  }
0x58: {  	_ =	shalt  }
0x59: {  	_ =	shalt  }
0x5a: {  	_ =	shalt  }
0x5b: {  	_ =	shalt  }
0x5c: {  	_ =	shalt  }
0x5d: {  	_ =	shalt  }
0x5e: {  	_ =	shalt  }
0x5f: {  	_ =	shalt  }
0x60: {  	_ =	shalt  }
0x61: {  	_ =	shalt  }
0x62: {  	_ =	shalt  }
0x63: {  	_ =	shalt  }
0x64: {  	_ =	shalt  }
0x65: {  	_ =	shalt  }
0x66: {  	_ =	shalt  }
0x67: {  	_ =	shalt  }
0x68: {  	_ =	shalt  }
0x69: {  	_ =	shalt  }
0x6a: {  	_ =	shalt  }
0x6b: {  	_ =	shalt  }
0x6c: {  	_ =	shalt  }
0x6d: {  	_ =	shalt  }
0x6e: {  	_ =	shalt  }
0x6f: {  	_ =	shalt  }
0x70: {  	_ =	shalt  }
0x71: {  	_ =	shalt  }
0x72: {  	_ =	shalt  }
0x73: {  	_ =	shalt  }
0x74: {  	_ =	shalt  }
0x75: {  	_ =	shalt  }
0x76: {  	_ =	shalt  }
0x77: {  	_ =	shalt  }
0x78: {  	_ =	shalt  }
0x79: {  	_ =	shalt  }
0x7a: {  	_ =	shalt  }
0x7b: {  	_ =	shalt  }
0x7c: {  	_ =	shalt  }
0x7d: {  	_ =	shalt  }
0x7e: {  	_ =	shalt  }
0x7f: {  	_ =	shalt  }
0x80: {  	_ =	shalt  }
0x81: {  	_ =	shalt  }
0x82: {  	_ =	shalt  }
0x83: {  	_ =	shalt  }
0x84: {  	_ =	shalt  }
0x85: {  	_ =	shalt  }
0x86: {  	_ =	shalt  }
0x87: {  	_ =	shalt  }
.Lfunc_end0:
.L_simem_size_0:
called_computation_lowered:
.L_overlay_start_0:
0x88: {  	s2 =	sld [smem:$0x3FD9]  }
0x89: {  	s3 =	sld [smem:$0x3FFE];
	_ =	sdelay $0x1  }
0x8a: {  	s1 =	srdreg.scid  }
0x8b: {  	s0 =	sand.u32 $0x1, s1  }
0x8c: {  	s17 =	sshll.u32 s0, $0xA;
	s2 =	sadd.s32 s3, s2  }
0x8d: {  	s2 =	sadd.s32 s2, s17  }
0x8e: {  	[smem:$0x3FC0] =	sst s2  }
0x8f: {  	_ = 	snop  }
0x90: {  	s2 =	sld [smem:$0x3FC7]  }
0x91: {  	s18 =	sld [smem:$0x3FC6]  }
0x92: {  	s4 =	sld [smem:$0x3FC5]  }
0x93: {  	s5 =	sld [smem:$0x3FC4];
	(tm) =	ssettm $0x1  }
0x94: {  	s6 =	sld [smem:$0x3FFB];
	_ =	sdelay $0x3  }
0x95: {  	_ =	strace s6  }
0x96: {  	s6 =	sld [smem:$0x3FFC];
	_ =	sdelay $0x3  }
0x97: {  	_ =	strace s6  }
0x98: {  	s6 =	sld [smem:$0x3FFD];
	_ =	sdelay $0x3  }
0x99: {  	_ =	strace s6  }
0x9a: {  	_ =	strace $0x8FFFFFFF  }
0x9b: {  	s19 =	sld [smem:$0x3FDB];
	_ =	sdelay $0x1  }
0x9c: {  	s7 =	simm.s32 $_scs_section_size  }
0x9d: {  	s8 =	simm.s32 $_size__tile_overlayer_lowered;
	s9 =	simm.s32 $_tile_overlayer_lowered  }
0x9e: {  	s22 =	simm.s32 $0x1BFF;
	s21 =	sshll.u32 s9, $0x1;
	s6 =	sadd.s32 s7, s19  }
0x9f: {  	s10 =	simm.s32 $0x0;
	s20 =	sshll.u32 s8, $0x1;
	s8 =	sadd.s32 s21, s6  }
0xa0: {  	[timem:s10], [sflag:s22] =	dma.local [hbm:s8], s20  }
0xa1: {  	_ =	swait.ge [sflag:s22], s20  }
0xa2: {  	s7 =	ssub.s32 $0x0, s20;
	[sflag:s22] =	ssyncset.done $0x0  }
0xa3: {  	[sflag:s22] =	ssyncadd.s32 s7;
	_ =	sdelay $0x1  }
0xa4: {  	s23 =	simm.s32 $0x1B8B  }
0xa5: {  	_ =	swait.ge [sflag:s23], $0x1  }
0xa6: {  	[sflag:s23] =	ssyncset.done $0x0  }
0xa7: {  	s25 =	simm.s32 $0x1B8E;
	s24 =	sld [smem:$0x3FFE];
	[sflag:s23] =	ssyncadd.s32 $0xFFFFFFFF  }
0xa8: {  	s26 =	simm.s32 $execute0_lowered;
	[smem:$0x3FD2] =	sst s25  }
0xa9: {  	s8 =	sshll.u32 s26, $0x1;
	_ =	strace $0x80000046;
	[dreg:$0x1] =	wrdreg $0xFFFFFFFF  }
0xaa: {  	s28 =	simm.s32 $_size_execute0_lowered;
	s6 =	sadd.s32 s6, s8;
	[dreg:$0x0] =	wrdreg $0x0  }
0xab: {  	s8 =	sshll.u32 s28, $0x1;
	[dreg:$0x2] =	wrdreg s6  }
0xac: {  	[dreg:$0x3] =	wrdreg s8  }
0xad: {  	[dreg:$0x4] =	wrdreg $0xC0  }
0xae: {  	_ =	task [dreg:s10], $0x5FFFF  }
0xaf: {  	[dreg:$0x1] =	wrdreg $0xFFFFFFFF  }
0xb0: {  	[dreg:$0x0] =	wrdreg $0x60  }
0xb1: {  	[dreg:$0x2] =	wrdreg s2  }
0xb2: {  	[dreg:$0x3] =	wrdreg s18  }
0xb3: {  	[dreg:$0x4] =	wrdreg s4  }
0xb4: {  	[dreg:$0x5] =	wrdreg s5  }
0xb5: {  	[dreg:$0x6] =	wrdreg s24  }
0xb6: {  	[dreg:$0x7] =	wrdreg $0x9  }
0xb7: {  	_ =	task.clear_ibuf [dreg:s10], $0x8FFFF;
	_ =	strace $0x90000046  }
0xb8: {  	s29 =	simm.s32 $0x9;
	_ =	strace $0x80000048  }
0xb9: {  	_ =	swait.ge [sflag:s29], $0x1  }
0xba: {  	[sflag:s29] =	ssyncadd.s32 $0xFFFFFFFF  }
0xbb: {  	_ =	strace $0x90000048  }
0xbc: {  	_ =	sfence  }
0xbd: {  	s30 =	sld [smem:$0x0];
	_ =	sdelay $0x2  }
0xbe: {  	s31 =	sshll.u32 s1, $0xD;
	s1 =	sshrl.u32 s1, $0x2  }
0xbf: {  	s3 =	sand.u32 $0x4000, s31;
	s1 =	sadd.s32 s1, s30  }
0xc0: {  	s0 =	sor.u32 s3, s0;
	s1 =	sshll.u32 s1, $0x11  }
0xc1: {  	s0 =	sor.u32 s1, s0  }
0xc2: {  	s0 =	sadd.s32 $0x8F2B, s0  }
0xc3: {  	[sflag:s0] =	ssyncadd.remote.s32 $0x1  }
0xc4: {  	_ =	sfence.sel $0xFFFF  }
0xc5: {  	[dreg:$0x0] =	wrdreg $0xFFFFFFFF;
	(pc) =	sbr.abs _section_cstart, $3  }
0xc6: {  	[dreg:$0x1] =	wrdreg $0xFFFFFFFF  }
0xc7: {  	_ =	task.clear_ibuf [dreg:s10], $0x2FFFF;
	_ =	strace $0x9FFFFFFF  }
0xc8: {  	(tm) =	ssettm $0x7FFFFFFF  }
0xc9: {  	_ =	shalt  }
tec
execute0_lowered:
.L_overlay_start_1:
0x0: {  	(tag) =	ssettag $0x1  }
0x1: {  	s5 =	rddreg [dreg:$0x0]  }
0x2: {  	s6 =	rddreg [dreg:$0x1]  }
0x3: {  	s9 =	rddreg [dreg:$0x2]  }
0x4: {  	s10 =	rddreg [dreg:$0x3]  }
0x5: {  	s3 =	rddreg [dreg:$0x4]  }
0x6: {  	s0 =	rddreg [dreg:$0x5];
	s4 =	srdreg.scid  }
0x7: {  	s1 =	stileid.u32;
	s2 =	simm.s32 $0x0;
	s15 =	simm.s32 $0x12000  }
0x8: {  	s16 =	simm.s32 $0x1;
	s17 =	simm.s32 $0x3;
	s18 =	simm.s32 $0x2  }
0x9: {  	s19 =	simm.s32 $0x4;
	s4 =	sand.u32 $0x1, s4;
	s7 =	sshll.u32 s1, $0x1  }
0xa: {  	s20 =	simm.s32 $0x18000;
	s21 =	simm.s32 $0x5;
	s7 =	sor.u32 s4, s7  }
0xb: {  	s22 =	simm.s32 $0x0;
	[smem:$0x7FF] =	sst s2;
	s8 =	smul.u32 $0xC000, s7  }
0xc: {  	s4 =	ssub.s32 $0x2, s4;
	s11 =	sshll.u32 s7, $0x4;
	s13 =	smul.u32 $0x1800, s7  }
0xd: {  	_ =	strace $0x80000047;
	s12 =	sshrl.u32 s4, $0x1;
	s11 =	sadd.s32 s11, s3  }
0xe: {  	s12 =	ssub.s32 s4, s12;
	s31 =	sshrl.u32 s8, $0x3;
	s3 =	sadd.s32 s5, s13  }
0xf: {  	s4 =	sadd.s32 s6, s13;
	s7 =	sadd.s32 s9, s13;
	s8 =	sadd.s32 s10, s13  }
0x10: {  	s11 =	sadd.s32 $0xE00, s11;
	s12 =	smax.u32 s12, $0x1;
	s14 =	sadd.s32 $0xC00, s31  }
0x11: {  	s13 =	simm.s32 $0xC000;
	s5 =	sadd.s32 s5, s14;
	s6 =	sadd.s32 s6, s14  }
0x12: {  	s9 =	sadd.s32 s9, s14;
	s10 =	sadd.s32 s10, s14;
	s14 =	simm.s32 $0x6000  }
.LBB2_1:
0x13: {  	[tilespmem:s2], [sflag:$0x1] =	stream.linear.gather [hbm4b:s3+s2], $0x6000, $0x38;
	[tilespmem:$0x18080] =	vst v63  }
0x14: {  	_ = 	snop  }
0x15: {  	[tilespmem:s13], [sflag:$0x3] =	stream.linear.gather [hbm4b:s4+s2], $0x6000, $0x38;
	[tilespmem:$0x18080] =	vst v63  }
0x16: {  	_ = 	snop  }
0x17: {  	[tilespmem:s14], [sflag:$0x2] =	stream.linear.gather [hbm4b:s5+s2], $0x6000, $0x38;
	[tilespmem:$0x18080] =	vst v63  }
0x18: {  	_ = 	snop  }
0x19: {  	[tilespmem:s15], [sflag:$0x4] =	stream.linear.gather [hbm4b:s6+s2], $0x6000, $0x38;
	[tilespmem:$0x18080] =	vst v63  }
0x1a: {  	_ =	swait.ge [sflag:s16], $0x6000  }
0x1b: {  	[sflag:s16] =	ssyncset.done $0x0  }
0x1c: {  	[sflag:s16] =	ssyncadd.s32 $0xFFFFA000  }
0x1d: {  	_ =	swait.ge [sflag:s17], $0x6000  }
0x1e: {  	s23 =	sand.u32 $0x70, s2;
	s24 =	sand.u32 $0x1C00, s2;
	[sflag:s17] =	ssyncset.done $0x0  }
0x1f: {  	s23 =	sor.u32 s23, s24;
	[sflag:s17] =	ssyncadd.s32 $0xFFFFA000  }
0x20: {  	v0 =	vld [tilespmem:s23+$0x4200]  }
0x21: {  	v1 =	vld [tilespmem:s23+$0x10200]  }
0x22: {  	v2 =	vld [tilespmem:s23+$0x4280]  }
0x23: {  	v3 =	vld [tilespmem:s23+$0x10280]  }
0x24: {  	s24 =	sor.u32 s2, s2;
	v4 =	vld [tilespmem:s23+$0x4300]  }
0x25: {  	s25 =	sor.u32 $0x4380, s24;
	v5 =	vld [tilespmem:s23+$0x10300]  }
0x26: {  	v6 =	vld [tilespmem:s25+$0x0]  }
0x27: {  	v7 =	vld [tilespmem:s25+$0xC000]  }
0x28: {  	v8 =	vld [tilespmem:s23+$0x4000]  }
0x29: {  	v9 =	vld [tilespmem:s23+$0x10000]  }
0x2a: {  	v13 =	vld [tilespmem:s23+$0x4080]  }
0x2b: {  	v16 =	vld [tilespmem:s23+$0x10080]  }
0x2c: {  	v17 =	vld [tilespmem:s23+$0x4100]  }
0x2d: {  	v27 =	vld [tilespmem:s23+$0x10100]  }
0x2e: {  	v32 =	vld [tilespmem:s23+$0x4180]  }
0x2f: {  	v33 =	vld [tilespmem:s23+$0x10180]  }
0x30: {  	v34 =	vld [tilespmem:s23+$0x2200]  }
0x31: {  	v35 =	vld [tilespmem:s23+$0xE200]  }
0x32: {  	v36 =	vld [tilespmem:s23+$0x2280]  }
0x33: {  	v37 =	vld [tilespmem:s23+$0xE280]  }
0x34: {  	v38 =	vld [tilespmem:s23+$0x2300]  }
0x35: {  	s31 =	sor.u32 $0x2380, s24;
	v39 =	vld [tilespmem:s23+$0xE300]  }
0x36: {  	v40 =	vld [tilespmem:s31+$0x0]  }
0x37: {  	v41 =	vld [tilespmem:s31+$0xC000]  }
0x38: {  	v42 =	vld [tilespmem:s23+$0x2000]  }
0x39: {  	v43 =	vld [tilespmem:s23+$0xE000]  }
0x3a: {  	v18 =	vld [tilespmem:s23+$0x2080]  }
0x3b: {  	v20 =	vld [tilespmem:s23+$0xE080]  }
0x3c: {  	v21 =	vld [tilespmem:s23+$0x2100]  }
0x3d: {  	v23 =	vld [tilespmem:s23+$0xE100]  }
0x3e: {  	v19 =	vld [tilespmem:s23+$0x2180]  }
0x3f: {  	v22 =	vld [tilespmem:s23+$0xE180]  }
0x40: {  	v26 =	vld [tilespmem:s23+$0x200]  }
0x41: {  	v28 =	vld [tilespmem:s23+$0xC200]  }
0x42: {  	v24 =	vld [tilespmem:s23+$0x280]  }
0x43: {  	v25 =	vld [tilespmem:s23+$0xC280]  }
0x44: {  	v14 =	vld [tilespmem:s23+$0x300];
	v10 =	vsub.f32 v0, v1  }
0x45: {  	v15 =	vld [tilespmem:s23+$0xC300];
	v11 =	vsub.f32 v2, v3;
	v1 =	vsub.f32 v4, v5  }
0x46: {  	v29 =	vld [tilespmem:s23+$0x0];
	v12 =	vsub.f32 v8, v9;
	v0 =	vsub.f32 v6, v7  }
0x47: {  	v31 =	vld [tilespmem:s23+$0xC000];
	v13 =	vsub.f32 v13, v16;
	v3 =	vsub.f32 v17, v27  }
0x48: {  	v30 =	vld [tilespmem:s23+$0x80];
	v16 =	vsub.f32 v34, v35;
	v2 =	vsub.f32 v32, v33  }
0x49: {  	v32 =	vld [tilespmem:s23+$0xC080];
	v17 =	vsub.f32 v36, v37;
	v9 =	vsub.f32 v38, v39  }
0x4a: {  	v4 =	vimm.f32 $0.0e+00;
	v33 =	vld [tilespmem:s23+$0x100];
	v27 =	vsub.f32 v42, v43;
	v8 =	vsub.f32 v40, v41  }
0x4b: {  	s26 =	simm.s32 $0x0;
	s25 =	simm.s32 $0x10;
	v34 =	vld [tilespmem:s23+$0xC100];
	v7 =	vimm.f32 $0.0e+00;
	v6 =	vimm.f32 $0.0e+00;
	v5 =	vimm.f32 $0.0e+00  }
.LBB2_2:
0x4c: {  	p0 =	sne.s32 s25, $0x3F0;
	v35 =	vld [tilespmem:s23+$0x180];
	v18 =	vsub.f32 v18, v20;
	v20 =	vsub.f32 v21, v23  }
0x4d: {  	v23 =	vsub.f32 v26, v28;
	s24 =	sor.u32 $0x380, s24;
	v19 =	vsub.f32 v19, v22;
	s26 =	sadd.s32 $0x80, s26;
	v21 =	vld [tilespmem:s23+$0xC180]  }
0x4e: {  	v22 =	vsub.f32 v24, v25;
	v10 =	vmul.f32 v10, v10;
	v11 =	vmul.f32 v11, v11;
	s23 =	sand.u32 $0x70, s25;
	s28 =	sand.u32 $0x1C00, s26;
	v24 =	vld [tilespmem:s24+$0x0]  }
0x4f: {  	v25 =	vsub.f32 v29, v31;
	v12 =	vmul.f32 v12, v12;
	v13 =	vmul.f32 v13, v13;
	s23 =	sor.u32 s23, s28;
	v26 =	vld [tilespmem:s24+$0xC000]  }
0x50: {  	v16 =	vmul.f32 v16, v16;
	v17 =	vmul.f32 v17, v17;
	v28 =	vsub.f32 v30, v32;
	v29 =	vld [tilespmem:s23+$0x4200]  }
0x51: {  	v27 =	vmul.f32 v27, v27;
	v18 =	vmul.f32 v18, v18;
	v31 =	vsub.f32 v33, v34;
	v30 =	vld [tilespmem:s23+$0x10200]  }
0x52: {  	v23 =	vmul.f32 v23, v23;
	v22 =	vmul.f32 v22, v22;
	v32 =	vld [tilespmem:s23+$0x4280];
	v21 =	vsub.f32 v35, v21  }
0x53: {  	v14 =	vsub.f32 v14, v15;
	v25 =	vmul.f32 v25, v25;
	v28 =	vmul.f32 v28, v28;
	v33 =	vld [tilespmem:s23+$0x10280]  }
0x54: {  	s24 =	sor.u32 s25, s26;
	v15 =	vmul.f32 v31, v31;
	v34 =	vld [tilespmem:s23+$0x4300];
	v21 =	vmul.f32 v21, v21;
	v24 =	vsub.f32 v24, v26  }
0x55: {  	v14 =	vmul.f32 v14, v14;
	s28 =	sor.u32 $0x4380, s24;
	v4 =	vadd.f32 v25, v4;
	v7 =	vadd.f32 v28, v7;
	v31 =	vld [tilespmem:s23+$0x10300]  }
0x56: {  	v6 =	vadd.f32 v15, v6;
	v35 =	vld [tilespmem:s28+$0x0];
	v5 =	vadd.f32 v21, v5;
	v15 =	vmul.f32 v24, v24  }
0x57: {  	v20 =	vmul.f32 v20, v20;
	v4 =	vadd.f32 v23, v4;
	v7 =	vadd.f32 v22, v7;
	v36 =	vld [tilespmem:s28+$0xC000]  }
0x58: {  	v6 =	vadd.f32 v14, v6;
	v14 =	vmul.f32 v19, v19;
	v37 =	vld [tilespmem:s23+$0x4000];
	v5 =	vadd.f32 v15, v5  }
0x59: {  	v9 =	vmul.f32 v9, v9;
	v4 =	vadd.f32 v27, v4;
	v7 =	vadd.f32 v18, v7;
	v38 =	vld [tilespmem:s23+$0x10000]  }
0x5a: {  	v8 =	vmul.f32 v8, v8;
	v6 =	vadd.f32 v20, v6;
	v27 =	vld [tilespmem:s23+$0x4080];
	v5 =	vadd.f32 v14, v5  }
0x5b: {  	v3 =	vmul.f32 v3, v3;
	v4 =	vadd.f32 v16, v4;
	v7 =	vadd.f32 v17, v7;
	v39 =	vld [tilespmem:s23+$0x10080]  }
0x5c: {  	v2 =	vmul.f32 v2, v2;
	v6 =	vadd.f32 v9, v6;
	v16 =	vld [tilespmem:s23+$0x4100];
	v5 =	vadd.f32 v8, v5  }
0x5d: {  	v1 =	vmul.f32 v1, v1;
	v4 =	vadd.f32 v12, v4;
	v7 =	vadd.f32 v13, v7;
	v8 =	vld [tilespmem:s23+$0x10100]  }
0x5e: {  	v0 =	vmul.f32 v0, v0;
	v3 =	vadd.f32 v3, v6;
	v9 =	vld [tilespmem:s23+$0x4180];
	v2 =	vadd.f32 v2, v5  }
0x5f: {  	v4 =	vadd.f32 v10, v4;
	v7 =	vadd.f32 v11, v7;
	v17 =	vld [tilespmem:s23+$0x10180]  }
0x60: {  	v6 =	vadd.f32 v1, v3;
	v40 =	vld [tilespmem:s23+$0x2200];
	v5 =	vadd.f32 v0, v2  }
0x61: {  	v2 =	vld [tilespmem:s23+$0xE200]  }
0x62: {  	v41 =	vld [tilespmem:s23+$0x2280]  }
0x63: {  	v42 =	vld [tilespmem:s23+$0xE280]  }
0x64: {  	v43 =	vld [tilespmem:s23+$0x2300]  }
0x65: {  	s28 =	sor.u32 $0x2380, s24;
	v44 =	vld [tilespmem:s23+$0xE300]  }
0x66: {  	v45 =	vld [tilespmem:s28+$0x0]  }
0x67: {  	v46 =	vld [tilespmem:s28+$0xC000]  }
0x68: {  	v47 =	vld [tilespmem:s23+$0x2000]  }
0x69: {  	v48 =	vld [tilespmem:s23+$0xE000]  }
0x6a: {  	v18 =	vld [tilespmem:s23+$0x2080]  }
0x6b: {  	v20 =	vld [tilespmem:s23+$0xE080]  }
0x6c: {  	v21 =	vld [tilespmem:s23+$0x2100]  }
0x6d: {  	v23 =	vld [tilespmem:s23+$0xE100]  }
0x6e: {  	v19 =	vld [tilespmem:s23+$0x2180]  }
0x6f: {  	v22 =	vld [tilespmem:s23+$0xE180]  }
0x70: {  	v26 =	vld [tilespmem:s23+$0x200]  }
0x71: {  	v28 =	vld [tilespmem:s23+$0xC200]  }
0x72: {  	v24 =	vld [tilespmem:s23+$0x280]  }
0x73: {  	v25 =	vld [tilespmem:s23+$0xC280]  }
0x74: {  	v14 =	vld [tilespmem:s23+$0x300]  }
0x75: {  	v10 =	vsub.f32 v29, v30;
	v15 =	vld [tilespmem:s23+$0xC300]  }
0x76: {  	v11 =	vsub.f32 v32, v33;
	v1 =	vsub.f32 v34, v31;
	v29 =	vld [tilespmem:s23+$0x0]  }
.Ltmp0:
0x77: {  	v12 =	vsub.f32 v37, v38;
	v0 =	vsub.f32 v35, v36;
	v31 =	vld [tilespmem:s23+$0xC000];
	(pc) =	sbr.rel @p0 .LBB2_2-.Ltmp0, $4  }
0x78: {  	v13 =	vsub.f32 v27, v39;
	v3 =	vsub.f32 v16, v8;
	v30 =	vld [tilespmem:s23+$0x80]  }
0x79: {  	v16 =	vsub.f32 v40, v2;
	v2 =	vsub.f32 v9, v17;
	v32 =	vld [tilespmem:s23+$0xC080]  }
0x7a: {  	v17 =	vsub.f32 v41, v42;
	v9 =	vsub.f32 v43, v44;
	v33 =	vld [tilespmem:s23+$0x100]  }
0x7b: {  	s25 =	sadd.s32 $0x10, s25;
	v8 =	vsub.f32 v45, v46;
	v27 =	vsub.f32 v47, v48;
	v34 =	vld [tilespmem:s23+$0xC100]  }
0x7c: {  	v35 =	vld [tilespmem:s23+$0x180]  }
0x7d: {  	v36 =	vld [tilespmem:s23+$0xC180];
	s29 =	sor.u32 $0x380, s24  }
0x7e: {  	s23 =	simm.s32 $0x0;
	v37 =	vld [tilespmem:s29+$0x0]  }
0x7f: {  	v38 =	vld [tilespmem:s29+$0xC000];
	[tilespmem:s23], [sflag:$0x1] =	stream.linear.gather [hbm4b:s7+s23], $0x6000, $0x38  }
0x80: {  	_ = 	snop  }
0x81: {  	[tilespmem:s13], [sflag:$0x3] =	stream.linear.gather [hbm4b:s8+s23], $0x6000, $0x38;
	[tilespmem:$0x18080] =	vst v63  }
0x82: {  	_ =	swait.ge [sflag:s18], $0x6000  }
0x83: {  	[sflag:s18] =	ssyncset.done $0x0  }
0x84: {  	[sflag:s18] =	ssyncadd.s32 $0xFFFFA000  }
0x85: {  	_ =	swait.ge [sflag:s19], $0x6000  }
0x86: {  	s30 =	sand.u32 $0x70, s23;
	s25 =	sand.u32 $0x1C00, s23;
	[sflag:s19] =	ssyncset.done $0x0  }
0x87: {  	s24 =	sor.u32 s30, s25;
	[sflag:s19] =	ssyncadd.s32 $0xFFFFA000  }
0x88: {  	v39 =	vld [tilespmem:s24+$0xA200]  }
0x89: {  	v40 =	vld [tilespmem:s24+$0x16200]  }
0x8a: {  	v41 =	vld [tilespmem:s24+$0xA280]  }
0x8b: {  	v42 =	vld [tilespmem:s24+$0x16280]  }
0x8c: {  	s25 =	sor.u32 s23, s23;
	v43 =	vld [tilespmem:s24+$0xA300]  }
0x8d: {  	s26 =	sor.u32 $0x4380, s25;
	v44 =	vld [tilespmem:s24+$0x16300]  }
0x8e: {  	v45 =	vld [tilespmem:s26+$0x6000]  }
0x8f: {  	v46 =	vld [tilespmem:s26+$0x12000]  }
0x90: {  	v47 =	vld [tilespmem:s24+$0xA000]  }
0x91: {  	v48 =	vld [tilespmem:s24+$0x16000]  }
0x92: {  	v49 =	vld [tilespmem:s24+$0xA080]  }
0x93: {  	v50 =	vld [tilespmem:s24+$0x16080]  }
0x94: {  	v51 =	vld [tilespmem:s24+$0xA100]  }
0x95: {  	v52 =	vld [tilespmem:s24+$0x16100]  }
0x96: {  	v53 =	vld [tilespmem:s24+$0xA180]  }
0x97: {  	v54 =	vld [tilespmem:s24+$0x16180]  }
0x98: {  	v18 =	vsub.f32 v18, v20;
	v20 =	vsub.f32 v21, v23;
	v23 =	vld [tilespmem:s24+$0x8200]  }
0x99: {  	v21 =	vsub.f32 v26, v28;
	v19 =	vsub.f32 v19, v22;
	v22 =	vld [tilespmem:s24+$0x14200]  }
0x9a: {  	v24 =	vsub.f32 v24, v25;
	v25 =	vsub.f32 v29, v31;
	v28 =	vld [tilespmem:s24+$0x8280]  }
0x9b: {  	v14 =	vsub.f32 v14, v15;
	v29 =	vsub.f32 v33, v34;
	v34 =	vld [tilespmem:s24+$0x14280]  }
0x9c: {  	v16 =	vmul.f32 v16, v16;
	v26 =	vsub.f32 v30, v32;
	v25 =	vmul.f32 v25, v25;
	v60 =	vld [tilespmem:s24+$0x8300]  }
0x9d: {  	v21 =	vmul.f32 v21, v21;
	v14 =	vmul.f32 v14, v14;
	s31 =	sor.u32 $0x2380, s25;
	v61 =	vld [tilespmem:s24+$0x14300]  }
0x9e: {  	v15 =	vmul.f32 v26, v26;
	v26 =	vmul.f32 v29, v29;
	v62 =	vld [tilespmem:s31+$0x6000]  }
0x9f: {  	v18 =	vmul.f32 v18, v18;
	v4 =	vadd.f32 v25, v4;
	v30 =	vsub.f32 v35, v36;
	v63 =	vld [tilespmem:s31+$0x12000]  }
0xa0: {  	v7 =	vadd.f32 v15, v7;
	v15 =	vmul.f32 v24, v24;
	v6 =	vadd.f32 v26, v6;
	v55 =	vld [tilespmem:s24+$0x8000]  }
0xa1: {  	v29 =	vsub.f32 v37, v38;
	v4 =	vadd.f32 v21, v4;
	v21 =	vmul.f32 v27, v27;
	v56 =	vld [tilespmem:s24+$0x14000]  }
0xa2: {  	v30 =	vmul.f32 v30, v30;
	v7 =	vadd.f32 v15, v7;
	v6 =	vadd.f32 v14, v6;
	v14 =	vld [tilespmem:s24+$0x8080]  }
0xa3: {  	v17 =	vmul.f32 v17, v17;
	v9 =	vmul.f32 v9, v9;
	v4 =	vadd.f32 v21, v4;
	v15 =	vld [tilespmem:s24+$0x14080]  }
0xa4: {  	v24 =	vmul.f32 v29, v29;
	v5 =	vadd.f32 v30, v5;
	v7 =	vadd.f32 v18, v7;
	v18 =	vld [tilespmem:s24+$0x8100]  }
0xa5: {  	v12 =	vmul.f32 v12, v12;
	v20 =	vmul.f32 v20, v20;
	v21 =	vld [tilespmem:s24+$0x14180]  }
0xa6: {  	v19 =	vmul.f32 v19, v19;
	v4 =	vadd.f32 v16, v4;
	v26 =	vld [tilespmem:s24+$0x12200];
	v5 =	vadd.f32 v24, v5  }
0xa7: {  	v13 =	vmul.f32 v13, v13;
	v25 =	vld [tilespmem:s24+$0x6280];
	v6 =	vadd.f32 v20, v6;
	v7 =	vadd.f32 v17, v7  }
0xa8: {  	v8 =	vmul.f32 v8, v8;
	v27 =	vld [tilespmem:s24+$0x12280];
	v4 =	vadd.f32 v12, v4;
	v5 =	vadd.f32 v19, v5  }
0xa9: {  	v3 =	vmul.f32 v3, v3;
	v29 =	vld [tilespmem:s24+$0x6000];
	v6 =	vadd.f32 v9, v6;
	v7 =	vadd.f32 v13, v7  }
0xaa: {  	v31 =	vld [tilespmem:s24+$0x12000];
	v5 =	vadd.f32 v8, v5;
	v8 =	vmul.f32 v10, v10;
	v10 =	vsub.f32 v39, v40  }
0xab: {  	v30 =	vld [tilespmem:s24+$0x6080];
	v9 =	vmul.f32 v11, v11;
	v11 =	vsub.f32 v41, v42;
	v13 =	vsub.f32 v47, v48  }
0xac: {  	v2 =	vmul.f32 v2, v2;
	v32 =	vld [tilespmem:s24+$0x12080];
	v16 =	vsub.f32 v49, v50;
	v22 =	vsub.f32 v23, v22  }
0xad: {  	v33 =	vld [tilespmem:s24+$0x6100];
	v23 =	vsub.f32 v28, v34;
	v28 =	vsub.f32 v55, v56  }
0xae: {  	v24 =	vld [tilespmem:s24+$0x6200];
	v3 =	vadd.f32 v3, v6;
	v6 =	vadd.f32 v2, v5  }
0xaf: {  	v1 =	vmul.f32 v1, v1;
	v20 =	vld [tilespmem:s24+$0x14100];
	v4 =	vadd.f32 v8, v4;
	v5 =	vadd.f32 v9, v7  }
0xb0: {  	v0 =	vmul.f32 v0, v0;
	v19 =	vld [tilespmem:s24+$0x8180];
	v7 =	vsub.f32 v51, v52;
	v9 =	vsub.f32 v60, v61  }
0xb1: {  	v12 =	vld [tilespmem:s24+$0x6300];
	v8 =	vsub.f32 v62, v63;
	v2 =	vadd.f32 v1, v3  }
0xb2: {  	v17 =	vld [tilespmem:s24+$0x12300];
	v1 =	vsub.f32 v43, v44;
	v3 =	vadd.f32 v0, v6  }
0xb3: {  	s26 =	simm.s32 $0x10;
	v34 =	vld [tilespmem:s24+$0x12100];
	v0 =	vsub.f32 v45, v46;
	v6 =	vsub.f32 v53, v54  }
.LBB2_4:
0xb4: {  	p0 =	sne.s32 s26, $0x3F0;
	v35 =	vld [tilespmem:s24+$0x6180];
	v14 =	vsub.f32 v14, v15;
	v15 =	vsub.f32 v18, v20  }
0xb5: {  	v20 =	vsub.f32 v24, v26;
	s25 =	sor.u32 $0x380, s25;
	v19 =	vsub.f32 v19, v21;
	s23 =	sadd.s32 $0x80, s23;
	v18 =	vld [tilespmem:s24+$0x12180]  }
0xb6: {  	v21 =	vsub.f32 v25, v27;
	v10 =	vmul.f32 v10, v10;
	v11 =	vmul.f32 v11, v11;
	s24 =	sand.u32 $0x70, s26;
	s28 =	sand.u32 $0x1C00, s23;
	v24 =	vld [tilespmem:s25+$0x6000]  }
0xb7: {  	v25 =	vsub.f32 v29, v31;
	v13 =	vmul.f32 v13, v13;
	v16 =	vmul.f32 v16, v16;
	s24 =	sor.u32 s24, s28;
	v26 =	vld [tilespmem:s25+$0x12000]  }
0xb8: {  	v22 =	vmul.f32 v22, v22;
	v23 =	vmul.f32 v23, v23;
	v27 =	vsub.f32 v30, v32;
	v29 =	vld [tilespmem:s24+$0xA200]  }
0xb9: {  	v28 =	vmul.f32 v28, v28;
	v14 =	vmul.f32 v14, v14;
	v31 =	vsub.f32 v33, v34;
	v30 =	vld [tilespmem:s24+$0x16200]  }
0xba: {  	v20 =	vmul.f32 v20, v20;
	v21 =	vmul.f32 v21, v21;
	v32 =	vld [tilespmem:s24+$0xA280];
	v18 =	vsub.f32 v35, v18  }
0xbb: {  	v12 =	vsub.f32 v12, v17;
	v25 =	vmul.f32 v25, v25;
	v27 =	vmul.f32 v27, v27;
	v33 =	vld [tilespmem:s24+$0x16280]  }
0xbc: {  	s25 =	sor.u32 s26, s23;
	v17 =	vmul.f32 v31, v31;
	v34 =	vld [tilespmem:s24+$0xA300];
	v18 =	vmul.f32 v18, v18;
	v24 =	vsub.f32 v24, v26  }
0xbd: {  	v12 =	vmul.f32 v12, v12;
	s28 =	sor.u32 $0x4380, s25;
	v4 =	vadd.f32 v25, v4;
	v5 =	vadd.f32 v27, v5;
	v31 =	vld [tilespmem:s24+$0x16300]  }
0xbe: {  	v2 =	vadd.f32 v17, v2;
	v35 =	vld [tilespmem:s28+$0x6000];
	v3 =	vadd.f32 v18, v3;
	v17 =	vmul.f32 v24, v24  }
0xbf: {  	v15 =	vmul.f32 v15, v15;
	v4 =	vadd.f32 v20, v4;
	v5 =	vadd.f32 v21, v5;
	v36 =	vld [tilespmem:s28+$0x12000]  }
0xc0: {  	v2 =	vadd.f32 v12, v2;
	v12 =	vmul.f32 v19, v19;
	v37 =	vld [tilespmem:s24+$0xA000];
	v3 =	vadd.f32 v17, v3  }
0xc1: {  	v9 =	vmul.f32 v9, v9;
	v4 =	vadd.f32 v28, v4;
	v5 =	vadd.f32 v14, v5;
	v38 =	vld [tilespmem:s24+$0x16000]  }
0xc2: {  	v8 =	vmul.f32 v8, v8;
	v2 =	vadd.f32 v15, v2;
	v28 =	vld [tilespmem:s24+$0xA080];
	v3 =	vadd.f32 v12, v3  }
0xc3: {  	v7 =	vmul.f32 v7, v7;
	v4 =	vadd.f32 v22, v4;
	v5 =	vadd.f32 v23, v5;
	v39 =	vld [tilespmem:s24+$0x16080]  }
0xc4: {  	v6 =	vmul.f32 v6, v6;
	v2 =	vadd.f32 v9, v2;
	v22 =	vld [tilespmem:s24+$0xA100];
	v3 =	vadd.f32 v8, v3  }
0xc5: {  	v1 =	vmul.f32 v1, v1;
	v4 =	vadd.f32 v13, v4;
	v5 =	vadd.f32 v16, v5;
	v8 =	vld [tilespmem:s24+$0x16100]  }
0xc6: {  	v0 =	vmul.f32 v0, v0;
	v2 =	vadd.f32 v7, v2;
	v9 =	vld [tilespmem:s24+$0xA180];
	v3 =	vadd.f32 v6, v3  }
0xc7: {  	v4 =	vadd.f32 v10, v4;
	v5 =	vadd.f32 v11, v5;
	v6 =	vld [tilespmem:s24+$0x16180]  }
0xc8: {  	v2 =	vadd.f32 v1, v2;
	v23 =	vld [tilespmem:s24+$0x8200];
	v3 =	vadd.f32 v0, v3  }
0xc9: {  	v40 =	vld [tilespmem:s24+$0x14200]  }
0xca: {  	v41 =	vld [tilespmem:s24+$0x8280]  }
0xcb: {  	v42 =	vld [tilespmem:s24+$0x14280]  }
0xcc: {  	v43 =	vld [tilespmem:s24+$0x8300]  }
0xcd: {  	s28 =	sor.u32 $0x2380, s25;
	v44 =	vld [tilespmem:s24+$0x14300]  }
0xce: {  	v45 =	vld [tilespmem:s28+$0x6000]  }
0xcf: {  	v46 =	vld [tilespmem:s28+$0x12000]  }
0xd0: {  	v47 =	vld [tilespmem:s24+$0x8000]  }
0xd1: {  	v48 =	vld [tilespmem:s24+$0x14000]  }
0xd2: {  	v14 =	vld [tilespmem:s24+$0x8080]  }
0xd3: {  	v15 =	vld [tilespmem:s24+$0x14080]  }
0xd4: {  	v18 =	vld [tilespmem:s24+$0x8100]  }
0xd5: {  	v20 =	vld [tilespmem:s24+$0x14100]  }
0xd6: {  	v19 =	vld [tilespmem:s24+$0x8180]  }
0xd7: {  	v21 =	vld [tilespmem:s24+$0x14180]  }
0xd8: {  	v24 =	vld [tilespmem:s24+$0x6200]  }
0xd9: {  	v26 =	vld [tilespmem:s24+$0x12200]  }
0xda: {  	v25 =	vld [tilespmem:s24+$0x6280]  }
0xdb: {  	v27 =	vld [tilespmem:s24+$0x12280]  }
0xdc: {  	v12 =	vld [tilespmem:s24+$0x6300]  }
0xdd: {  	v10 =	vsub.f32 v29, v30;
	v17 =	vld [tilespmem:s24+$0x12300]  }
0xde: {  	v11 =	vsub.f32 v32, v33;
	v1 =	vsub.f32 v34, v31;
	v29 =	vld [tilespmem:s24+$0x6000]  }
.Ltmp1:
0xdf: {  	v13 =	vsub.f32 v37, v38;
	v0 =	vsub.f32 v35, v36;
	v31 =	vld [tilespmem:s24+$0x12000];
	(pc) =	sbr.rel @p0 .LBB2_4-.Ltmp1, $4  }
0xe0: {  	v16 =	vsub.f32 v28, v39;
	v7 =	vsub.f32 v22, v8;
	v30 =	vld [tilespmem:s24+$0x6080]  }
0xe1: {  	v6 =	vsub.f32 v9, v6;
	v22 =	vsub.f32 v23, v40;
	v32 =	vld [tilespmem:s24+$0x12080]  }
0xe2: {  	v23 =	vsub.f32 v41, v42;
	v9 =	vsub.f32 v43, v44;
	v33 =	vld [tilespmem:s24+$0x6100]  }
0xe3: {  	s26 =	sadd.s32 $0x10, s26;
	v8 =	vsub.f32 v45, v46;
	v28 =	vsub.f32 v47, v48;
	v34 =	vld [tilespmem:s24+$0x12100]  }
0xe4: {  	v35 =	vld [tilespmem:s24+$0x6180];
	s23 =	sor.u32 $0x380, s25  }
0xe5: {  	v37 =	vld [tilespmem:s23+$0x6000]  }
0xe6: {  	v38 =	vld [tilespmem:s23+$0x12000];
	s23 =	simm.s32 $0x0  }
0xe7: {  	v36 =	vld [tilespmem:s24+$0x12180];
	[tilespmem:s14], [sflag:$0x2] =	stream.linear.gather [hbm4b:s9+s23], $0x6000, $0x38  }
0xe8: {  	_ = 	snop  }
0xe9: {  	[tilespmem:s15], [sflag:$0x4] =	stream.linear.gather [hbm4b:s10+s23], $0x6000, $0x38;
	[tilespmem:$0x18080] =	vst v63  }
0xea: {  	_ =	swait.ge [sflag:s16], $0x6000  }
0xeb: {  	[sflag:s16] =	ssyncset.done $0x0  }
0xec: {  	[sflag:s16] =	ssyncadd.s32 $0xFFFFA000  }
0xed: {  	_ =	swait.ge [sflag:s17], $0x6000  }
0xee: {  	s29 =	sand.u32 $0x70, s23;
	s30 =	sand.u32 $0x1C00, s23;
	[sflag:s17] =	ssyncset.done $0x0  }
0xef: {  	s24 =	sor.u32 s29, s30;
	[sflag:s17] =	ssyncadd.s32 $0xFFFFA000  }
0xf0: {  	v39 =	vld [tilespmem:s24+$0x4200]  }
0xf1: {  	v40 =	vld [tilespmem:s24+$0x10200]  }
0xf2: {  	v41 =	vld [tilespmem:s24+$0x4280]  }
0xf3: {  	v42 =	vld [tilespmem:s24+$0x10280]  }
0xf4: {  	s25 =	sor.u32 s23, s23;
	v43 =	vld [tilespmem:s24+$0x4300]  }
0xf5: {  	s26 =	sor.u32 $0x4380, s25;
	v44 =	vld [tilespmem:s24+$0x10300]  }
0xf6: {  	v45 =	vld [tilespmem:s26+$0x0]  }
0xf7: {  	v46 =	vld [tilespmem:s26+$0xC000]  }
0xf8: {  	v47 =	vld [tilespmem:s24+$0x4000]  }
0xf9: {  	v48 =	vld [tilespmem:s24+$0x10000]  }
0xfa: {  	v49 =	vld [tilespmem:s24+$0x4080]  }
0xfb: {  	v50 =	vld [tilespmem:s24+$0x10080]  }
0xfc: {  	v51 =	vld [tilespmem:s24+$0x4100]  }
0xfd: {  	v52 =	vld [tilespmem:s24+$0x10100]  }
0xfe: {  	v53 =	vld [tilespmem:s24+$0x4180]  }
0xff: {  	v54 =	vld [tilespmem:s24+$0x10180]  }
0x100: {  	v14 =	vsub.f32 v14, v15;
	v55 =	vld [tilespmem:s24+$0x2200]  }
0x101: {  	v15 =	vsub.f32 v18, v20;
	v18 =	vsub.f32 v24, v26;
	v56 =	vld [tilespmem:s24+$0xE200]  }
0x102: {  	v19 =	vsub.f32 v19, v21;
	v21 =	vsub.f32 v29, v31;
	v57 =	vld [tilespmem:s24+$0x2280]  }
0x103: {  	v20 =	vsub.f32 v25, v27;
	v25 =	vsub.f32 v33, v34;
	v34 =	vld [tilespmem:s24+$0xE280]  }
0x104: {  	v24 =	vsub.f32 v30, v32;
	v21 =	vmul.f32 v21, v21;
	v60 =	vld [tilespmem:s24+$0x2300]  }
0x105: {  	v12 =	vsub.f32 v12, v17;
	v9 =	vmul.f32 v9, v9;
	v18 =	vmul.f32 v18, v18;
	s31 =	sor.u32 $0x2380, s25;
	v61 =	vld [tilespmem:s24+$0xE300]  }
0x106: {  	v17 =	vmul.f32 v24, v24;
	v4 =	vadd.f32 v21, v4;
	v24 =	vmul.f32 v25, v25;
	v62 =	vld [tilespmem:s31+$0x0]  }
0x107: {  	v12 =	vmul.f32 v12, v12;
	v26 =	vsub.f32 v35, v36;
	v25 =	vsub.f32 v37, v38;
	v63 =	vld [tilespmem:s31+$0xC000]  }
0x108: {  	v5 =	vadd.f32 v17, v5;
	v17 =	vmul.f32 v20, v20;
	v2 =	vadd.f32 v24, v2;
	v58 =	vld [tilespmem:s24+$0x2000]  }
0x109: {  	v4 =	vadd.f32 v18, v4;
	v18 =	vmul.f32 v28, v28;
	v26 =	vmul.f32 v26, v26;
	v28 =	vld [tilespmem:s24+$0xE000]  }
0x10a: {  	v14 =	vmul.f32 v14, v14;
	v20 =	vmul.f32 v25, v25;
	v2 =	vadd.f32 v12, v2;
	v12 =	vld [tilespmem:s24+$0x2080]  }
0x10b: {  	v5 =	vadd.f32 v17, v5;
	v17 =	vmul.f32 v15, v15;
	v3 =	vadd.f32 v26, v3;
	v15 =	vld [tilespmem:s24+$0xE080]  }
0x10c: {  	v13 =	vmul.f32 v13, v13;
	v19 =	vmul.f32 v19, v19;
	v4 =	vadd.f32 v18, v4;
	v18 =	vld [tilespmem:s24+$0x2100]  }
0x10d: {  	v5 =	vadd.f32 v14, v5;
	v14 =	vmul.f32 v22, v22;
	v3 =	vadd.f32 v20, v3;
	v20 =	vld [tilespmem:s24+$0xE100]  }
0x10e: {  	v7 =	vmul.f32 v7, v7;
	v21 =	vld [tilespmem:s24+$0xE180];
	v2 =	vadd.f32 v17, v2;
	v17 =	vmul.f32 v23, v23  }
0x10f: {  	v8 =	vmul.f32 v8, v8;
	v24 =	vld [tilespmem:s24+$0x200];
	v4 =	vadd.f32 v14, v4;
	v3 =	vadd.f32 v19, v3  }
0x110: {  	v26 =	vld [tilespmem:s24+$0xC200];
	v14 =	vmul.f32 v16, v16;
	v5 =	vadd.f32 v17, v5;
	v2 =	vadd.f32 v9, v2  }
0x111: {  	v25 =	vld [tilespmem:s24+$0x280];
	v4 =	vadd.f32 v13, v4;
	v3 =	vadd.f32 v8, v3  }
0x112: {  	v27 =	vld [tilespmem:s24+$0xC280];
	v9 =	vmul.f32 v11, v11;
	v5 =	vadd.f32 v14, v5;
	v2 =	vadd.f32 v7, v2  }
0x113: {  	v29 =	vld [tilespmem:s24+$0x0];
	v8 =	vmul.f32 v10, v10;
	v10 =	vsub.f32 v39, v40;
	v11 =	vsub.f32 v41, v42  }
0x114: {  	v31 =	vld [tilespmem:s24+$0xC000];
	v13 =	vsub.f32 v47, v48;
	v16 =	vsub.f32 v49, v50  }
0x115: {  	v6 =	vmul.f32 v6, v6;
	v30 =	vld [tilespmem:s24+$0x80];
	v7 =	vsub.f32 v51, v52;
	v22 =	vsub.f32 v55, v56  }
0x116: {  	v32 =	vld [tilespmem:s24+$0xC080];
	v23 =	vsub.f32 v57, v34;
	v28 =	vsub.f32 v58, v28  }
0x117: {  	v1 =	vmul.f32 v1, v1;
	v33 =	vld [tilespmem:s24+$0x100];
	v3 =	vadd.f32 v6, v3;
	v4 =	vadd.f32 v8, v4  }
0x118: {  	v19 =	vld [tilespmem:s24+$0x2180];
	v6 =	vsub.f32 v53, v54;
	v8 =	vsub.f32 v62, v63  }
0x119: {  	v0 =	vmul.f32 v0, v0;
	v17 =	vld [tilespmem:s24+$0xC300];
	v5 =	vadd.f32 v9, v5;
	v2 =	vadd.f32 v1, v2  }
0x11a: {  	v14 =	vld [tilespmem:s24+$0x300];
	v1 =	vsub.f32 v43, v44;
	v9 =	vsub.f32 v60, v61  }
0x11b: {  	s26 =	simm.s32 $0x10;
	v34 =	vld [tilespmem:s24+$0xC100];
	v3 =	vadd.f32 v0, v3;
	v0 =	vsub.f32 v45, v46  }
.LBB2_6:
0x11c: {  	p0 =	sne.s32 s26, $0x3F0;
	v35 =	vld [tilespmem:s24+$0x180];
	v12 =	vsub.f32 v12, v15;
	v15 =	vsub.f32 v18, v20  }
0x11d: {  	v20 =	vsub.f32 v24, v26;
	s25 =	sor.u32 $0x380, s25;
	v19 =	vsub.f32 v19, v21;
	s23 =	sadd.s32 $0x80, s23;
	v18 =	vld [tilespmem:s24+$0xC180]  }
0x11e: {  	v21 =	vsub.f32 v25, v27;
	v10 =	vmul.f32 v10, v10;
	v11 =	vmul.f32 v11, v11;
	s24 =	sand.u32 $0x70, s26;
	s28 =	sand.u32 $0x1C00, s23;
	v24 =	vld [tilespmem:s25+$0x0]  }
0x11f: {  	v25 =	vsub.f32 v29, v31;
	v13 =	vmul.f32 v13, v13;
	v16 =	vmul.f32 v16, v16;
	s24 =	sor.u32 s24, s28;
	v26 =	vld [tilespmem:s25+$0xC000]  }
0x120: {  	v22 =	vmul.f32 v22, v22;
	v23 =	vmul.f32 v23, v23;
	v27 =	vsub.f32 v30, v32;
	v29 =	vld [tilespmem:s24+$0x4200]  }
0x121: {  	v28 =	vmul.f32 v28, v28;
	v12 =	vmul.f32 v12, v12;
	v31 =	vsub.f32 v33, v34;
	v30 =	vld [tilespmem:s24+$0x10200]  }
0x122: {  	v20 =	vmul.f32 v20, v20;
	v21 =	vmul.f32 v21, v21;
	v32 =	vld [tilespmem:s24+$0x4280];
	v18 =	vsub.f32 v35, v18  }
0x123: {  	v14 =	vsub.f32 v14, v17;
	v25 =	vmul.f32 v25, v25;
	v27 =	vmul.f32 v27, v27;
	v33 =	vld [tilespmem:s24+$0x10280]  }
0x124: {  	s25 =	sor.u32 s26, s23;
	v17 =	vmul.f32 v31, v31;
	v34 =	vld [tilespmem:s24+$0x4300];
	v18 =	vmul.f32 v18, v18;
	v24 =	vsub.f32 v24, v26  }
0x125: {  	v14 =	vmul.f32 v14, v14;
	s28 =	sor.u32 $0x4380, s25;
	v4 =	vadd.f32 v25, v4;
	v5 =	vadd.f32 v27, v5;
	v31 =	vld [tilespmem:s24+$0x10300]  }
0x126: {  	v2 =	vadd.f32 v17, v2;
	v35 =	vld [tilespmem:s28+$0x0];
	v3 =	vadd.f32 v18, v3;
	v17 =	vmul.f32 v24, v24  }
0x127: {  	v15 =	vmul.f32 v15, v15;
	v4 =	vadd.f32 v20, v4;
	v5 =	vadd.f32 v21, v5;
	v36 =	vld [tilespmem:s28+$0xC000]  }
0x128: {  	v2 =	vadd.f32 v14, v2;
	v14 =	vmul.f32 v19, v19;
	v37 =	vld [tilespmem:s24+$0x4000];
	v3 =	vadd.f32 v17, v3  }
0x129: {  	v9 =	vmul.f32 v9, v9;
	v4 =	vadd.f32 v28, v4;
	v5 =	vadd.f32 v12, v5;
	v38 =	vld [tilespmem:s24+$0x10000]  }
0x12a: {  	v8 =	vmul.f32 v8, v8;
	v2 =	vadd.f32 v15, v2;
	v28 =	vld [tilespmem:s24+$0x4080];
	v3 =	vadd.f32 v14, v3  }
0x12b: {  	v7 =	vmul.f32 v7, v7;
	v4 =	vadd.f32 v22, v4;
	v5 =	vadd.f32 v23, v5;
	v39 =	vld [tilespmem:s24+$0x10080]  }
0x12c: {  	v6 =	vmul.f32 v6, v6;
	v2 =	vadd.f32 v9, v2;
	v22 =	vld [tilespmem:s24+$0x4100];
	v3 =	vadd.f32 v8, v3  }
0x12d: {  	v1 =	vmul.f32 v1, v1;
	v4 =	vadd.f32 v13, v4;
	v5 =	vadd.f32 v16, v5;
	v8 =	vld [tilespmem:s24+$0x10100]  }
0x12e: {  	v0 =	vmul.f32 v0, v0;
	v2 =	vadd.f32 v7, v2;
	v9 =	vld [tilespmem:s24+$0x4180];
	v3 =	vadd.f32 v6, v3  }
0x12f: {  	v4 =	vadd.f32 v10, v4;
	v5 =	vadd.f32 v11, v5;
	v6 =	vld [tilespmem:s24+$0x10180]  }
0x130: {  	v2 =	vadd.f32 v1, v2;
	v23 =	vld [tilespmem:s24+$0x2200];
	v3 =	vadd.f32 v0, v3  }
0x131: {  	v40 =	vld [tilespmem:s24+$0xE200]  }
0x132: {  	v41 =	vld [tilespmem:s24+$0x2280]  }
0x133: {  	v42 =	vld [tilespmem:s24+$0xE280]  }
0x134: {  	v43 =	vld [tilespmem:s24+$0x2300]  }
0x135: {  	s28 =	sor.u32 $0x2380, s25;
	v44 =	vld [tilespmem:s24+$0xE300]  }
0x136: {  	v45 =	vld [tilespmem:s28+$0x0]  }
0x137: {  	v46 =	vld [tilespmem:s28+$0xC000]  }
0x138: {  	v47 =	vld [tilespmem:s24+$0x2000]  }
0x139: {  	v48 =	vld [tilespmem:s24+$0xE000]  }
0x13a: {  	v12 =	vld [tilespmem:s24+$0x2080]  }
0x13b: {  	v15 =	vld [tilespmem:s24+$0xE080]  }
0x13c: {  	v18 =	vld [tilespmem:s24+$0x2100]  }
0x13d: {  	v20 =	vld [tilespmem:s24+$0xE100]  }
0x13e: {  	v19 =	vld [tilespmem:s24+$0x2180]  }
0x13f: {  	v21 =	vld [tilespmem:s24+$0xE180]  }
0x140: {  	v24 =	vld [tilespmem:s24+$0x200]  }
0x141: {  	v26 =	vld [tilespmem:s24+$0xC200]  }
0x142: {  	v25 =	vld [tilespmem:s24+$0x280]  }
0x143: {  	v27 =	vld [tilespmem:s24+$0xC280]  }
0x144: {  	v14 =	vld [tilespmem:s24+$0x300]  }
0x145: {  	v10 =	vsub.f32 v29, v30;
	v17 =	vld [tilespmem:s24+$0xC300]  }
0x146: {  	v11 =	vsub.f32 v32, v33;
	v1 =	vsub.f32 v34, v31;
	v29 =	vld [tilespmem:s24+$0x0]  }
.Ltmp2:
0x147: {  	v13 =	vsub.f32 v37, v38;
	v0 =	vsub.f32 v35, v36;
	v31 =	vld [tilespmem:s24+$0xC000];
	(pc) =	sbr.rel @p0 .LBB2_6-.Ltmp2, $4  }
0x148: {  	v16 =	vsub.f32 v28, v39;
	v7 =	vsub.f32 v22, v8;
	v30 =	vld [tilespmem:s24+$0x80]  }
0x149: {  	v6 =	vsub.f32 v9, v6;
	v22 =	vsub.f32 v23, v40;
	v32 =	vld [tilespmem:s24+$0xC080]  }
0x14a: {  	v23 =	vsub.f32 v41, v42;
	v9 =	vsub.f32 v43, v44;
	v33 =	vld [tilespmem:s24+$0x100]  }
0x14b: {  	s26 =	sadd.s32 $0x10, s26;
	v8 =	vsub.f32 v45, v46;
	v28 =	vsub.f32 v47, v48;
	v34 =	vld [tilespmem:s24+$0xC100]  }
0x14c: {  	v35 =	vld [tilespmem:s24+$0x180]  }
0x14d: {  	v36 =	vld [tilespmem:s24+$0xC180];
	s23 =	sor.u32 $0x380, s25  }
0x14e: {  	v37 =	vld [tilespmem:s23+$0x0]  }
0x14f: {  	v38 =	vld [tilespmem:s23+$0xC000];
	_ =	swait.ge [sflag:s18], $0x6000  }
0x150: {  	[sflag:s18] =	ssyncset.done $0x0  }
0x151: {  	[sflag:s18] =	ssyncadd.s32 $0xFFFFA000  }
0x152: {  	s23 =	simm.s32 $0x0;
	_ =	swait.ge [sflag:s19], $0x6000  }
0x153: {  	s29 =	sand.u32 $0x70, s23;
	s30 =	sand.u32 $0x1C00, s23;
	[sflag:s19] =	ssyncset.done $0x0  }
0x154: {  	s24 =	sor.u32 s29, s30;
	[sflag:s19] =	ssyncadd.s32 $0xFFFFA000  }
0x155: {  	v39 =	vld [tilespmem:s24+$0xA200]  }
0x156: {  	v40 =	vld [tilespmem:s24+$0x16200]  }
0x157: {  	v41 =	vld [tilespmem:s24+$0xA280]  }
0x158: {  	v42 =	vld [tilespmem:s24+$0x16280]  }
0x159: {  	s25 =	sor.u32 s23, s23;
	v43 =	vld [tilespmem:s24+$0xA300]  }
0x15a: {  	s26 =	sor.u32 $0x4380, s25;
	v44 =	vld [tilespmem:s24+$0x16300]  }
0x15b: {  	v45 =	vld [tilespmem:s26+$0x6000]  }
0x15c: {  	v46 =	vld [tilespmem:s26+$0x12000]  }
0x15d: {  	v47 =	vld [tilespmem:s24+$0xA000]  }
0x15e: {  	v48 =	vld [tilespmem:s24+$0x16000]  }
0x15f: {  	v49 =	vld [tilespmem:s24+$0xA080]  }
0x160: {  	v50 =	vld [tilespmem:s24+$0x16080]  }
0x161: {  	v51 =	vld [tilespmem:s24+$0xA100]  }
0x162: {  	v52 =	vld [tilespmem:s24+$0x16100]  }
0x163: {  	v53 =	vld [tilespmem:s24+$0xA180]  }
0x164: {  	v54 =	vld [tilespmem:s24+$0x16180]  }
0x165: {  	v55 =	vld [tilespmem:s24+$0x8200]  }
0x166: {  	v12 =	vsub.f32 v12, v15;
	v15 =	vsub.f32 v18, v20;
	v56 =	vld [tilespmem:s24+$0x14200]  }
0x167: {  	v18 =	vsub.f32 v24, v26;
	v19 =	vsub.f32 v19, v21;
	v57 =	vld [tilespmem:s24+$0x8280]  }
0x168: {  	v21 =	vsub.f32 v29, v31;
	v24 =	vsub.f32 v30, v32;
	v32 =	vld [tilespmem:s24+$0x14280]  }
0x169: {  	v14 =	vsub.f32 v14, v17;
	v58 =	vld [tilespmem:s24+$0x8300]  }
0x16a: {  	v20 =	vsub.f32 v25, v27;
	v21 =	vmul.f32 v21, v21;
	v18 =	vmul.f32 v18, v18;
	s31 =	sor.u32 $0x2380, s25;
	v59 =	vld [tilespmem:s24+$0x14300]  }
0x16b: {  	v14 =	vmul.f32 v14, v14;
	v25 =	vsub.f32 v33, v34;
	v17 =	vmul.f32 v24, v24;
	v60 =	vld [tilespmem:s31+$0x6000]  }
0x16c: {  	v15 =	vmul.f32 v15, v15;
	v4 =	vadd.f32 v21, v4;
	v26 =	vsub.f32 v35, v36;
	v61 =	vld [tilespmem:s31+$0x12000]  }
0x16d: {  	v24 =	vmul.f32 v25, v25;
	v5 =	vadd.f32 v17, v5;
	v17 =	vmul.f32 v20, v20;
	v62 =	vld [tilespmem:s24+$0x8000]  }
0x16e: {  	v25 =	vsub.f32 v37, v38;
	v4 =	vadd.f32 v18, v4;
	v18 =	vmul.f32 v28, v28;
	v63 =	vld [tilespmem:s24+$0x14000]  }
0x16f: {  	v26 =	vmul.f32 v26, v26;
	v21 =	vld [tilespmem:s24+$0x12280];
	v2 =	vadd.f32 v24, v2;
	v5 =	vadd.f32 v17, v5  }
0x170: {  	v27 =	vld [tilespmem:s24+$0x12000];
	v17 =	vmul.f32 v12, v12;
	v4 =	vadd.f32 v18, v4;
	v18 =	vmul.f32 v22, v22  }
0x171: {  	v30 =	vld [tilespmem:s24+$0x12080];
	v20 =	vmul.f32 v25, v25;
	v3 =	vadd.f32 v26, v3;
	v2 =	vadd.f32 v14, v2  }
0x172: {  	v29 =	vld [tilespmem:s24+$0x6100];
	v5 =	vadd.f32 v17, v5;
	v4 =	vadd.f32 v18, v4  }
0x173: {  	v9 =	vmul.f32 v9, v9;
	v33 =	vld [tilespmem:s24+$0x12100];
	v3 =	vadd.f32 v20, v3;
	v2 =	vadd.f32 v15, v2  }
0x174: {  	v12 =	vld [tilespmem:s24+$0x8080];
	v20 =	vmul.f32 v23, v23;
	v23 =	vsub.f32 v39, v40;
	v26 =	vsub.f32 v41, v42  }
0x175: {  	v19 =	vmul.f32 v19, v19;
	v22 =	vld [tilespmem:s24+$0x6000];
	v25 =	vsub.f32 v47, v48;
	v28 =	vsub.f32 v49, v50  }
0x176: {  	v7 =	vmul.f32 v7, v7;
	v24 =	vld [tilespmem:s24+$0x6080];
	v31 =	vsub.f32 v55, v56;
	v32 =	vsub.f32 v57, v32  }
0x177: {  	v8 =	vmul.f32 v8, v8;
	v14 =	vld [tilespmem:s24+$0x14080];
	v34 =	vsub.f32 v62, v63;
	v3 =	vadd.f32 v19, v3  }
0x178: {  	v17 =	vld [tilespmem:s24+$0x14100];
	v19 =	vmul.f32 v13, v13;
	v5 =	vadd.f32 v20, v5;
	v20 =	vmul.f32 v16, v16  }
0x179: {  	v6 =	vmul.f32 v6, v6;
	v18 =	vld [tilespmem:s24+$0x6200];
	v2 =	vadd.f32 v9, v2;
	v3 =	vadd.f32 v8, v3  }
0x17a: {  	v15 =	vld [tilespmem:s24+$0x8100];
	v4 =	vadd.f32 v19, v4;
	v8 =	vmul.f32 v10, v10;
	v5 =	vadd.f32 v20, v5  }
0x17b: {  	v13 =	vld [tilespmem:s24+$0x8180];
	v9 =	vmul.f32 v11, v11;
	v2 =	vadd.f32 v7, v2;
	v7 =	vsub.f32 v51, v52  }
0x17c: {  	v1 =	vmul.f32 v1, v1;
	v16 =	vld [tilespmem:s24+$0x14180];
	v6 =	vadd.f32 v6, v3;
	v3 =	vadd.f32 v8, v4  }
0x17d: {  	v0 =	vmul.f32 v0, v0;
	v20 =	vld [tilespmem:s24+$0x12200];
	v5 =	vadd.f32 v9, v5;
	v9 =	vsub.f32 v58, v59  }
0x17e: {  	v19 =	vld [tilespmem:s24+$0x6280];
	v8 =	vsub.f32 v60, v61;
	v2 =	vadd.f32 v1, v2  }
0x17f: {  	v11 =	vld [tilespmem:s24+$0x12300];
	v1 =	vsub.f32 v43, v44;
	v4 =	vadd.f32 v0, v6  }
0x180: {  	s26 =	simm.s32 $0x10;
	v10 =	vld [tilespmem:s24+$0x6300];
	v0 =	vsub.f32 v45, v46;
	v6 =	vsub.f32 v53, v54  }
.LBB2_8:
0x181: {  	p0 =	sne.s32 s26, $0x3F0;
	v35 =	vld [tilespmem:s24+$0x6180];
	v12 =	vsub.f32 v12, v14;
	v14 =	vsub.f32 v15, v17  }
0x182: {  	v17 =	vsub.f32 v18, v20;
	s25 =	sor.u32 $0x380, s25;
	v13 =	vsub.f32 v13, v16;
	s23 =	sadd.s32 $0x80, s23;
	v15 =	vld [tilespmem:s24+$0x12180]  }
0x183: {  	v16 =	vsub.f32 v19, v21;
	v19 =	vmul.f32 v23, v23;
	v20 =	vmul.f32 v26, v26;
	s24 =	sand.u32 $0x70, s26;
	s28 =	sand.u32 $0x1C00, s23;
	v18 =	vld [tilespmem:s25+$0x6000]  }
0x184: {  	v21 =	vsub.f32 v22, v27;
	v23 =	vmul.f32 v25, v25;
	v25 =	vmul.f32 v28, v28;
	s24 =	sor.u32 s24, s28;
	v22 =	vld [tilespmem:s25+$0x12000]  }
0x185: {  	v27 =	vmul.f32 v31, v31;
	v28 =	vmul.f32 v32, v32;
	v24 =	vsub.f32 v24, v30;
	v26 =	vld [tilespmem:s24+$0xA200]  }
0x186: {  	v31 =	vmul.f32 v34, v34;
	v12 =	vmul.f32 v12, v12;
	v29 =	vsub.f32 v29, v33;
	v30 =	vld [tilespmem:s24+$0x16200]  }
0x187: {  	v17 =	vmul.f32 v17, v17;
	v16 =	vmul.f32 v16, v16;
	v32 =	vld [tilespmem:s24+$0xA280];
	v15 =	vsub.f32 v35, v15  }
0x188: {  	v10 =	vsub.f32 v10, v11;
	v21 =	vmul.f32 v21, v21;
	v24 =	vmul.f32 v24, v24;
	v33 =	vld [tilespmem:s24+$0x16280]  }
0x189: {  	s25 =	sor.u32 s26, s23;
	v11 =	vmul.f32 v29, v29;
	v34 =	vld [tilespmem:s24+$0xA300];
	v15 =	vmul.f32 v15, v15;
	v18 =	vsub.f32 v18, v22  }
0x18a: {  	v10 =	vmul.f32 v10, v10;
	s28 =	sor.u32 $0x4380, s25;
	v3 =	vadd.f32 v21, v3;
	v5 =	vadd.f32 v24, v5;
	v29 =	vld [tilespmem:s24+$0x16300]  }
0x18b: {  	v2 =	vadd.f32 v11, v2;
	v24 =	vld [tilespmem:s28+$0x6000];
	v4 =	vadd.f32 v15, v4;
	v11 =	vmul.f32 v18, v18  }
0x18c: {  	v14 =	vmul.f32 v14, v14;
	v3 =	vadd.f32 v17, v3;
	v5 =	vadd.f32 v16, v5;
	v35 =	vld [tilespmem:s28+$0x12000]  }
0x18d: {  	v2 =	vadd.f32 v10, v2;
	v10 =	vmul.f32 v13, v13;
	v36 =	vld [tilespmem:s24+$0xA000];
	v4 =	vadd.f32 v11, v4  }
0x18e: {  	v9 =	vmul.f32 v9, v9;
	v3 =	vadd.f32 v31, v3;
	v5 =	vadd.f32 v12, v5;
	v37 =	vld [tilespmem:s24+$0x16000]  }
0x18f: {  	v8 =	vmul.f32 v8, v8;
	v2 =	vadd.f32 v14, v2;
	v31 =	vld [tilespmem:s24+$0xA080];
	v4 =	vadd.f32 v10, v4  }
0x190: {  	v7 =	vmul.f32 v7, v7;
	v3 =	vadd.f32 v27, v3;
	v5 =	vadd.f32 v28, v5;
	v38 =	vld [tilespmem:s24+$0x16080]  }
0x191: {  	v6 =	vmul.f32 v6, v6;
	v2 =	vadd.f32 v9, v2;
	v39 =	vld [tilespmem:s24+$0xA100];
	v4 =	vadd.f32 v8, v4  }
0x192: {  	v1 =	vmul.f32 v1, v1;
	v3 =	vadd.f32 v23, v3;
	v5 =	vadd.f32 v25, v5;
	v8 =	vld [tilespmem:s24+$0x16100]  }
0x193: {  	v0 =	vmul.f32 v0, v0;
	v2 =	vadd.f32 v7, v2;
	v9 =	vld [tilespmem:s24+$0xA180];
	v4 =	vadd.f32 v6, v4  }
0x194: {  	v3 =	vadd.f32 v19, v3;
	v5 =	vadd.f32 v20, v5;
	v6 =	vld [tilespmem:s24+$0x16180]  }
0x195: {  	v2 =	vadd.f32 v1, v2;
	v40 =	vld [tilespmem:s24+$0x8200];
	v4 =	vadd.f32 v0, v4  }
0x196: {  	v41 =	vld [tilespmem:s24+$0x14200]  }
0x197: {  	v42 =	vld [tilespmem:s24+$0x8280]  }
0x198: {  	v43 =	vld [tilespmem:s24+$0x14280]  }
0x199: {  	v44 =	vld [tilespmem:s24+$0x8300]  }
0x19a: {  	s28 =	sor.u32 $0x2380, s25;
	v45 =	vld [tilespmem:s24+$0x14300]  }
0x19b: {  	v46 =	vld [tilespmem:s28+$0x6000]  }
0x19c: {  	v47 =	vld [tilespmem:s28+$0x12000]  }
0x19d: {  	v48 =	vld [tilespmem:s24+$0x8000]  }
0x19e: {  	v49 =	vld [tilespmem:s24+$0x14000]  }
0x19f: {  	v12 =	vld [tilespmem:s24+$0x8080]  }
0x1a0: {  	v14 =	vld [tilespmem:s24+$0x14080]  }
0x1a1: {  	v15 =	vld [tilespmem:s24+$0x8100]  }
0x1a2: {  	v17 =	vld [tilespmem:s24+$0x14100]  }
0x1a3: {  	v13 =	vld [tilespmem:s24+$0x8180]  }
0x1a4: {  	v16 =	vld [tilespmem:s24+$0x14180]  }
0x1a5: {  	v18 =	vld [tilespmem:s24+$0x6200]  }
0x1a6: {  	v20 =	vld [tilespmem:s24+$0x12200]  }
0x1a7: {  	v19 =	vld [tilespmem:s24+$0x6280]  }
0x1a8: {  	v21 =	vld [tilespmem:s24+$0x12280]  }
0x1a9: {  	v10 =	vld [tilespmem:s24+$0x6300]  }
0x1aa: {  	v23 =	vsub.f32 v26, v30;
	v11 =	vld [tilespmem:s24+$0x12300]  }
0x1ab: {  	v26 =	vsub.f32 v32, v33;
	v1 =	vsub.f32 v34, v29;
	v22 =	vld [tilespmem:s24+$0x6000]  }
.Ltmp3:
0x1ac: {  	v25 =	vsub.f32 v36, v37;
	v0 =	vsub.f32 v24, v35;
	v27 =	vld [tilespmem:s24+$0x12000];
	(pc) =	sbr.rel @p0 .LBB2_8-.Ltmp3, $4  }
0x1ad: {  	v28 =	vsub.f32 v31, v38;
	v7 =	vsub.f32 v39, v8;
	v24 =	vld [tilespmem:s24+$0x6080]  }
0x1ae: {  	v6 =	vsub.f32 v9, v6;
	v31 =	vsub.f32 v40, v41;
	v30 =	vld [tilespmem:s24+$0x12080]  }
0x1af: {  	v32 =	vsub.f32 v42, v43;
	v9 =	vsub.f32 v44, v45;
	v29 =	vld [tilespmem:s24+$0x6100]  }
0x1b0: {  	s26 =	sadd.s32 $0x10, s26;
	v8 =	vsub.f32 v46, v47;
	v34 =	vsub.f32 v48, v49;
	v33 =	vld [tilespmem:s24+$0x12100]  }
0x1b1: {  	v35 =	vld [tilespmem:s24+$0x6180];
	v12 =	vsub.f32 v12, v14  }
0x1b2: {  	v45 =	vsub.f32 v15, v17;
	v46 =	vld [tilespmem:s24+$0x12180];
	v47 =	vsub.f32 v18, v20;
	s23 =	sor.u32 $0x380, s25;
	v50 =	vmul.f32 v23, v23  }
0x1b3: {  	v13 =	vsub.f32 v13, v16;
	v51 =	vmul.f32 v26, v26;
	v54 =	vmul.f32 v25, v25;
	v49 =	vld [tilespmem:s23+$0x6000]  }
0x1b4: {  	v48 =	vsub.f32 v19, v21;
	v55 =	vmul.f32 v28, v28;
	v56 =	vmul.f32 v31, v31;
	v53 =	vld [tilespmem:s23+$0x12000]  }
0x1b5: {  	v52 =	vsub.f32 v22, v27;
	v57 =	vmul.f32 v32, v32;
	v59 =	vmul.f32 v34, v34  }
0x1b6: {  	v24 =	vsub.f32 v24, v30;
	v12 =	vmul.f32 v12, v12;
	v17 =	vmul.f32 v47, v47  }
0x1b7: {  	v16 =	vmul.f32 v48, v48;
	v58 =	vsub.f32 v29, v33;
	v15 =	vsub.f32 v35, v46  }
0x1b8: {  	v10 =	vsub.f32 v10, v11;
	v21 =	vmul.f32 v52, v52;
	v24 =	vmul.f32 v24, v24  }
0x1b9: {  	v60 =	vmul.f32 v58, v58;
	v18 =	vsub.f32 v49, v53;
	v15 =	vmul.f32 v15, v15  }
0x1ba: {  	v10 =	vmul.f32 v10, v10;
	v3 =	vadd.f32 v21, v3;
	v5 =	vadd.f32 v24, v5  }
0x1bb: {  	v2 =	vadd.f32 v60, v2;
	v61 =	vmul.f32 v18, v18;
	v4 =	vadd.f32 v15, v4  }
0x1bc: {  	v14 =	vmul.f32 v45, v45;
	v3 =	vadd.f32 v17, v3;
	v5 =	vadd.f32 v16, v5  }
0x1bd: {  	v62 =	vmul.f32 v13, v13;
	v2 =	vadd.f32 v10, v2;
	v4 =	vadd.f32 v61, v4  }
0x1be: {  	v9 =	vmul.f32 v9, v9;
	v3 =	vadd.f32 v59, v3;
	v5 =	vadd.f32 v12, v5  }
0x1bf: {  	v8 =	vmul.f32 v8, v8;
	v2 =	vadd.f32 v14, v2;
	v4 =	vadd.f32 v62, v4  }
0x1c0: {  	v7 =	vmul.f32 v7, v7;
	v3 =	vadd.f32 v56, v3;
	v5 =	vadd.f32 v57, v5  }
0x1c1: {  	v6 =	vmul.f32 v6, v6;
	v2 =	vadd.f32 v9, v2;
	v4 =	vadd.f32 v8, v4  }
0x1c2: {  	v1 =	vmul.f32 v1, v1;
	v3 =	vadd.f32 v54, v3;
	v5 =	vadd.f32 v55, v5  }
0x1c3: {  	v0 =	vmul.f32 v0, v0;
	v2 =	vadd.f32 v7, v2;
	v4 =	vadd.f32 v6, v4  }
0x1c4: {  	v3 =	vadd.f32 v50, v3;
	v5 =	vadd.f32 v51, v5  }
0x1c5: {  	v1 =	vadd.f32 v1, v2;
	v0 =	vadd.f32 v0, v4;
	_ =	sdelay $0x1  }
0x1c6: {  	v63 =	vadd.f32 v5, v3;
	v0 =	vadd.f32 v0, v1;
	_ =	sdelay $0x1  }
0x1c7: {  	s22 =	sadd.s32 $0x1, s22;
	v0 =	vadd.f32 v0, v63  }
0x1c8: {  	p0 =	sne.s32 s22, s12  }
.Ltmp4:
0x1c9: {  	[tilespmem:$0x18000] =	vst v0;
	(pc) =	sbr.rel @p0 .LBB2_1-.Ltmp4, $4  }
0x1ca: {  	[hbm4b:s11+s2] =	stream.linear.scatter [tilespmem:s20], [sflag:$0x5], $0x80, $0x38;
	[tilespmem:$0x18080] =	vst v63  }
0x1cb: {  	_ =	swait.ge [sflag:s21], $0x80  }
0x1cc: {  	[sflag:s21] =	ssyncset.done $0x0  }
0x1cd: {  	[sflag:s21] =	ssyncadd.s32 $0xFFFFFF80  }
0x1ce: {  	_ =	sfence.sel $0x180000  }
0x1cf: {  	[bflag:$0x0] =	sbarrier.arrive $0xFFFF  }
0x1d0: {  	p0 =	sne.s32 s1, $0x0;
	_ =	strace $0x90000047  }
0x1d1: {  	s0 =	sadd.s32 @!p0 $0x100000, s0;
	[bflag:$0x2] =	sbarrier.arrive $0xFFFF  }
0x1d2: {  	[sflag:s0] =	ssyncadd.tile.s32 @!p0 $0x1;
	_ =	shalt  }
.Lfunc_end2:
_tile_overlayer_lowered:
.L_overlay_start_2:
0x1d3: {  	(tag) =	ssettag $0x2  }
0x1d4: {  	s0 =	rddreg [dreg:$0x0];
	s2 =	stileid.u32  }
0x1d5: {  	s1 =	rddreg [dreg:$0x1];
	p0 =	sne.s32 s2, $0x0  }
0x1d6: {  	s3 =	rddreg [dreg:$0x2];
	[bflag:$0x3] =	sbarrier.arrive $0xFFFF;
	s2 =	simm.s32 @!p0 $0x1C05  }
0x1d7: {  	[timem:s3], [sflag:s2] =	dma.local @!p0 [hbm:s0], s1  }
0x1d8: {  	s0 =	simm.s32 @!p0 $0x5  }
0x1d9: {  	_ =	swait.ge @!p0 [sflag:s0], s1  }
0x1da: {  	s1 =	ssub.s32 @!p0 $0x0, s1;
	[sflag:s0] =	ssyncset.done @!p0 $0x0  }
0x1db: {  	[sflag:s0] =	ssyncadd.s32 @!p0 s1  }
0x1dc: {  	[bflag:$0x3] =	sbarrier.arrive $0xFFFF  }
0x1dd: {  	_ =	shalt  }

</sc_bundles>
